<compile_context>
chip_gen: v7x
topology: tpu7x:2x2x1
jax: 0.10.2.dev20260603
libtpu: 0.0.44.dev20260713+nightly
codegen_flags: <defaults>
</compile_context>

<pallas_src>
import jax
import jax.numpy as jnp
from jax import lax
from jax.experimental import pallas as pl
from jax.experimental.pallas import tpu as pltpu
from jax.experimental.pallas import tpu_sc as plsc

_B = 4
_C = 96
_H = 224
_W = 224
_N = _H * _W
_P = 8
_BLK = 28
_K = 64
_KP = 32
_TN = _BLK * _W
_NT = _H // _BLK
_NB = _B * _NT
_TPS = 8


def _im2col(x):
    xp = jnp.pad(x, ((0, 0), (0, 0), (1, 1), (1, 1)))
    sl = [xp[:, :, dh:dh + _H, dw:dw + _W] for dh in range(3) for dw in range(3)]
    col = jnp.stack(sl, axis=-1)
    col = col.transpose(0, 2, 3, 1, 4).reshape(_B, _N, 27)
    return jnp.pad(col, ((0, 0), (0, 0), (0, _KP - 27)))


def _resp_body(col_ref, wt_ref, b_ref, out_ref):
    x = col_ref[0]
    f = jnp.dot(x, wt_ref[...], preferred_element_type=jnp.float32)
    f = jnp.maximum(f + b_ref[...], 0.0)
    out_ref[0] = lax.dot_general(
        jnp.ones((1, _C), jnp.float32), f,
        dimension_numbers=(((1,), (1,)), ((), ())),
        preferred_element_type=jnp.float32)


def _resp(colA, WfT, brow):
    return pl.pallas_call(
        _resp_body,
        grid=(_NB,),
        in_specs=[
            pl.BlockSpec((1, _TN, _KP), lambda g: (g // _NT, g % _NT, 0)),
            pl.BlockSpec((_KP, _C), lambda g: (0, 0)),
            pl.BlockSpec((1, _C), lambda g: (0, 0)),
        ],
        out_specs=pl.BlockSpec((1, 1, _TN), lambda g: (g, 0, 0)),
        out_shape=jax.ShapeDtypeStruct((_NB, 1, _TN), jnp.float32),
    )(colA, WfT, brow)


def _lane_gather(x, idx):
    dn = lax.GatherDimensionNumbers(
        offset_dims=(), collapsed_slice_dims=(0,), start_index_map=(0,))
    return lax.gather(x, idx[:, None], dn, slice_sizes=(1,),
                      mode=lax.GatherScatterMode.PROMISE_IN_BOUNDS)


def _fdiv(x, d):
    return ((x.astype(jnp.float32) + 0.5) * (1.0 / d)).astype(jnp.int32)


def _sel_body(resp_hbm, col_hbm, out_hbm, band, rows, outv, sem):
    wid = lax.axis_index("s") * 2 + lax.axis_index("c")
    lanes = lax.iota(jnp.int32, 16)
    b = wid >> 3
    p = wid & 7
    pltpu.sync_copy(resp_hbm.at[wid, 0], band)
    rc_l = []
    copies = []
    for q in range(_P):
        def rowbody(rr, carry, q=q):
            bv, bi = carry
            base = rr * _W + q * _BLK
            v0 = band[pl.ds(base, 16)]
            v1 = band[pl.ds(base + 12, 16)]
            i0 = rr * _BLK + lanes
            i1 = i0 + 12
            c0 = (v0 > bv) | ((v0 == bv) & (i0 < bi))
            bv = jnp.where(c0, v0, bv)
            bi = jnp.where(c0, i0, bi)
            c1 = (v1 > bv) | ((v1 == bv) & (i1 < bi))
            bv = jnp.where(c1, v1, bv)
            bi = jnp.where(c1, i1, bi)
            return bv, bi

        bv, bi = lax.fori_loop(0, _BLK, rowbody,
                               (jnp.full((16,), -jnp.inf, jnp.float32),
                                jnp.full((16,), 1 << 20, jnp.int32)))
        cv, ci = bv, bi
        for s in (8, 4, 2, 1):
            perm = (lanes + s) & 15
            ov = _lane_gather(cv, perm)
            oi = _lane_gather(ci, perm)
            take = (ov > cv) | ((ov == cv) & (oi < ci))
            cv = jnp.where(take, ov, cv)
            ci = jnp.where(take, oi, ci)
        qq = _fdiv(ci, _BLK)
        r = ci - qq * _BLK
        row = p * _BLK + qq
        col = q * _BLK + r
        gidx = b * _N + row * _W + col
        rc_l.append(jnp.where(lanes == 0, row.astype(jnp.float32),
                              jnp.where(lanes == 1, col.astype(jnp.float32),
                                        0.0)))
        copies.append(pltpu.make_async_copy(
            col_hbm.at[gidx[0]], rows.at[q], sem))
    for c in copies:
        c.start()
    for c in copies:
        c.wait()
    zero = jnp.zeros((16,), jnp.float32)
    for q in range(_P):
        outv[q, pl.ds(0, 16)] = rows[q, pl.ds(0, 16)]
        outv[q, pl.ds(16, 16)] = rows[q, pl.ds(16, 16)]
        outv[q, pl.ds(32, 16)] = rc_l[q]
        for c in range(3, 8):
            outv[q, pl.ds(c * 16, 16)] = zero
    pltpu.sync_copy(outv, out_hbm.at[pl.ds(wid * _TPS, _TPS)])


def _select_gather(resp3, col_flat):
    mesh = plsc.VectorSubcoreMesh(core_axis_name="c", subcore_axis_name="s")
    f = pl.kernel(
        _sel_body,
        mesh=mesh,
        out_type=jax.ShapeDtypeStruct((_B * _K, 128), jnp.float32),
        scratch_types=[
            pltpu.VMEM((_TN,), jnp.float32),
            pltpu.VMEM((_TPS, _KP), jnp.float32),
            pltpu.VMEM((_TPS, 128), jnp.float32),
            pltpu.SemaphoreType.DMA,
        ],
        compiler_params=pltpu.CompilerParams(
            use_tc_tiling_on_sc=True, needs_layout_passes=False),
    )
    return f(resp3, col_flat)


def _dist_body(col_ref, pT_ref, rA_ref, cA_ref, wt_ref, w96_ref, brow_ref,
               bcol_ref, dr_ref, dc_ref, mv_ref, descT, nA, rmin, ridx):
    nt = pl.program_id(1)

    @pl.when(nt == 0)
    def _():
        d = jnp.dot(w96_ref[...], pT_ref[0], preferred_element_type=jnp.float32)
        d = jnp.maximum(d + bcol_ref[...], 0.0)
        descT[...] = d
        nA[...] = jnp.sum(d * d, axis=0, keepdims=True)
        rmin[...] = jnp.full((1, _K), jnp.inf, jnp.float32)
        ridx[...] = jnp.zeros((1, _K), jnp.int32)

    x = col_ref[0]
    f = jnp.dot(x, wt_ref[...], preferred_element_type=jnp.float32)
    f = jnp.maximum(f + brow_ref[...], 0.0)
    dots = jnp.dot(f, descT[...], preferred_element_type=jnp.float32)
    nb = jnp.sum(f * f, axis=1, keepdims=True)
    dist = nb - 2.0 * dots
    tmin = jnp.min(dist, axis=0, keepdims=True)
    ii = lax.broadcasted_iota(jnp.int32, (_TN, _K), 0)
    targ = jnp.min(jnp.where(dist == tmin, ii, jnp.int32(_TN)),
                   axis=0, keepdims=True)
    better = tmin < rmin[...]
    ridx[...] = jnp.where(better, targ + nt * _TN, ridx[...])
    rmin[...] = jnp.where(better, tmin, rmin[...])

    @pl.when(nt == _NT - 1)
    def _():
        idx = ridx[...]
        rB = (idx // _W).astype(jnp.float32)
        cB = (idx % _W).astype(jnp.float32)
        dr_ref[0] = rA_ref[0] - rB
        dc_ref[0] = cA_ref[0] - cB
        mv_ref[0] = rmin[...] + nA[...]


def _dist(colB, pT, rA, cA, WfT, W96, brow, bcol):
    out3 = [jax.ShapeDtypeStruct((_B, 1, _K), jnp.float32)] * 3
    return pl.pallas_call(
        _dist_body,
        grid=(_B, _NT),
        in_specs=[
            pl.BlockSpec((1, _TN, _KP), lambda b, n: (b, n, 0)),
            pl.BlockSpec((1, _KP, _K), lambda b, n: (b, 0, 0)),
            pl.BlockSpec((1, 1, _K), lambda b, n: (b, 0, 0)),
            pl.BlockSpec((1, 1, _K), lambda b, n: (b, 0, 0)),
            pl.BlockSpec((_KP, _C), lambda b, n: (0, 0)),
            pl.BlockSpec((_C, _KP), lambda b, n: (0, 0)),
            pl.BlockSpec((1, _C), lambda b, n: (0, 0)),
            pl.BlockSpec((_C, 1), lambda b, n: (0, 0)),
        ],
        out_specs=[pl.BlockSpec((1, 1, _K), lambda b, n: (b, 0, 0))] * 3,
        out_shape=out3,
        scratch_shapes=[
            pltpu.VMEM((_C, _K), jnp.float32),
            pltpu.VMEM((1, _K), jnp.float32),
            pltpu.VMEM((1, _K), jnp.float32),
            pltpu.VMEM((1, _K), jnp.int32),
        ],
        compiler_params=pltpu.CompilerParams(
            dimension_semantics=("arbitrary", "arbitrary")),
    )(colB, pT, rA, cA, WfT, W96, brow, bcol)


@jax.jit
def kernel(xA, xB, Wc, bc):
    colA = _im2col(xA)
    colB = _im2col(xB)
    Wf = Wc.reshape(_C, 27)
    W96 = jnp.pad(Wf, ((0, 0), (0, _KP - 27)))
    WfT = W96.T
    brow = bc.reshape(1, _C)
    bcol = bc.reshape(_C, 1)

    resp3 = _resp(colA, WfT, brow)
    sel = _select_gather(resp3, colA.reshape(_B * _N, _KP))
    po = sel.reshape(_B, _K, 128)
    pT = po[:, :, :_KP].transpose(0, 2, 1)
    rA = po[:, :, 32].reshape(_B, 1, _K)
    cA = po[:, :, 33].reshape(_B, 1, _K)
    dr, dc, mv = _dist(colB, pT, rA, cA, WfT, W96, brow, bcol)
    return jnp.stack([dr[:, 0, :], dc[:, 0, :], mv[:, 0, :]], axis=-1)

# --- scband reference (transcript-rebuilt; emitter-appended) ---
"""Pipeline reference for scband-deep-stitch-49469433315386 (READ-ONLY COPY).

The authoritative reference and input builder live on the scoring server;
editing this copy changes nothing except your own understanding.
"""

import jax, jax.numpy as jnp
import numpy as np

B = 4
C_IN = 3
H = 224
WI = 224
C = 96
P = 8          # admp_channel
BLK = H // P   # 28
K = P * P      # 64 keypoints


def _backbone(x, Wc, bc):
    y = jax.lax.conv_general_dilated(
        x, Wc, window_strides=(1, 1), padding='SAME',
        dimension_numbers=('NCHW', 'OIHW', 'NCHW'))
    return jax.nn.relu(y + bc[None, :, None, None])


def setup_inputs(seed: int = 0) -> dict:
    key = jax.random.key(seed)
    k1, k2, k3, k4 = jax.random.split(key, 4)
    xA = jax.random.normal(k1, (B, C_IN, H, WI), dtype=jnp.float32)
    xB = jax.random.normal(k2, (B, C_IN, H, WI), dtype=jnp.float32)
    Wc = jax.random.normal(k3, (C, C_IN, 3, 3), dtype=jnp.float32) * 0.1
    bc = jax.random.normal(k4, (C,), dtype=jnp.float32) * 0.1
    return {"xA": xA, "xB": xB, "Wc": Wc, "bc": bc}


def reference(xA, xB, Wc, bc):
    fA = _backbone(xA, Wc, bc)   # [B, C, H, W]
    fB = _backbone(xB, Wc, bc)   # [B, C, H, W]

    # featureSelect: adaptive max pool (8x8) with indices over channel-summed response
    resp = fA.sum(axis=1)                                   # [B, H, W]
    blocks = resp.reshape(B, P, BLK, P, BLK)
    blocks = blocks.transpose(0, 1, 3, 2, 4).reshape(B, K, BLK * BLK)
    local = jnp.argmax(blocks, axis=2)                      # [B, K]
    br = jnp.arange(K) // P
    bcix = jnp.arange(K) % P
    row_A = br[None, :] * BLK + local // BLK                # [B, K]
    col_A = bcix[None, :] * BLK + local % BLK               # [B, K]
    flat_A = row_A * WI + col_A                             # [B, K]

    # gather keypoint descriptors from feature_A
    fA_flat = fA.reshape(B, C, H * WI)
    desc = jnp.take_along_axis(fA_flat, flat_A[:, None, :], axis=2)  # [B, C, K]
    desc = desc.transpose(0, 2, 1)                                   # [B, K, C]

    # exhaustive squared-L2 nearest-neighbor search over all locations of feature_B
    fB_flat = fB.reshape(B, C, H * WI)                      # [B, C, N]
    dots = jnp.einsum('bkc,bcn->bkn', desc, fB_flat)        # [B, K, N]
    nB = jnp.sum(fB_flat ** 2, axis=1)                      # [B, N]
    nA = jnp.sum(desc ** 2, axis=2)                         # [B, K]
    dist = nB[:, None, :] - 2.0 * dots + nA[:, :, None]     # [B, K, N]

    min_val = jnp.min(dist, axis=2)                         # [B, K]
    min_idx = jnp.argmin(dist, axis=2)                      # [B, K]
    row_B = min_idx // WI
    col_B = min_idx % WI
    drow = -(row_B - row_A).astype(jnp.float32)
    dcol = -(col_B - col_A).astype(jnp.float32)
    return jnp.stack([drow, dcol, min_val], axis=-1)        # [B, K, 3]

if __name__ == "__main__":
    import jax
    _d = setup_inputs()
    print(jax.jit(kernel)(*tuple(_d.values())))

</pallas_src>

<mosaic_0001>
#map = affine_map<(d0, d1) -> (0, 0, 0)>
#map1 = affine_map<(d0, d1) -> (0, 0)>
module attributes {stable_mosaic.version = 14 : i64} {
  func.func @_sel_body(%arg0: i32, %arg1: i32, %arg2: memref<32x1x6272xf32, #tpu.memory_space<hbm>>, %arg3: memref<200704x32xf32, #tpu.memory_space<hbm>>, %arg4: memref<256x128xf32, #tpu.memory_space<hbm>>, %arg5: memref<6272xf32, #tpu.memory_space<vmem>>, %arg6: memref<8x32xf32, #tpu.memory_space<vmem>>, %arg7: memref<8x128xf32, #tpu.memory_space<vmem>>, %arg8: memref<!tpu.dma_semaphore, #tpu.memory_space<semaphore_mem>>) attributes {dimension_semantics = [#tpu.dimension_semantics<core_parallel>, #tpu.dimension_semantics<subcore_parallel>], iteration_bounds = array<i64: 2, 16>, scalar_prefetch = 0 : i64, scratch_operands = 4 : i64, tpu.core_type = #tpu.core_type<sc_vector_subcore>, window_params = [{transform_indices = #map}, {transform_indices = #map1}, {transform_indices = #map1}]} {
    %mul3A = arith.constant 2 : i32
    %mul3A_0 = arith.muli %arg1, %mul3A : i32
    %add3A = arith.addi %mul3A_0, %arg0 : i32
    %iota3A = tpu.iota {dimensions = array<i32: 0>} : vector<16xi32>
    %shift_right_arithmetic3A = arith.constant 3 : i32
    %shift_right_arithmetic3A_1 = arith.shrsi %add3A, %shift_right_arithmetic3A : i32
    %and3A = arith.constant 7 : i32
    %and3A_2 = arith.andi %add3A, %and3A : i32
    %run_scoped3A = arith.constant 0 : i32
    "tpu.region"() ({
      %run_scoped3A_1534 = tpu.sem_alloc : memref<!tpu.dma_semaphore, #tpu.memory_space<semaphore_mem>>
      %dma_start3A_1535 = arith.constant 0 : i32
      %dma_start3A_1536 = tpu.memref_slice %arg2[%add3A, %run_scoped3A, %dma_start3A_1535] : memref<32x1x6272xf32, #tpu.memory_space<hbm>> -> memref<1x1x6272xf32, #tpu.memory_space<hbm>>
      %dma_start3A_1537 = tpu.memref_squeeze %dma_start3A_1536 : memref<1x1x6272xf32, #tpu.memory_space<hbm>> -> memref<6272xf32, #tpu.memory_space<hbm>>
      %dma_start3A_1538 = arith.constant 0 : i32
      %dma_start3A_1539 = tpu.memref_slice %arg2[%add3A, %run_scoped3A, %dma_start3A_1538] : memref<32x1x6272xf32, #tpu.memory_space<hbm>> -> memref<1x1x6272xf32, #tpu.memory_space<hbm>>
      %dma_start3A_1540 = tpu.memref_squeeze %dma_start3A_1539 : memref<1x1x6272xf32, #tpu.memory_space<hbm>> -> memref<6272xf32, #tpu.memory_space<hbm>>
      tpu.enqueue_dma source(%dma_start3A_1540 : memref<6272xf32, #tpu.memory_space<hbm>>) target(%arg5 : memref<6272xf32, #tpu.memory_space<vmem>>) target_semaphore(%run_scoped3A_1534 : memref<!tpu.dma_semaphore, #tpu.memory_space<semaphore_mem>>)
      %dma_wait3A_1541 = arith.constant 0 : i32
      %dma_wait3A_1542 = tpu.memref_slice %arg2[%add3A, %run_scoped3A, %dma_wait3A_1541] : memref<32x1x6272xf32, #tpu.memory_space<hbm>> -> memref<1x1x6272xf32, #tpu.memory_space<hbm>>
      %dma_wait3A_1543 = tpu.memref_squeeze %dma_wait3A_1542 : memref<1x1x6272xf32, #tpu.memory_space<hbm>> -> memref<6272xf32, #tpu.memory_space<hbm>>
      %dma_wait3A_1544 = arith.constant 0 : i32
      %dma_wait3A_1545 = tpu.memref_slice %arg2[%add3A, %run_scoped3A, %dma_wait3A_1544] : memref<32x1x6272xf32, #tpu.memory_space<hbm>> -> memref<1x1x6272xf32, #tpu.memory_space<hbm>>
      %dma_wait3A_1546 = tpu.memref_squeeze %dma_wait3A_1545 : memref<1x1x6272xf32, #tpu.memory_space<hbm>> -> memref<6272xf32, #tpu.memory_space<hbm>>
      tpu.wait_dma2 semaphore(%run_scoped3A_1534 : memref<!tpu.dma_semaphore, #tpu.memory_space<semaphore_mem>>) src(%dma_wait3A_1546 : memref<6272xf32, #tpu.memory_space<hbm>>) dst(%arg5 : memref<6272xf32, #tpu.memory_space<vmem>>)
      tpu.yield
    }) : () -> ()
    %broadcast_in_dim3A = arith.constant 0xFF800000 : f32
    %broadcast_in_dim3A_3 = vector.broadcast %broadcast_in_dim3A : f32 to vector<16xf32>
    %broadcast_in_dim3A_4 = arith.constant 1048576 : i32
    %broadcast_in_dim3A_5 = vector.broadcast %broadcast_in_dim3A_4 : i32 to vector<16xi32>
    %scan3A = arith.constant 0 : i32
    %scan3A_6 = arith.constant 28 : i32
    %scan3A_7 = arith.addi %scan3A, %scan3A_6 : i32
    %scan3A_8 = arith.constant 1 : i32
    %scan3A_9:2 = scf.for %scan3A_1534 = %scan3A to %scan3A_7 step %scan3A_8 iter_args(%scan3A_1535 = %broadcast_in_dim3A_3, %scan3A_1536 = %broadcast_in_dim3A_5) -> (vector<16xf32>, vector<16xi32>)  : i32 {
      %mul3A_1537 = arith.constant 224 : i32
      %mul3A_1538 = arith.muli %scan3A_1534, %mul3A_1537 : i32
      %add3A_1539 = arith.constant 0 : i32
      %add3A_1540 = arith.addi %mul3A_1538, %add3A_1539 : i32
      %get3A_1541 = arith.index_cast %add3A_1540 : i32 to index
      %get3A_1542 = tpu.vector_load %arg5[%get3A_1541] {strides = array<i32>} : memref<6272xf32, #tpu.memory_space<vmem>>, vector<16xf32>,
      %add3A_1543 = arith.constant 12 : i32
      %add3A_1544 = arith.addi %add3A_1540, %add3A_1543 : i32
      %get3A_1545 = arith.index_cast %add3A_1544 : i32 to index
      %get3A_1546 = tpu.vector_load %arg5[%get3A_1545] {strides = array<i32>} : memref<6272xf32, #tpu.memory_space<vmem>>, vector<16xf32>,
      %mul3A_1547 = arith.constant 28 : i32
      %mul3A_1548 = arith.muli %scan3A_1534, %mul3A_1547 : i32
      %add3A_1549 = vector.broadcast %mul3A_1548 : i32 to vector<16xi32>
      %add3A_1550 = arith.addi %add3A_1549, %iota3A : vector<16xi32>
      %add3A_1551 = arith.constant 12 : i32
      %add3A_1552 = vector.broadcast %add3A_1551 : i32 to vector<16xi32>
      %add3A_1553 = arith.addi %add3A_1550, %add3A_1552 : vector<16xi32>
      %gt3A_1554 = arith.cmpf ogt, %get3A_1542, %scan3A_1535 : vector<16xf32>
      %eq3A_1555 = arith.cmpf oeq, %get3A_1542, %scan3A_1535 : vector<16xf32>
      %lt3A_1556 = arith.cmpi slt, %add3A_1550, %scan3A_1536 : vector<16xi32>
      %and3A_1557 = arith.andi %eq3A_1555, %lt3A_1556 : vector<16xi1>
      %or3A_1558 = arith.ori %gt3A_1554, %and3A_1557 : vector<16xi1>
      %select_n3A_1559 = arith.select %or3A_1558, %get3A_1542, %scan3A_1535 : vector<16xi1>, vector<16xf32>
      %select_n3A_1560 = arith.select %or3A_1558, %add3A_1550, %scan3A_1536 : vector<16xi1>, vector<16xi32>
      %gt3A_1561 = arith.cmpf ogt, %get3A_1546, %select_n3A_1559 : vector<16xf32>
      %eq3A_1562 = arith.cmpf oeq, %get3A_1546, %select_n3A_1559 : vector<16xf32>
      %lt3A_1563 = arith.cmpi slt, %add3A_1553, %select_n3A_1560 : vector<16xi32>
      %and3A_1564 = arith.andi %eq3A_1562, %lt3A_1563 : vector<16xi1>
      %or3A_1565 = arith.ori %gt3A_1561, %and3A_1564 : vector<16xi1>
      %select_n3A_1566 = arith.select %or3A_1565, %get3A_1546, %select_n3A_1559 : vector<16xi1>, vector<16xf32>
      %select_n3A_1567 = arith.select %or3A_1565, %add3A_1553, %select_n3A_1560 : vector<16xi1>, vector<16xi32>
      scf.yield %select_n3A_1566, %select_n3A_1567 : vector<16xf32>, vector<16xi32>
    }
    %scan3A_10 = arith.constant 28 : i32
    %add3A_11 = arith.constant 8 : i32
    %add3A_12 = vector.broadcast %add3A_11 : i32 to vector<16xi32>
    %add3A_13 = arith.addi %iota3A, %add3A_12 : vector<16xi32>
    %and3A_14 = arith.constant 15 : i32
    %and3A_15 = vector.broadcast %and3A_14 : i32 to vector<16xi32>
    %and3A_16 = arith.andi %add3A_13, %and3A_15 : vector<16xi32>
    %broadcast_in_dim3A_17 = vector.shape_cast %and3A_16 : vector<16xi32> to vector<16x1xi32>
    %gather3A = vector.shape_cast %broadcast_in_dim3A_17 : vector<16x1xi32> to vector<16xi32>
    %gather3A_18 = tpu.dynamic_gather %scan3A_9#0[%gather3A] in [0] : vector<16xf32>, vector<16xi32> -> vector<16xf32>
    %broadcast_in_dim3A_19 = vector.shape_cast %and3A_16 : vector<16xi32> to vector<16x1xi32>
    %gather3A_20 = vector.shape_cast %broadcast_in_dim3A_19 : vector<16x1xi32> to vector<16xi32>
    %gather3A_21 = tpu.dynamic_gather %scan3A_9#1[%gather3A_20] in [0] : vector<16xi32>, vector<16xi32> -> vector<16xi32>
    %gt3A = arith.cmpf ogt, %gather3A_18, %scan3A_9#0 : vector<16xf32>
    %eq3A = arith.cmpf oeq, %gather3A_18, %scan3A_9#0 : vector<16xf32>
    %lt3A = arith.cmpi slt, %gather3A_21, %scan3A_9#1 : vector<16xi32>
    %and3A_22 = arith.andi %eq3A, %lt3A : vector<16xi1>
    %or3A = arith.ori %gt3A, %and3A_22 : vector<16xi1>
    %select_n3A = arith.select %or3A, %gather3A_18, %scan3A_9#0 : vector<16xi1>, vector<16xf32>
    %select_n3A_23 = arith.select %or3A, %gather3A_21, %scan3A_9#1 : vector<16xi1>, vector<16xi32>
    %add3A_24 = arith.constant 4 : i32
    %add3A_25 = vector.broadcast %add3A_24 : i32 to vector<16xi32>
    %add3A_26 = arith.addi %iota3A, %add3A_25 : vector<16xi32>
    %and3A_27 = arith.constant 15 : i32
    %and3A_28 = vector.broadcast %and3A_27 : i32 to vector<16xi32>
    %and3A_29 = arith.andi %add3A_26, %and3A_28 : vector<16xi32>
    %broadcast_in_dim3A_30 = vector.shape_cast %and3A_29 : vector<16xi32> to vector<16x1xi32>
    %gather3A_31 = vector.shape_cast %broadcast_in_dim3A_30 : vector<16x1xi32> to vector<16xi32>
    %gather3A_32 = tpu.dynamic_gather %select_n3A[%gather3A_31] in [0] : vector<16xf32>, vector<16xi32> -> vector<16xf32>
    %broadcast_in_dim3A_33 = vector.shape_cast %and3A_29 : vector<16xi32> to vector<16x1xi32>
    %gather3A_34 = vector.shape_cast %broadcast_in_dim3A_33 : vector<16x1xi32> to vector<16xi32>
    %gather3A_35 = tpu.dynamic_gather %select_n3A_23[%gather3A_34] in [0] : vector<16xi32>, vector<16xi32> -> vector<16xi32>
    %gt3A_36 = arith.cmpf ogt, %gather3A_32, %select_n3A : vector<16xf32>
    %eq3A_37 = arith.cmpf oeq, %gather3A_32, %select_n3A : vector<16xf32>
    %lt3A_38 = arith.cmpi slt, %gather3A_35, %select_n3A_23 : vector<16xi32>
    %and3A_39 = arith.andi %eq3A_37, %lt3A_38 : vector<16xi1>
    %or3A_40 = arith.ori %gt3A_36, %and3A_39 : vector<16xi1>
    %select_n3A_41 = arith.select %or3A_40, %gather3A_32, %select_n3A : vector<16xi1>, vector<16xf32>
    %select_n3A_42 = arith.select %or3A_40, %gather3A_35, %select_n3A_23 : vector<16xi1>, vector<16xi32>
    %add3A_43 = arith.constant 2 : i32
    %add3A_44 = vector.broadcast %add3A_43 : i32 to vector<16xi32>
    %add3A_45 = arith.addi %iota3A, %add3A_44 : vector<16xi32>
    %and3A_46 = arith.constant 15 : i32
    %and3A_47 = vector.broadcast %and3A_46 : i32 to vector<16xi32>
    %and3A_48 = arith.andi %add3A_45, %and3A_47 : vector<16xi32>
    %broadcast_in_dim3A_49 = vector.shape_cast %and3A_48 : vector<16xi32> to vector<16x1xi32>
    %gather3A_50 = vector.shape_cast %broadcast_in_dim3A_49 : vector<16x1xi32> to vector<16xi32>
    %gather3A_51 = tpu.dynamic_gather %select_n3A_41[%gather3A_50] in [0] : vector<16xf32>, vector<16xi32> -> vector<16xf32>
    %broadcast_in_dim3A_52 = vector.shape_cast %and3A_48 : vector<16xi32> to vector<16x1xi32>
    %gather3A_53 = vector.shape_cast %broadcast_in_dim3A_52 : vector<16x1xi32> to vector<16xi32>
    %gather3A_54 = tpu.dynamic_gather %select_n3A_42[%gather3A_53] in [0] : vector<16xi32>, vector<16xi32> -> vector<16xi32>
    %gt3A_55 = arith.cmpf ogt, %gather3A_51, %select_n3A_41 : vector<16xf32>
    %eq3A_56 = arith.cmpf oeq, %gather3A_51, %select_n3A_41 : vector<16xf32>
    %lt3A_57 = arith.cmpi slt, %gather3A_54, %select_n3A_42 : vector<16xi32>
    %and3A_58 = arith.andi %eq3A_56, %lt3A_57 : vector<16xi1>
    %or3A_59 = arith.ori %gt3A_55, %and3A_58 : vector<16xi1>
    %select_n3A_60 = arith.select %or3A_59, %gather3A_51, %select_n3A_41 : vector<16xi1>, vector<16xf32>
    %select_n3A_61 = arith.select %or3A_59, %gather3A_54, %select_n3A_42 : vector<16xi1>, vector<16xi32>
    %add3A_62 = arith.constant 1 : i32
    %add3A_63 = vector.broadcast %add3A_62 : i32 to vector<16xi32>
    %add3A_64 = arith.addi %iota3A, %add3A_63 : vector<16xi32>
    %and3A_65 = arith.constant 15 : i32
    %and3A_66 = vector.broadcast %and3A_65 : i32 to vector<16xi32>
    %and3A_67 = arith.andi %add3A_64, %and3A_66 : vector<16xi32>
    %broadcast_in_dim3A_68 = vector.shape_cast %and3A_67 : vector<16xi32> to vector<16x1xi32>
    %gather3A_69 = vector.shape_cast %broadcast_in_dim3A_68 : vector<16x1xi32> to vector<16xi32>
    %gather3A_70 = tpu.dynamic_gather %select_n3A_60[%gather3A_69] in [0] : vector<16xf32>, vector<16xi32> -> vector<16xf32>
    %broadcast_in_dim3A_71 = vector.shape_cast %and3A_67 : vector<16xi32> to vector<16x1xi32>
    %gather3A_72 = vector.shape_cast %broadcast_in_dim3A_71 : vector<16x1xi32> to vector<16xi32>
    %gather3A_73 = tpu.dynamic_gather %select_n3A_61[%gather3A_72] in [0] : vector<16xi32>, vector<16xi32> -> vector<16xi32>
    %gt3A_74 = arith.cmpf ogt, %gather3A_70, %select_n3A_60 : vector<16xf32>
    %eq3A_75 = arith.cmpf oeq, %gather3A_70, %select_n3A_60 : vector<16xf32>
    %lt3A_76 = arith.cmpi slt, %gather3A_73, %select_n3A_61 : vector<16xi32>
    %and3A_77 = arith.andi %eq3A_75, %lt3A_76 : vector<16xi1>
    %or3A_78 = arith.ori %gt3A_74, %and3A_77 : vector<16xi1>
    %select_n3A_79 = arith.select %or3A_78, %gather3A_70, %select_n3A_60 : vector<16xi1>, vector<16xf32>
    %select_n3A_80 = arith.select %or3A_78, %gather3A_73, %select_n3A_61 : vector<16xi1>, vector<16xi32>
    %convert_element_type3A = arith.sitofp %select_n3A_80 : vector<16xi32> to vector<16xf32>
    %add3A_81 = arith.constant 5.000000e-01 : f32
    %add3A_82 = vector.broadcast %add3A_81 : f32 to vector<16xf32>
    %add3A_83 = arith.addf %convert_element_type3A, %add3A_82 : vector<16xf32>
    %mul3A_84 = arith.constant 0.0357142873 : f32
    %mul3A_85 = vector.broadcast %mul3A_84 : f32 to vector<16xf32>
    %mul3A_86 = arith.mulf %add3A_83, %mul3A_85 : vector<16xf32>
    %convert_element_type3A_87 = arith.fptosi %mul3A_86 : vector<16xf32> to vector<16xi32>
    %mul3A_88 = arith.constant 28 : i32
    %mul3A_89 = vector.broadcast %mul3A_88 : i32 to vector<16xi32>
    %mul3A_90 = arith.muli %convert_element_type3A_87, %mul3A_89 : vector<16xi32>
    %sub3A = arith.subi %select_n3A_80, %mul3A_90 : vector<16xi32>
    %mul3A_91 = arith.constant 28 : i32
    %mul3A_92 = arith.muli %and3A_2, %mul3A_91 : i32
    %add3A_93 = vector.broadcast %mul3A_92 : i32 to vector<16xi32>
    %add3A_94 = arith.addi %add3A_93, %convert_element_type3A_87 : vector<16xi32>
    %add3A_95 = arith.constant 0 : i32
    %add3A_96 = vector.broadcast %add3A_95 : i32 to vector<16xi32>
    %add3A_97 = arith.addi %add3A_96, %sub3A : vector<16xi32>
    %mul3A_98 = arith.constant 50176 : i32
    %mul3A_99 = arith.muli %shift_right_arithmetic3A_1, %mul3A_98 : i32
    %mul3A_100 = arith.constant 224 : i32
    %mul3A_101 = vector.broadcast %mul3A_100 : i32 to vector<16xi32>
    %mul3A_102 = arith.muli %add3A_94, %mul3A_101 : vector<16xi32>
    %add3A_103 = vector.broadcast %mul3A_99 : i32 to vector<16xi32>
    %add3A_104 = arith.addi %add3A_103, %mul3A_102 : vector<16xi32>
    %add3A_105 = arith.addi %add3A_104, %add3A_97 : vector<16xi32>
    %eq3A_106 = arith.constant 0 : i32
    %eq3A_107 = vector.broadcast %eq3A_106 : i32 to vector<16xi32>
    %eq3A_108 = arith.cmpi eq, %iota3A, %eq3A_107 : vector<16xi32>
    %convert_element_type3A_109 = arith.sitofp %add3A_94 : vector<16xi32> to vector<16xf32>
    %eq3A_110 = arith.constant 1 : i32
    %eq3A_111 = vector.broadcast %eq3A_110 : i32 to vector<16xi32>
    %eq3A_112 = arith.cmpi eq, %iota3A, %eq3A_111 : vector<16xi32>
    %convert_element_type3A_113 = arith.sitofp %add3A_97 : vector<16xi32> to vector<16xf32>
    %jit3A = arith.constant 0.000000e+00 : f32
    %broadcast_in_dim3A_114 = vector.broadcast %jit3A : f32 to vector<16xf32>
    %select_n3A_115 = arith.select %eq3A_112, %convert_element_type3A_113, %broadcast_in_dim3A_114 : vector<16xi1>, vector<16xf32>
    %select_n3A_116 = arith.select %eq3A_108, %convert_element_type3A_109, %select_n3A_115 : vector<16xi1>, vector<16xf32>
    %slice3A = vector.extract_strided_slice %add3A_105 {offsets = [0], sizes = [1], strides = [1]} : vector<16xi32> to vector<1xi32>
    %squeeze3A = vector.extract %slice3A[0] : i32 from vector<1xi32>
    %broadcast_in_dim3A_117 = arith.constant 0xFF800000 : f32
    %broadcast_in_dim3A_118 = vector.broadcast %broadcast_in_dim3A_117 : f32 to vector<16xf32>
    %broadcast_in_dim3A_119 = arith.constant 1048576 : i32
    %broadcast_in_dim3A_120 = vector.broadcast %broadcast_in_dim3A_119 : i32 to vector<16xi32>
    %scan3A_121 = arith.constant 0 : i32
    %scan3A_122 = arith.constant 28 : i32
    %scan3A_123 = arith.addi %scan3A_121, %scan3A_122 : i32
    %scan3A_124 = arith.constant 1 : i32
    %scan3A_125:2 = scf.for %scan3A_1534 = %scan3A_121 to %scan3A_123 step %scan3A_124 iter_args(%scan3A_1535 = %broadcast_in_dim3A_118, %scan3A_1536 = %broadcast_in_dim3A_120) -> (vector<16xf32>, vector<16xi32>)  : i32 {
      %mul3A_1537 = arith.constant 224 : i32
      %mul3A_1538 = arith.muli %scan3A_1534, %mul3A_1537 : i32
      %add3A_1539 = arith.constant 28 : i32
      %add3A_1540 = arith.addi %mul3A_1538, %add3A_1539 : i32
      %get3A_1541 = arith.index_cast %add3A_1540 : i32 to index
      %get3A_1542 = tpu.vector_load %arg5[%get3A_1541] {strides = array<i32>} : memref<6272xf32, #tpu.memory_space<vmem>>, vector<16xf32>,
      %add3A_1543 = arith.constant 12 : i32
      %add3A_1544 = arith.addi %add3A_1540, %add3A_1543 : i32
      %get3A_1545 = arith.index_cast %add3A_1544 : i32 to index
      %get3A_1546 = tpu.vector_load %arg5[%get3A_1545] {strides = array<i32>} : memref<6272xf32, #tpu.memory_space<vmem>>, vector<16xf32>,
      %mul3A_1547 = arith.constant 28 : i32
      %mul3A_1548 = arith.muli %scan3A_1534, %mul3A_1547 : i32
      %add3A_1549 = vector.broadcast %mul3A_1548 : i32 to vector<16xi32>
      %add3A_1550 = arith.addi %add3A_1549, %iota3A : vector<16xi32>
      %add3A_1551 = arith.constant 12 : i32
      %add3A_1552 = vector.broadcast %add3A_1551 : i32 to vector<16xi32>
      %add3A_1553 = arith.addi %add3A_1550, %add3A_1552 : vector<16xi32>
      %gt3A_1554 = arith.cmpf ogt, %get3A_1542, %scan3A_1535 : vector<16xf32>
      %eq3A_1555 = arith.cmpf oeq, %get3A_1542, %scan3A_1535 : vector<16xf32>
      %lt3A_1556 = arith.cmpi slt, %add3A_1550, %scan3A_1536 : vector<16xi32>
      %and3A_1557 = arith.andi %eq3A_1555, %lt3A_1556 : vector<16xi1>
      %or3A_1558 = arith.ori %gt3A_1554, %and3A_1557 : vector<16xi1>
      %select_n3A_1559 = arith.select %or3A_1558, %get3A_1542, %scan3A_1535 : vector<16xi1>, vector<16xf32>
      %select_n3A_1560 = arith.select %or3A_1558, %add3A_1550, %scan3A_1536 : vector<16xi1>, vector<16xi32>
      %gt3A_1561 = arith.cmpf ogt, %get3A_1546, %select_n3A_1559 : vector<16xf32>
      %eq3A_1562 = arith.cmpf oeq, %get3A_1546, %select_n3A_1559 : vector<16xf32>
      %lt3A_1563 = arith.cmpi slt, %add3A_1553, %select_n3A_1560 : vector<16xi32>
      %and3A_1564 = arith.andi %eq3A_1562, %lt3A_1563 : vector<16xi1>
      %or3A_1565 = arith.ori %gt3A_1561, %and3A_1564 : vector<16xi1>
      %select_n3A_1566 = arith.select %or3A_1565, %get3A_1546, %select_n3A_1559 : vector<16xi1>, vector<16xf32>
      %select_n3A_1567 = arith.select %or3A_1565, %add3A_1553, %select_n3A_1560 : vector<16xi1>, vector<16xi32>
      scf.yield %select_n3A_1566, %select_n3A_1567 : vector<16xf32>, vector<16xi32>
    }
    %scan3A_126 = arith.constant 28 : i32
    %add3A_127 = arith.constant 8 : i32
    %add3A_128 = vector.broadcast %add3A_127 : i32 to vector<16xi32>
    %add3A_129 = arith.addi %iota3A, %add3A_128 : vector<16xi32>
    %and3A_130 = arith.constant 15 : i32
    %and3A_131 = vector.broadcast %and3A_130 : i32 to vector<16xi32>
    %and3A_132 = arith.andi %add3A_129, %and3A_131 : vector<16xi32>
    %broadcast_in_dim3A_133 = vector.shape_cast %and3A_132 : vector<16xi32> to vector<16x1xi32>
    %gather3A_134 = vector.shape_cast %broadcast_in_dim3A_133 : vector<16x1xi32> to vector<16xi32>
    %gather3A_135 = tpu.dynamic_gather %scan3A_125#0[%gather3A_134] in [0] : vector<16xf32>, vector<16xi32> -> vector<16xf32>
    %broadcast_in_dim3A_136 = vector.shape_cast %and3A_132 : vector<16xi32> to vector<16x1xi32>
    %gather3A_137 = vector.shape_cast %broadcast_in_dim3A_136 : vector<16x1xi32> to vector<16xi32>
    %gather3A_138 = tpu.dynamic_gather %scan3A_125#1[%gather3A_137] in [0] : vector<16xi32>, vector<16xi32> -> vector<16xi32>
    %gt3A_139 = arith.cmpf ogt, %gather3A_135, %scan3A_125#0 : vector<16xf32>
    %eq3A_140 = arith.cmpf oeq, %gather3A_135, %scan3A_125#0 : vector<16xf32>
    %lt3A_141 = arith.cmpi slt, %gather3A_138, %scan3A_125#1 : vector<16xi32>
    %and3A_142 = arith.andi %eq3A_140, %lt3A_141 : vector<16xi1>
    %or3A_143 = arith.ori %gt3A_139, %and3A_142 : vector<16xi1>
    %select_n3A_144 = arith.select %or3A_143, %gather3A_135, %scan3A_125#0 : vector<16xi1>, vector<16xf32>
    %select_n3A_145 = arith.select %or3A_143, %gather3A_138, %scan3A_125#1 : vector<16xi1>, vector<16xi32>
    %add3A_146 = arith.constant 4 : i32
    %add3A_147 = vector.broadcast %add3A_146 : i32 to vector<16xi32>
    %add3A_148 = arith.addi %iota3A, %add3A_147 : vector<16xi32>
    %and3A_149 = arith.constant 15 : i32
    %and3A_150 = vector.broadcast %and3A_149 : i32 to vector<16xi32>
    %and3A_151 = arith.andi %add3A_148, %and3A_150 : vector<16xi32>
    %broadcast_in_dim3A_152 = vector.shape_cast %and3A_151 : vector<16xi32> to vector<16x1xi32>
    %gather3A_153 = vector.shape_cast %broadcast_in_dim3A_152 : vector<16x1xi32> to vector<16xi32>
    %gather3A_154 = tpu.dynamic_gather %select_n3A_144[%gather3A_153] in [0] : vector<16xf32>, vector<16xi32> -> vector<16xf32>
    %broadcast_in_dim3A_155 = vector.shape_cast %and3A_151 : vector<16xi32> to vector<16x1xi32>
    %gather3A_156 = vector.shape_cast %broadcast_in_dim3A_155 : vector<16x1xi32> to vector<16xi32>
    %gather3A_157 = tpu.dynamic_gather %select_n3A_145[%gather3A_156] in [0] : vector<16xi32>, vector<16xi32> -> vector<16xi32>
    %gt3A_158 = arith.cmpf ogt, %gather3A_154, %select_n3A_144 : vector<16xf32>
    %eq3A_159 = arith.cmpf oeq, %gather3A_154, %select_n3A_144 : vector<16xf32>
    %lt3A_160 = arith.cmpi slt, %gather3A_157, %select_n3A_145 : vector<16xi32>
    %and3A_161 = arith.andi %eq3A_159, %lt3A_160 : vector<16xi1>
    %or3A_162 = arith.ori %gt3A_158, %and3A_161 : vector<16xi1>
    %select_n3A_163 = arith.select %or3A_162, %gather3A_154, %select_n3A_144 : vector<16xi1>, vector<16xf32>
    %select_n3A_164 = arith.select %or3A_162, %gather3A_157, %select_n3A_145 : vector<16xi1>, vector<16xi32>
    %add3A_165 = arith.constant 2 : i32
    %add3A_166 = vector.broadcast %add3A_165 : i32 to vector<16xi32>
    %add3A_167 = arith.addi %iota3A, %add3A_166 : vector<16xi32>
    %and3A_168 = arith.constant 15 : i32
    %and3A_169 = vector.broadcast %and3A_168 : i32 to vector<16xi32>
    %and3A_170 = arith.andi %add3A_167, %and3A_169 : vector<16xi32>
    %broadcast_in_dim3A_171 = vector.shape_cast %and3A_170 : vector<16xi32> to vector<16x1xi32>
    %gather3A_172 = vector.shape_cast %broadcast_in_dim3A_171 : vector<16x1xi32> to vector<16xi32>
    %gather3A_173 = tpu.dynamic_gather %select_n3A_163[%gather3A_172] in [0] : vector<16xf32>, vector<16xi32> -> vector<16xf32>
    %broadcast_in_dim3A_174 = vector.shape_cast %and3A_170 : vector<16xi32> to vector<16x1xi32>
    %gather3A_175 = vector.shape_cast %broadcast_in_dim3A_174 : vector<16x1xi32> to vector<16xi32>
    %gather3A_176 = tpu.dynamic_gather %select_n3A_164[%gather3A_175] in [0] : vector<16xi32>, vector<16xi32> -> vector<16xi32>
    %gt3A_177 = arith.cmpf ogt, %gather3A_173, %select_n3A_163 : vector<16xf32>
    %eq3A_178 = arith.cmpf oeq, %gather3A_173, %select_n3A_163 : vector<16xf32>
    %lt3A_179 = arith.cmpi slt, %gather3A_176, %select_n3A_164 : vector<16xi32>
    %and3A_180 = arith.andi %eq3A_178, %lt3A_179 : vector<16xi1>
    %or3A_181 = arith.ori %gt3A_177, %and3A_180 : vector<16xi1>
    %select_n3A_182 = arith.select %or3A_181, %gather3A_173, %select_n3A_163 : vector<16xi1>, vector<16xf32>
    %select_n3A_183 = arith.select %or3A_181, %gather3A_176, %select_n3A_164 : vector<16xi1>, vector<16xi32>
    %add3A_184 = arith.constant 1 : i32
    %add3A_185 = vector.broadcast %add3A_184 : i32 to vector<16xi32>
    %add3A_186 = arith.addi %iota3A, %add3A_185 : vector<16xi32>
    %and3A_187 = arith.constant 15 : i32
    %and3A_188 = vector.broadcast %and3A_187 : i32 to vector<16xi32>
    %and3A_189 = arith.andi %add3A_186, %and3A_188 : vector<16xi32>
    %broadcast_in_dim3A_190 = vector.shape_cast %and3A_189 : vector<16xi32> to vector<16x1xi32>
    %gather3A_191 = vector.shape_cast %broadcast_in_dim3A_190 : vector<16x1xi32> to vector<16xi32>
    %gather3A_192 = tpu.dynamic_gather %select_n3A_182[%gather3A_191] in [0] : vector<16xf32>, vector<16xi32> -> vector<16xf32>
    %broadcast_in_dim3A_193 = vector.shape_cast %and3A_189 : vector<16xi32> to vector<16x1xi32>
    %gather3A_194 = vector.shape_cast %broadcast_in_dim3A_193 : vector<16x1xi32> to vector<16xi32>
    %gather3A_195 = tpu.dynamic_gather %select_n3A_183[%gather3A_194] in [0] : vector<16xi32>, vector<16xi32> -> vector<16xi32>
    %gt3A_196 = arith.cmpf ogt, %gather3A_192, %select_n3A_182 : vector<16xf32>
    %eq3A_197 = arith.cmpf oeq, %gather3A_192, %select_n3A_182 : vector<16xf32>
    %lt3A_198 = arith.cmpi slt, %gather3A_195, %select_n3A_183 : vector<16xi32>
    %and3A_199 = arith.andi %eq3A_197, %lt3A_198 : vector<16xi1>
    %or3A_200 = arith.ori %gt3A_196, %and3A_199 : vector<16xi1>
    %select_n3A_201 = arith.select %or3A_200, %gather3A_192, %select_n3A_182 : vector<16xi1>, vector<16xf32>
    %select_n3A_202 = arith.select %or3A_200, %gather3A_195, %select_n3A_183 : vector<16xi1>, vector<16xi32>
    %convert_element_type3A_203 = arith.sitofp %select_n3A_202 : vector<16xi32> to vector<16xf32>
    %add3A_204 = arith.constant 5.000000e-01 : f32
    %add3A_205 = vector.broadcast %add3A_204 : f32 to vector<16xf32>
    %add3A_206 = arith.addf %convert_element_type3A_203, %add3A_205 : vector<16xf32>
    %mul3A_207 = arith.constant 0.0357142873 : f32
    %mul3A_208 = vector.broadcast %mul3A_207 : f32 to vector<16xf32>
    %mul3A_209 = arith.mulf %add3A_206, %mul3A_208 : vector<16xf32>
    %convert_element_type3A_210 = arith.fptosi %mul3A_209 : vector<16xf32> to vector<16xi32>
    %mul3A_211 = arith.constant 28 : i32
    %mul3A_212 = vector.broadcast %mul3A_211 : i32 to vector<16xi32>
    %mul3A_213 = arith.muli %convert_element_type3A_210, %mul3A_212 : vector<16xi32>
    %sub3A_214 = arith.subi %select_n3A_202, %mul3A_213 : vector<16xi32>
    %mul3A_215 = arith.constant 28 : i32
    %mul3A_216 = arith.muli %and3A_2, %mul3A_215 : i32
    %add3A_217 = vector.broadcast %mul3A_216 : i32 to vector<16xi32>
    %add3A_218 = arith.addi %add3A_217, %convert_element_type3A_210 : vector<16xi32>
    %add3A_219 = arith.constant 28 : i32
    %add3A_220 = vector.broadcast %add3A_219 : i32 to vector<16xi32>
    %add3A_221 = arith.addi %add3A_220, %sub3A_214 : vector<16xi32>
    %mul3A_222 = arith.constant 50176 : i32
    %mul3A_223 = arith.muli %shift_right_arithmetic3A_1, %mul3A_222 : i32
    %mul3A_224 = arith.constant 224 : i32
    %mul3A_225 = vector.broadcast %mul3A_224 : i32 to vector<16xi32>
    %mul3A_226 = arith.muli %add3A_218, %mul3A_225 : vector<16xi32>
    %add3A_227 = vector.broadcast %mul3A_223 : i32 to vector<16xi32>
    %add3A_228 = arith.addi %add3A_227, %mul3A_226 : vector<16xi32>
    %add3A_229 = arith.addi %add3A_228, %add3A_221 : vector<16xi32>
    %eq3A_230 = arith.constant 0 : i32
    %eq3A_231 = vector.broadcast %eq3A_230 : i32 to vector<16xi32>
    %eq3A_232 = arith.cmpi eq, %iota3A, %eq3A_231 : vector<16xi32>
    %convert_element_type3A_233 = arith.sitofp %add3A_218 : vector<16xi32> to vector<16xf32>
    %eq3A_234 = arith.constant 1 : i32
    %eq3A_235 = vector.broadcast %eq3A_234 : i32 to vector<16xi32>
    %eq3A_236 = arith.cmpi eq, %iota3A, %eq3A_235 : vector<16xi32>
    %convert_element_type3A_237 = arith.sitofp %add3A_221 : vector<16xi32> to vector<16xf32>
    %jit3A_238 = arith.constant 0.000000e+00 : f32
    %broadcast_in_dim3A_239 = vector.broadcast %jit3A_238 : f32 to vector<16xf32>
    %select_n3A_240 = arith.select %eq3A_236, %convert_element_type3A_237, %broadcast_in_dim3A_239 : vector<16xi1>, vector<16xf32>
    %select_n3A_241 = arith.select %eq3A_232, %convert_element_type3A_233, %select_n3A_240 : vector<16xi1>, vector<16xf32>
    %slice3A_242 = vector.extract_strided_slice %add3A_229 {offsets = [0], sizes = [1], strides = [1]} : vector<16xi32> to vector<1xi32>
    %squeeze3A_243 = vector.extract %slice3A_242[0] : i32 from vector<1xi32>
    %broadcast_in_dim3A_244 = arith.constant 0xFF800000 : f32
    %broadcast_in_dim3A_245 = vector.broadcast %broadcast_in_dim3A_244 : f32 to vector<16xf32>
    %broadcast_in_dim3A_246 = arith.constant 1048576 : i32
    %broadcast_in_dim3A_247 = vector.broadcast %broadcast_in_dim3A_246 : i32 to vector<16xi32>
    %scan3A_248 = arith.constant 0 : i32
    %scan3A_249 = arith.constant 28 : i32
    %scan3A_250 = arith.addi %scan3A_248, %scan3A_249 : i32
    %scan3A_251 = arith.constant 1 : i32
    %scan3A_252:2 = scf.for %scan3A_1534 = %scan3A_248 to %scan3A_250 step %scan3A_251 iter_args(%scan3A_1535 = %broadcast_in_dim3A_245, %scan3A_1536 = %broadcast_in_dim3A_247) -> (vector<16xf32>, vector<16xi32>)  : i32 {
      %mul3A_1537 = arith.constant 224 : i32
      %mul3A_1538 = arith.muli %scan3A_1534, %mul3A_1537 : i32
      %add3A_1539 = arith.constant 56 : i32
      %add3A_1540 = arith.addi %mul3A_1538, %add3A_1539 : i32
      %get3A_1541 = arith.index_cast %add3A_1540 : i32 to index
      %get3A_1542 = tpu.vector_load %arg5[%get3A_1541] {strides = array<i32>} : memref<6272xf32, #tpu.memory_space<vmem>>, vector<16xf32>,
      %add3A_1543 = arith.constant 12 : i32
      %add3A_1544 = arith.addi %add3A_1540, %add3A_1543 : i32
      %get3A_1545 = arith.index_cast %add3A_1544 : i32 to index
      %get3A_1546 = tpu.vector_load %arg5[%get3A_1545] {strides = array<i32>} : memref<6272xf32, #tpu.memory_space<vmem>>, vector<16xf32>,
      %mul3A_1547 = arith.constant 28 : i32
      %mul3A_1548 = arith.muli %scan3A_1534, %mul3A_1547 : i32
      %add3A_1549 = vector.broadcast %mul3A_1548 : i32 to vector<16xi32>
      %add3A_1550 = arith.addi %add3A_1549, %iota3A : vector<16xi32>
      %add3A_1551 = arith.constant 12 : i32
      %add3A_1552 = vector.broadcast %add3A_1551 : i32 to vector<16xi32>
      %add3A_1553 = arith.addi %add3A_1550, %add3A_1552 : vector<16xi32>
      %gt3A_1554 = arith.cmpf ogt, %get3A_1542, %scan3A_1535 : vector<16xf32>
      %eq3A_1555 = arith.cmpf oeq, %get3A_1542, %scan3A_1535 : vector<16xf32>
      %lt3A_1556 = arith.cmpi slt, %add3A_1550, %scan3A_1536 : vector<16xi32>
      %and3A_1557 = arith.andi %eq3A_1555, %lt3A_1556 : vector<16xi1>
      %or3A_1558 = arith.ori %gt3A_1554, %and3A_1557 : vector<16xi1>
      %select_n3A_1559 = arith.select %or3A_1558, %get3A_1542, %scan3A_1535 : vector<16xi1>, vector<16xf32>
      %select_n3A_1560 = arith.select %or3A_1558, %add3A_1550, %scan3A_1536 : vector<16xi1>, vector<16xi32>
      %gt3A_1561 = arith.cmpf ogt, %get3A_1546, %select_n3A_1559 : vector<16xf32>
      %eq3A_1562 = arith.cmpf oeq, %get3A_1546, %select_n3A_1559 : vector<16xf32>
      %lt3A_1563 = arith.cmpi slt, %add3A_1553, %select_n3A_1560 : vector<16xi32>
      %and3A_1564 = arith.andi %eq3A_1562, %lt3A_1563 : vector<16xi1>
      %or3A_1565 = arith.ori %gt3A_1561, %and3A_1564 : vector<16xi1>
      %select_n3A_1566 = arith.select %or3A_1565, %get3A_1546, %select_n3A_1559 : vector<16xi1>, vector<16xf32>
      %select_n3A_1567 = arith.select %or3A_1565, %add3A_1553, %select_n3A_1560 : vector<16xi1>, vector<16xi32>
      scf.yield %select_n3A_1566, %select_n3A_1567 : vector<16xf32>, vector<16xi32>
    }
    %scan3A_253 = arith.constant 28 : i32
    %add3A_254 = arith.constant 8 : i32
    %add3A_255 = vector.broadcast %add3A_254 : i32 to vector<16xi32>
    %add3A_256 = arith.addi %iota3A, %add3A_255 : vector<16xi32>
    %and3A_257 = arith.constant 15 : i32
    %and3A_258 = vector.broadcast %and3A_257 : i32 to vector<16xi32>
    %and3A_259 = arith.andi %add3A_256, %and3A_258 : vector<16xi32>
    %broadcast_in_dim3A_260 = vector.shape_cast %and3A_259 : vector<16xi32> to vector<16x1xi32>
    %gather3A_261 = vector.shape_cast %broadcast_in_dim3A_260 : vector<16x1xi32> to vector<16xi32>
    %gather3A_262 = tpu.dynamic_gather %scan3A_252#0[%gather3A_261] in [0] : vector<16xf32>, vector<16xi32> -> vector<16xf32>
    %broadcast_in_dim3A_263 = vector.shape_cast %and3A_259 : vector<16xi32> to vector<16x1xi32>
    %gather3A_264 = vector.shape_cast %broadcast_in_dim3A_263 : vector<16x1xi32> to vector<16xi32>
    %gather3A_265 = tpu.dynamic_gather %scan3A_252#1[%gather3A_264] in [0] : vector<16xi32>, vector<16xi32> -> vector<16xi32>
    %gt3A_266 = arith.cmpf ogt, %gather3A_262, %scan3A_252#0 : vector<16xf32>
    %eq3A_267 = arith.cmpf oeq, %gather3A_262, %scan3A_252#0 : vector<16xf32>
    %lt3A_268 = arith.cmpi slt, %gather3A_265, %scan3A_252#1 : vector<16xi32>
    %and3A_269 = arith.andi %eq3A_267, %lt3A_268 : vector<16xi1>
    %or3A_270 = arith.ori %gt3A_266, %and3A_269 : vector<16xi1>
    %select_n3A_271 = arith.select %or3A_270, %gather3A_262, %scan3A_252#0 : vector<16xi1>, vector<16xf32>
    %select_n3A_272 = arith.select %or3A_270, %gather3A_265, %scan3A_252#1 : vector<16xi1>, vector<16xi32>
    %add3A_273 = arith.constant 4 : i32
    %add3A_274 = vector.broadcast %add3A_273 : i32 to vector<16xi32>
    %add3A_275 = arith.addi %iota3A, %add3A_274 : vector<16xi32>
    %and3A_276 = arith.constant 15 : i32
    %and3A_277 = vector.broadcast %and3A_276 : i32 to vector<16xi32>
    %and3A_278 = arith.andi %add3A_275, %and3A_277 : vector<16xi32>
    %broadcast_in_dim3A_279 = vector.shape_cast %and3A_278 : vector<16xi32> to vector<16x1xi32>
    %gather3A_280 = vector.shape_cast %broadcast_in_dim3A_279 : vector<16x1xi32> to vector<16xi32>
    %gather3A_281 = tpu.dynamic_gather %select_n3A_271[%gather3A_280] in [0] : vector<16xf32>, vector<16xi32> -> vector<16xf32>
    %broadcast_in_dim3A_282 = vector.shape_cast %and3A_278 : vector<16xi32> to vector<16x1xi32>
    %gather3A_283 = vector.shape_cast %broadcast_in_dim3A_282 : vector<16x1xi32> to vector<16xi32>
    %gather3A_284 = tpu.dynamic_gather %select_n3A_272[%gather3A_283] in [0] : vector<16xi32>, vector<16xi32> -> vector<16xi32>
    %gt3A_285 = arith.cmpf ogt, %gather3A_281, %select_n3A_271 : vector<16xf32>
    %eq3A_286 = arith.cmpf oeq, %gather3A_281, %select_n3A_271 : vector<16xf32>
    %lt3A_287 = arith.cmpi slt, %gather3A_284, %select_n3A_272 : vector<16xi32>
    %and3A_288 = arith.andi %eq3A_286, %lt3A_287 : vector<16xi1>
    %or3A_289 = arith.ori %gt3A_285, %and3A_288 : vector<16xi1>
    %select_n3A_290 = arith.select %or3A_289, %gather3A_281, %select_n3A_271 : vector<16xi1>, vector<16xf32>
    %select_n3A_291 = arith.select %or3A_289, %gather3A_284, %select_n3A_272 : vector<16xi1>, vector<16xi32>
    %add3A_292 = arith.constant 2 : i32
    %add3A_293 = vector.broadcast %add3A_292 : i32 to vector<16xi32>
    %add3A_294 = arith.addi %iota3A, %add3A_293 : vector<16xi32>
    %and3A_295 = arith.constant 15 : i32
    %and3A_296 = vector.broadcast %and3A_295 : i32 to vector<16xi32>
    %and3A_297 = arith.andi %add3A_294, %and3A_296 : vector<16xi32>
    %broadcast_in_dim3A_298 = vector.shape_cast %and3A_297 : vector<16xi32> to vector<16x1xi32>
    %gather3A_299 = vector.shape_cast %broadcast_in_dim3A_298 : vector<16x1xi32> to vector<16xi32>
    %gather3A_300 = tpu.dynamic_gather %select_n3A_290[%gather3A_299] in [0] : vector<16xf32>, vector<16xi32> -> vector<16xf32>
    %broadcast_in_dim3A_301 = vector.shape_cast %and3A_297 : vector<16xi32> to vector<16x1xi32>
    %gather3A_302 = vector.shape_cast %broadcast_in_dim3A_301 : vector<16x1xi32> to vector<16xi32>
    %gather3A_303 = tpu.dynamic_gather %select_n3A_291[%gather3A_302] in [0] : vector<16xi32>, vector<16xi32> -> vector<16xi32>
    %gt3A_304 = arith.cmpf ogt, %gather3A_300, %select_n3A_290 : vector<16xf32>
    %eq3A_305 = arith.cmpf oeq, %gather3A_300, %select_n3A_290 : vector<16xf32>
    %lt3A_306 = arith.cmpi slt, %gather3A_303, %select_n3A_291 : vector<16xi32>
    %and3A_307 = arith.andi %eq3A_305, %lt3A_306 : vector<16xi1>
    %or3A_308 = arith.ori %gt3A_304, %and3A_307 : vector<16xi1>
    %select_n3A_309 = arith.select %or3A_308, %gather3A_300, %select_n3A_290 : vector<16xi1>, vector<16xf32>
    %select_n3A_310 = arith.select %or3A_308, %gather3A_303, %select_n3A_291 : vector<16xi1>, vector<16xi32>
    %add3A_311 = arith.constant 1 : i32
    %add3A_312 = vector.broadcast %add3A_311 : i32 to vector<16xi32>
    %add3A_313 = arith.addi %iota3A, %add3A_312 : vector<16xi32>
    %and3A_314 = arith.constant 15 : i32
    %and3A_315 = vector.broadcast %and3A_314 : i32 to vector<16xi32>
    %and3A_316 = arith.andi %add3A_313, %and3A_315 : vector<16xi32>
    %broadcast_in_dim3A_317 = vector.shape_cast %and3A_316 : vector<16xi32> to vector<16x1xi32>
    %gather3A_318 = vector.shape_cast %broadcast_in_dim3A_317 : vector<16x1xi32> to vector<16xi32>
    %gather3A_319 = tpu.dynamic_gather %select_n3A_309[%gather3A_318] in [0] : vector<16xf32>, vector<16xi32> -> vector<16xf32>
    %broadcast_in_dim3A_320 = vector.shape_cast %and3A_316 : vector<16xi32> to vector<16x1xi32>
    %gather3A_321 = vector.shape_cast %broadcast_in_dim3A_320 : vector<16x1xi32> to vector<16xi32>
    %gather3A_322 = tpu.dynamic_gather %select_n3A_310[%gather3A_321] in [0] : vector<16xi32>, vector<16xi32> -> vector<16xi32>
    %gt3A_323 = arith.cmpf ogt, %gather3A_319, %select_n3A_309 : vector<16xf32>
    %eq3A_324 = arith.cmpf oeq, %gather3A_319, %select_n3A_309 : vector<16xf32>
    %lt3A_325 = arith.cmpi slt, %gather3A_322, %select_n3A_310 : vector<16xi32>
    %and3A_326 = arith.andi %eq3A_324, %lt3A_325 : vector<16xi1>
    %or3A_327 = arith.ori %gt3A_323, %and3A_326 : vector<16xi1>
    %select_n3A_328 = arith.select %or3A_327, %gather3A_319, %select_n3A_309 : vector<16xi1>, vector<16xf32>
    %select_n3A_329 = arith.select %or3A_327, %gather3A_322, %select_n3A_310 : vector<16xi1>, vector<16xi32>
    %convert_element_type3A_330 = arith.sitofp %select_n3A_329 : vector<16xi32> to vector<16xf32>
    %add3A_331 = arith.constant 5.000000e-01 : f32
    %add3A_332 = vector.broadcast %add3A_331 : f32 to vector<16xf32>
    %add3A_333 = arith.addf %convert_element_type3A_330, %add3A_332 : vector<16xf32>
    %mul3A_334 = arith.constant 0.0357142873 : f32
    %mul3A_335 = vector.broadcast %mul3A_334 : f32 to vector<16xf32>
    %mul3A_336 = arith.mulf %add3A_333, %mul3A_335 : vector<16xf32>
    %convert_element_type3A_337 = arith.fptosi %mul3A_336 : vector<16xf32> to vector<16xi32>
    %mul3A_338 = arith.constant 28 : i32
    %mul3A_339 = vector.broadcast %mul3A_338 : i32 to vector<16xi32>
    %mul3A_340 = arith.muli %convert_element_type3A_337, %mul3A_339 : vector<16xi32>
    %sub3A_341 = arith.subi %select_n3A_329, %mul3A_340 : vector<16xi32>
    %mul3A_342 = arith.constant 28 : i32
    %mul3A_343 = arith.muli %and3A_2, %mul3A_342 : i32
    %add3A_344 = vector.broadcast %mul3A_343 : i32 to vector<16xi32>
    %add3A_345 = arith.addi %add3A_344, %convert_element_type3A_337 : vector<16xi32>
    %add3A_346 = arith.constant 56 : i32
    %add3A_347 = vector.broadcast %add3A_346 : i32 to vector<16xi32>
    %add3A_348 = arith.addi %add3A_347, %sub3A_341 : vector<16xi32>
    %mul3A_349 = arith.constant 50176 : i32
    %mul3A_350 = arith.muli %shift_right_arithmetic3A_1, %mul3A_349 : i32
    %mul3A_351 = arith.constant 224 : i32
    %mul3A_352 = vector.broadcast %mul3A_351 : i32 to vector<16xi32>
    %mul3A_353 = arith.muli %add3A_345, %mul3A_352 : vector<16xi32>
    %add3A_354 = vector.broadcast %mul3A_350 : i32 to vector<16xi32>
    %add3A_355 = arith.addi %add3A_354, %mul3A_353 : vector<16xi32>
    %add3A_356 = arith.addi %add3A_355, %add3A_348 : vector<16xi32>
    %eq3A_357 = arith.constant 0 : i32
    %eq3A_358 = vector.broadcast %eq3A_357 : i32 to vector<16xi32>
    %eq3A_359 = arith.cmpi eq, %iota3A, %eq3A_358 : vector<16xi32>
    %convert_element_type3A_360 = arith.sitofp %add3A_345 : vector<16xi32> to vector<16xf32>
    %eq3A_361 = arith.constant 1 : i32
    %eq3A_362 = vector.broadcast %eq3A_361 : i32 to vector<16xi32>
    %eq3A_363 = arith.cmpi eq, %iota3A, %eq3A_362 : vector<16xi32>
    %convert_element_type3A_364 = arith.sitofp %add3A_348 : vector<16xi32> to vector<16xf32>
    %jit3A_365 = arith.constant 0.000000e+00 : f32
    %broadcast_in_dim3A_366 = vector.broadcast %jit3A_365 : f32 to vector<16xf32>
    %select_n3A_367 = arith.select %eq3A_363, %convert_element_type3A_364, %broadcast_in_dim3A_366 : vector<16xi1>, vector<16xf32>
    %select_n3A_368 = arith.select %eq3A_359, %convert_element_type3A_360, %select_n3A_367 : vector<16xi1>, vector<16xf32>
    %slice3A_369 = vector.extract_strided_slice %add3A_356 {offsets = [0], sizes = [1], strides = [1]} : vector<16xi32> to vector<1xi32>
    %squeeze3A_370 = vector.extract %slice3A_369[0] : i32 from vector<1xi32>
    %broadcast_in_dim3A_371 = arith.constant 0xFF800000 : f32
    %broadcast_in_dim3A_372 = vector.broadcast %broadcast_in_dim3A_371 : f32 to vector<16xf32>
    %broadcast_in_dim3A_373 = arith.constant 1048576 : i32
    %broadcast_in_dim3A_374 = vector.broadcast %broadcast_in_dim3A_373 : i32 to vector<16xi32>
    %scan3A_375 = arith.constant 0 : i32
    %scan3A_376 = arith.constant 28 : i32
    %scan3A_377 = arith.addi %scan3A_375, %scan3A_376 : i32
    %scan3A_378 = arith.constant 1 : i32
    %scan3A_379:2 = scf.for %scan3A_1534 = %scan3A_375 to %scan3A_377 step %scan3A_378 iter_args(%scan3A_1535 = %broadcast_in_dim3A_372, %scan3A_1536 = %broadcast_in_dim3A_374) -> (vector<16xf32>, vector<16xi32>)  : i32 {
      %mul3A_1537 = arith.constant 224 : i32
      %mul3A_1538 = arith.muli %scan3A_1534, %mul3A_1537 : i32
      %add3A_1539 = arith.constant 84 : i32
      %add3A_1540 = arith.addi %mul3A_1538, %add3A_1539 : i32
      %get3A_1541 = arith.index_cast %add3A_1540 : i32 to index
      %get3A_1542 = tpu.vector_load %arg5[%get3A_1541] {strides = array<i32>} : memref<6272xf32, #tpu.memory_space<vmem>>, vector<16xf32>,
      %add3A_1543 = arith.constant 12 : i32
      %add3A_1544 = arith.addi %add3A_1540, %add3A_1543 : i32
      %get3A_1545 = arith.index_cast %add3A_1544 : i32 to index
      %get3A_1546 = tpu.vector_load %arg5[%get3A_1545] {strides = array<i32>} : memref<6272xf32, #tpu.memory_space<vmem>>, vector<16xf32>,
      %mul3A_1547 = arith.constant 28 : i32
      %mul3A_1548 = arith.muli %scan3A_1534, %mul3A_1547 : i32
      %add3A_1549 = vector.broadcast %mul3A_1548 : i32 to vector<16xi32>
      %add3A_1550 = arith.addi %add3A_1549, %iota3A : vector<16xi32>
      %add3A_1551 = arith.constant 12 : i32
      %add3A_1552 = vector.broadcast %add3A_1551 : i32 to vector<16xi32>
      %add3A_1553 = arith.addi %add3A_1550, %add3A_1552 : vector<16xi32>
      %gt3A_1554 = arith.cmpf ogt, %get3A_1542, %scan3A_1535 : vector<16xf32>
      %eq3A_1555 = arith.cmpf oeq, %get3A_1542, %scan3A_1535 : vector<16xf32>
      %lt3A_1556 = arith.cmpi slt, %add3A_1550, %scan3A_1536 : vector<16xi32>
      %and3A_1557 = arith.andi %eq3A_1555, %lt3A_1556 : vector<16xi1>
      %or3A_1558 = arith.ori %gt3A_1554, %and3A_1557 : vector<16xi1>
      %select_n3A_1559 = arith.select %or3A_1558, %get3A_1542, %scan3A_1535 : vector<16xi1>, vector<16xf32>
      %select_n3A_1560 = arith.select %or3A_1558, %add3A_1550, %scan3A_1536 : vector<16xi1>, vector<16xi32>
      %gt3A_1561 = arith.cmpf ogt, %get3A_1546, %select_n3A_1559 : vector<16xf32>
      %eq3A_1562 = arith.cmpf oeq, %get3A_1546, %select_n3A_1559 : vector<16xf32>
      %lt3A_1563 = arith.cmpi slt, %add3A_1553, %select_n3A_1560 : vector<16xi32>
      %and3A_1564 = arith.andi %eq3A_1562, %lt3A_1563 : vector<16xi1>
      %or3A_1565 = arith.ori %gt3A_1561, %and3A_1564 : vector<16xi1>
      %select_n3A_1566 = arith.select %or3A_1565, %get3A_1546, %select_n3A_1559 : vector<16xi1>, vector<16xf32>
      %select_n3A_1567 = arith.select %or3A_1565, %add3A_1553, %select_n3A_1560 : vector<16xi1>, vector<16xi32>
      scf.yield %select_n3A_1566, %select_n3A_1567 : vector<16xf32>, vector<16xi32>
    }
    %scan3A_380 = arith.constant 28 : i32
    %add3A_381 = arith.constant 8 : i32
    %add3A_382 = vector.broadcast %add3A_381 : i32 to vector<16xi32>
    %add3A_383 = arith.addi %iota3A, %add3A_382 : vector<16xi32>
    %and3A_384 = arith.constant 15 : i32
    %and3A_385 = vector.broadcast %and3A_384 : i32 to vector<16xi32>
    %and3A_386 = arith.andi %add3A_383, %and3A_385 : vector<16xi32>
    %broadcast_in_dim3A_387 = vector.shape_cast %and3A_386 : vector<16xi32> to vector<16x1xi32>
    %gather3A_388 = vector.shape_cast %broadcast_in_dim3A_387 : vector<16x1xi32> to vector<16xi32>
    %gather3A_389 = tpu.dynamic_gather %scan3A_379#0[%gather3A_388] in [0] : vector<16xf32>, vector<16xi32> -> vector<16xf32>
    %broadcast_in_dim3A_390 = vector.shape_cast %and3A_386 : vector<16xi32> to vector<16x1xi32>
    %gather3A_391 = vector.shape_cast %broadcast_in_dim3A_390 : vector<16x1xi32> to vector<16xi32>
    %gather3A_392 = tpu.dynamic_gather %scan3A_379#1[%gather3A_391] in [0] : vector<16xi32>, vector<16xi32> -> vector<16xi32>
    %gt3A_393 = arith.cmpf ogt, %gather3A_389, %scan3A_379#0 : vector<16xf32>
    %eq3A_394 = arith.cmpf oeq, %gather3A_389, %scan3A_379#0 : vector<16xf32>
    %lt3A_395 = arith.cmpi slt, %gather3A_392, %scan3A_379#1 : vector<16xi32>
    %and3A_396 = arith.andi %eq3A_394, %lt3A_395 : vector<16xi1>
    %or3A_397 = arith.ori %gt3A_393, %and3A_396 : vector<16xi1>
    %select_n3A_398 = arith.select %or3A_397, %gather3A_389, %scan3A_379#0 : vector<16xi1>, vector<16xf32>
    %select_n3A_399 = arith.select %or3A_397, %gather3A_392, %scan3A_379#1 : vector<16xi1>, vector<16xi32>
    %add3A_400 = arith.constant 4 : i32
    %add3A_401 = vector.broadcast %add3A_400 : i32 to vector<16xi32>
    %add3A_402 = arith.addi %iota3A, %add3A_401 : vector<16xi32>
    %and3A_403 = arith.constant 15 : i32
    %and3A_404 = vector.broadcast %and3A_403 : i32 to vector<16xi32>
    %and3A_405 = arith.andi %add3A_402, %and3A_404 : vector<16xi32>
    %broadcast_in_dim3A_406 = vector.shape_cast %and3A_405 : vector<16xi32> to vector<16x1xi32>
    %gather3A_407 = vector.shape_cast %broadcast_in_dim3A_406 : vector<16x1xi32> to vector<16xi32>
    %gather3A_408 = tpu.dynamic_gather %select_n3A_398[%gather3A_407] in [0] : vector<16xf32>, vector<16xi32> -> vector<16xf32>
    %broadcast_in_dim3A_409 = vector.shape_cast %and3A_405 : vector<16xi32> to vector<16x1xi32>
    %gather3A_410 = vector.shape_cast %broadcast_in_dim3A_409 : vector<16x1xi32> to vector<16xi32>
    %gather3A_411 = tpu.dynamic_gather %select_n3A_399[%gather3A_410] in [0] : vector<16xi32>, vector<16xi32> -> vector<16xi32>
    %gt3A_412 = arith.cmpf ogt, %gather3A_408, %select_n3A_398 : vector<16xf32>
    %eq3A_413 = arith.cmpf oeq, %gather3A_408, %select_n3A_398 : vector<16xf32>
    %lt3A_414 = arith.cmpi slt, %gather3A_411, %select_n3A_399 : vector<16xi32>
    %and3A_415 = arith.andi %eq3A_413, %lt3A_414 : vector<16xi1>
    %or3A_416 = arith.ori %gt3A_412, %and3A_415 : vector<16xi1>
    %select_n3A_417 = arith.select %or3A_416, %gather3A_408, %select_n3A_398 : vector<16xi1>, vector<16xf32>
    %select_n3A_418 = arith.select %or3A_416, %gather3A_411, %select_n3A_399 : vector<16xi1>, vector<16xi32>
    %add3A_419 = arith.constant 2 : i32
    %add3A_420 = vector.broadcast %add3A_419 : i32 to vector<16xi32>
    %add3A_421 = arith.addi %iota3A, %add3A_420 : vector<16xi32>
    %and3A_422 = arith.constant 15 : i32
    %and3A_423 = vector.broadcast %and3A_422 : i32 to vector<16xi32>
    %and3A_424 = arith.andi %add3A_421, %and3A_423 : vector<16xi32>
    %broadcast_in_dim3A_425 = vector.shape_cast %and3A_424 : vector<16xi32> to vector<16x1xi32>
    %gather3A_426 = vector.shape_cast %broadcast_in_dim3A_425 : vector<16x1xi32> to vector<16xi32>
    %gather3A_427 = tpu.dynamic_gather %select_n3A_417[%gather3A_426] in [0] : vector<16xf32>, vector<16xi32> -> vector<16xf32>
    %broadcast_in_dim3A_428 = vector.shape_cast %and3A_424 : vector<16xi32> to vector<16x1xi32>
    %gather3A_429 = vector.shape_cast %broadcast_in_dim3A_428 : vector<16x1xi32> to vector<16xi32>
    %gather3A_430 = tpu.dynamic_gather %select_n3A_418[%gather3A_429] in [0] : vector<16xi32>, vector<16xi32> -> vector<16xi32>
    %gt3A_431 = arith.cmpf ogt, %gather3A_427, %select_n3A_417 : vector<16xf32>
    %eq3A_432 = arith.cmpf oeq, %gather3A_427, %select_n3A_417 : vector<16xf32>
    %lt3A_433 = arith.cmpi slt, %gather3A_430, %select_n3A_418 : vector<16xi32>
    %and3A_434 = arith.andi %eq3A_432, %lt3A_433 : vector<16xi1>
    %or3A_435 = arith.ori %gt3A_431, %and3A_434 : vector<16xi1>
    %select_n3A_436 = arith.select %or3A_435, %gather3A_427, %select_n3A_417 : vector<16xi1>, vector<16xf32>
    %select_n3A_437 = arith.select %or3A_435, %gather3A_430, %select_n3A_418 : vector<16xi1>, vector<16xi32>
    %add3A_438 = arith.constant 1 : i32
    %add3A_439 = vector.broadcast %add3A_438 : i32 to vector<16xi32>
    %add3A_440 = arith.addi %iota3A, %add3A_439 : vector<16xi32>
    %and3A_441 = arith.constant 15 : i32
    %and3A_442 = vector.broadcast %and3A_441 : i32 to vector<16xi32>
    %and3A_443 = arith.andi %add3A_440, %and3A_442 : vector<16xi32>
    %broadcast_in_dim3A_444 = vector.shape_cast %and3A_443 : vector<16xi32> to vector<16x1xi32>
    %gather3A_445 = vector.shape_cast %broadcast_in_dim3A_444 : vector<16x1xi32> to vector<16xi32>
    %gather3A_446 = tpu.dynamic_gather %select_n3A_436[%gather3A_445] in [0] : vector<16xf32>, vector<16xi32> -> vector<16xf32>
    %broadcast_in_dim3A_447 = vector.shape_cast %and3A_443 : vector<16xi32> to vector<16x1xi32>
    %gather3A_448 = vector.shape_cast %broadcast_in_dim3A_447 : vector<16x1xi32> to vector<16xi32>
    %gather3A_449 = tpu.dynamic_gather %select_n3A_437[%gather3A_448] in [0] : vector<16xi32>, vector<16xi32> -> vector<16xi32>
    %gt3A_450 = arith.cmpf ogt, %gather3A_446, %select_n3A_436 : vector<16xf32>
    %eq3A_451 = arith.cmpf oeq, %gather3A_446, %select_n3A_436 : vector<16xf32>
    %lt3A_452 = arith.cmpi slt, %gather3A_449, %select_n3A_437 : vector<16xi32>
    %and3A_453 = arith.andi %eq3A_451, %lt3A_452 : vector<16xi1>
    %or3A_454 = arith.ori %gt3A_450, %and3A_453 : vector<16xi1>
    %select_n3A_455 = arith.select %or3A_454, %gather3A_446, %select_n3A_436 : vector<16xi1>, vector<16xf32>
    %select_n3A_456 = arith.select %or3A_454, %gather3A_449, %select_n3A_437 : vector<16xi1>, vector<16xi32>
    %convert_element_type3A_457 = arith.sitofp %select_n3A_456 : vector<16xi32> to vector<16xf32>
    %add3A_458 = arith.constant 5.000000e-01 : f32
    %add3A_459 = vector.broadcast %add3A_458 : f32 to vector<16xf32>
    %add3A_460 = arith.addf %convert_element_type3A_457, %add3A_459 : vector<16xf32>
    %mul3A_461 = arith.constant 0.0357142873 : f32
    %mul3A_462 = vector.broadcast %mul3A_461 : f32 to vector<16xf32>
    %mul3A_463 = arith.mulf %add3A_460, %mul3A_462 : vector<16xf32>
    %convert_element_type3A_464 = arith.fptosi %mul3A_463 : vector<16xf32> to vector<16xi32>
    %mul3A_465 = arith.constant 28 : i32
    %mul3A_466 = vector.broadcast %mul3A_465 : i32 to vector<16xi32>
    %mul3A_467 = arith.muli %convert_element_type3A_464, %mul3A_466 : vector<16xi32>
    %sub3A_468 = arith.subi %select_n3A_456, %mul3A_467 : vector<16xi32>
    %mul3A_469 = arith.constant 28 : i32
    %mul3A_470 = arith.muli %and3A_2, %mul3A_469 : i32
    %add3A_471 = vector.broadcast %mul3A_470 : i32 to vector<16xi32>
    %add3A_472 = arith.addi %add3A_471, %convert_element_type3A_464 : vector<16xi32>
    %add3A_473 = arith.constant 84 : i32
    %add3A_474 = vector.broadcast %add3A_473 : i32 to vector<16xi32>
    %add3A_475 = arith.addi %add3A_474, %sub3A_468 : vector<16xi32>
    %mul3A_476 = arith.constant 50176 : i32
    %mul3A_477 = arith.muli %shift_right_arithmetic3A_1, %mul3A_476 : i32
    %mul3A_478 = arith.constant 224 : i32
    %mul3A_479 = vector.broadcast %mul3A_478 : i32 to vector<16xi32>
    %mul3A_480 = arith.muli %add3A_472, %mul3A_479 : vector<16xi32>
    %add3A_481 = vector.broadcast %mul3A_477 : i32 to vector<16xi32>
    %add3A_482 = arith.addi %add3A_481, %mul3A_480 : vector<16xi32>
    %add3A_483 = arith.addi %add3A_482, %add3A_475 : vector<16xi32>
    %eq3A_484 = arith.constant 0 : i32
    %eq3A_485 = vector.broadcast %eq3A_484 : i32 to vector<16xi32>
    %eq3A_486 = arith.cmpi eq, %iota3A, %eq3A_485 : vector<16xi32>
    %convert_element_type3A_487 = arith.sitofp %add3A_472 : vector<16xi32> to vector<16xf32>
    %eq3A_488 = arith.constant 1 : i32
    %eq3A_489 = vector.broadcast %eq3A_488 : i32 to vector<16xi32>
    %eq3A_490 = arith.cmpi eq, %iota3A, %eq3A_489 : vector<16xi32>
    %convert_element_type3A_491 = arith.sitofp %add3A_475 : vector<16xi32> to vector<16xf32>
    %jit3A_492 = arith.constant 0.000000e+00 : f32
    %broadcast_in_dim3A_493 = vector.broadcast %jit3A_492 : f32 to vector<16xf32>
    %select_n3A_494 = arith.select %eq3A_490, %convert_element_type3A_491, %broadcast_in_dim3A_493 : vector<16xi1>, vector<16xf32>
    %select_n3A_495 = arith.select %eq3A_486, %convert_element_type3A_487, %select_n3A_494 : vector<16xi1>, vector<16xf32>
    %slice3A_496 = vector.extract_strided_slice %add3A_483 {offsets = [0], sizes = [1], strides = [1]} : vector<16xi32> to vector<1xi32>
    %squeeze3A_497 = vector.extract %slice3A_496[0] : i32 from vector<1xi32>
    %broadcast_in_dim3A_498 = arith.constant 0xFF800000 : f32
    %broadcast_in_dim3A_499 = vector.broadcast %broadcast_in_dim3A_498 : f32 to vector<16xf32>
    %broadcast_in_dim3A_500 = arith.constant 1048576 : i32
    %broadcast_in_dim3A_501 = vector.broadcast %broadcast_in_dim3A_500 : i32 to vector<16xi32>
    %scan3A_502 = arith.constant 0 : i32
    %scan3A_503 = arith.constant 28 : i32
    %scan3A_504 = arith.addi %scan3A_502, %scan3A_503 : i32
    %scan3A_505 = arith.constant 1 : i32
    %scan3A_506:2 = scf.for %scan3A_1534 = %scan3A_502 to %scan3A_504 step %scan3A_505 iter_args(%scan3A_1535 = %broadcast_in_dim3A_499, %scan3A_1536 = %broadcast_in_dim3A_501) -> (vector<16xf32>, vector<16xi32>)  : i32 {
      %mul3A_1537 = arith.constant 224 : i32
      %mul3A_1538 = arith.muli %scan3A_1534, %mul3A_1537 : i32
      %add3A_1539 = arith.constant 112 : i32
      %add3A_1540 = arith.addi %mul3A_1538, %add3A_1539 : i32
      %get3A_1541 = arith.index_cast %add3A_1540 : i32 to index
      %get3A_1542 = tpu.vector_load %arg5[%get3A_1541] {strides = array<i32>} : memref<6272xf32, #tpu.memory_space<vmem>>, vector<16xf32>,
      %add3A_1543 = arith.constant 12 : i32
      %add3A_1544 = arith.addi %add3A_1540, %add3A_1543 : i32
      %get3A_1545 = arith.index_cast %add3A_1544 : i32 to index
      %get3A_1546 = tpu.vector_load %arg5[%get3A_1545] {strides = array<i32>} : memref<6272xf32, #tpu.memory_space<vmem>>, vector<16xf32>,
      %mul3A_1547 = arith.constant 28 : i32
      %mul3A_1548 = arith.muli %scan3A_1534, %mul3A_1547 : i32
      %add3A_1549 = vector.broadcast %mul3A_1548 : i32 to vector<16xi32>
      %add3A_1550 = arith.addi %add3A_1549, %iota3A : vector<16xi32>
      %add3A_1551 = arith.constant 12 : i32
      %add3A_1552 = vector.broadcast %add3A_1551 : i32 to vector<16xi32>
      %add3A_1553 = arith.addi %add3A_1550, %add3A_1552 : vector<16xi32>
      %gt3A_1554 = arith.cmpf ogt, %get3A_1542, %scan3A_1535 : vector<16xf32>
      %eq3A_1555 = arith.cmpf oeq, %get3A_1542, %scan3A_1535 : vector<16xf32>
      %lt3A_1556 = arith.cmpi slt, %add3A_1550, %scan3A_1536 : vector<16xi32>
      %and3A_1557 = arith.andi %eq3A_1555, %lt3A_1556 : vector<16xi1>
      %or3A_1558 = arith.ori %gt3A_1554, %and3A_1557 : vector<16xi1>
      %select_n3A_1559 = arith.select %or3A_1558, %get3A_1542, %scan3A_1535 : vector<16xi1>, vector<16xf32>
      %select_n3A_1560 = arith.select %or3A_1558, %add3A_1550, %scan3A_1536 : vector<16xi1>, vector<16xi32>
      %gt3A_1561 = arith.cmpf ogt, %get3A_1546, %select_n3A_1559 : vector<16xf32>
      %eq3A_1562 = arith.cmpf oeq, %get3A_1546, %select_n3A_1559 : vector<16xf32>
      %lt3A_1563 = arith.cmpi slt, %add3A_1553, %select_n3A_1560 : vector<16xi32>
      %and3A_1564 = arith.andi %eq3A_1562, %lt3A_1563 : vector<16xi1>
      %or3A_1565 = arith.ori %gt3A_1561, %and3A_1564 : vector<16xi1>
      %select_n3A_1566 = arith.select %or3A_1565, %get3A_1546, %select_n3A_1559 : vector<16xi1>, vector<16xf32>
      %select_n3A_1567 = arith.select %or3A_1565, %add3A_1553, %select_n3A_1560 : vector<16xi1>, vector<16xi32>
      scf.yield %select_n3A_1566, %select_n3A_1567 : vector<16xf32>, vector<16xi32>
    }
    %scan3A_507 = arith.constant 28 : i32
    %add3A_508 = arith.constant 8 : i32
    %add3A_509 = vector.broadcast %add3A_508 : i32 to vector<16xi32>
    %add3A_510 = arith.addi %iota3A, %add3A_509 : vector<16xi32>
    %and3A_511 = arith.constant 15 : i32
    %and3A_512 = vector.broadcast %and3A_511 : i32 to vector<16xi32>
    %and3A_513 = arith.andi %add3A_510, %and3A_512 : vector<16xi32>
    %broadcast_in_dim3A_514 = vector.shape_cast %and3A_513 : vector<16xi32> to vector<16x1xi32>
    %gather3A_515 = vector.shape_cast %broadcast_in_dim3A_514 : vector<16x1xi32> to vector<16xi32>
    %gather3A_516 = tpu.dynamic_gather %scan3A_506#0[%gather3A_515] in [0] : vector<16xf32>, vector<16xi32> -> vector<16xf32>
    %broadcast_in_dim3A_517 = vector.shape_cast %and3A_513 : vector<16xi32> to vector<16x1xi32>
    %gather3A_518 = vector.shape_cast %broadcast_in_dim3A_517 : vector<16x1xi32> to vector<16xi32>
    %gather3A_519 = tpu.dynamic_gather %scan3A_506#1[%gather3A_518] in [0] : vector<16xi32>, vector<16xi32> -> vector<16xi32>
    %gt3A_520 = arith.cmpf ogt, %gather3A_516, %scan3A_506#0 : vector<16xf32>
    %eq3A_521 = arith.cmpf oeq, %gather3A_516, %scan3A_506#0 : vector<16xf32>
    %lt3A_522 = arith.cmpi slt, %gather3A_519, %scan3A_506#1 : vector<16xi32>
    %and3A_523 = arith.andi %eq3A_521, %lt3A_522 : vector<16xi1>
    %or3A_524 = arith.ori %gt3A_520, %and3A_523 : vector<16xi1>
    %select_n3A_525 = arith.select %or3A_524, %gather3A_516, %scan3A_506#0 : vector<16xi1>, vector<16xf32>
    %select_n3A_526 = arith.select %or3A_524, %gather3A_519, %scan3A_506#1 : vector<16xi1>, vector<16xi32>
    %add3A_527 = arith.constant 4 : i32
    %add3A_528 = vector.broadcast %add3A_527 : i32 to vector<16xi32>
    %add3A_529 = arith.addi %iota3A, %add3A_528 : vector<16xi32>
    %and3A_530 = arith.constant 15 : i32
    %and3A_531 = vector.broadcast %and3A_530 : i32 to vector<16xi32>
    %and3A_532 = arith.andi %add3A_529, %and3A_531 : vector<16xi32>
    %broadcast_in_dim3A_533 = vector.shape_cast %and3A_532 : vector<16xi32> to vector<16x1xi32>
    %gather3A_534 = vector.shape_cast %broadcast_in_dim3A_533 : vector<16x1xi32> to vector<16xi32>
    %gather3A_535 = tpu.dynamic_gather %select_n3A_525[%gather3A_534] in [0] : vector<16xf32>, vector<16xi32> -> vector<16xf32>
    %broadcast_in_dim3A_536 = vector.shape_cast %and3A_532 : vector<16xi32> to vector<16x1xi32>
    %gather3A_537 = vector.shape_cast %broadcast_in_dim3A_536 : vector<16x1xi32> to vector<16xi32>
    %gather3A_538 = tpu.dynamic_gather %select_n3A_526[%gather3A_537] in [0] : vector<16xi32>, vector<16xi32> -> vector<16xi32>
    %gt3A_539 = arith.cmpf ogt, %gather3A_535, %select_n3A_525 : vector<16xf32>
    %eq3A_540 = arith.cmpf oeq, %gather3A_535, %select_n3A_525 : vector<16xf32>
    %lt3A_541 = arith.cmpi slt, %gather3A_538, %select_n3A_526 : vector<16xi32>
    %and3A_542 = arith.andi %eq3A_540, %lt3A_541 : vector<16xi1>
    %or3A_543 = arith.ori %gt3A_539, %and3A_542 : vector<16xi1>
    %select_n3A_544 = arith.select %or3A_543, %gather3A_535, %select_n3A_525 : vector<16xi1>, vector<16xf32>
    %select_n3A_545 = arith.select %or3A_543, %gather3A_538, %select_n3A_526 : vector<16xi1>, vector<16xi32>
    %add3A_546 = arith.constant 2 : i32
    %add3A_547 = vector.broadcast %add3A_546 : i32 to vector<16xi32>
    %add3A_548 = arith.addi %iota3A, %add3A_547 : vector<16xi32>
    %and3A_549 = arith.constant 15 : i32
    %and3A_550 = vector.broadcast %and3A_549 : i32 to vector<16xi32>
    %and3A_551 = arith.andi %add3A_548, %and3A_550 : vector<16xi32>
    %broadcast_in_dim3A_552 = vector.shape_cast %and3A_551 : vector<16xi32> to vector<16x1xi32>
    %gather3A_553 = vector.shape_cast %broadcast_in_dim3A_552 : vector<16x1xi32> to vector<16xi32>
    %gather3A_554 = tpu.dynamic_gather %select_n3A_544[%gather3A_553] in [0] : vector<16xf32>, vector<16xi32> -> vector<16xf32>
    %broadcast_in_dim3A_555 = vector.shape_cast %and3A_551 : vector<16xi32> to vector<16x1xi32>
    %gather3A_556 = vector.shape_cast %broadcast_in_dim3A_555 : vector<16x1xi32> to vector<16xi32>
    %gather3A_557 = tpu.dynamic_gather %select_n3A_545[%gather3A_556] in [0] : vector<16xi32>, vector<16xi32> -> vector<16xi32>
    %gt3A_558 = arith.cmpf ogt, %gather3A_554, %select_n3A_544 : vector<16xf32>
    %eq3A_559 = arith.cmpf oeq, %gather3A_554, %select_n3A_544 : vector<16xf32>
    %lt3A_560 = arith.cmpi slt, %gather3A_557, %select_n3A_545 : vector<16xi32>
    %and3A_561 = arith.andi %eq3A_559, %lt3A_560 : vector<16xi1>
    %or3A_562 = arith.ori %gt3A_558, %and3A_561 : vector<16xi1>
    %select_n3A_563 = arith.select %or3A_562, %gather3A_554, %select_n3A_544 : vector<16xi1>, vector<16xf32>
    %select_n3A_564 = arith.select %or3A_562, %gather3A_557, %select_n3A_545 : vector<16xi1>, vector<16xi32>
    %add3A_565 = arith.constant 1 : i32
    %add3A_566 = vector.broadcast %add3A_565 : i32 to vector<16xi32>
    %add3A_567 = arith.addi %iota3A, %add3A_566 : vector<16xi32>
    %and3A_568 = arith.constant 15 : i32
    %and3A_569 = vector.broadcast %and3A_568 : i32 to vector<16xi32>
    %and3A_570 = arith.andi %add3A_567, %and3A_569 : vector<16xi32>
    %broadcast_in_dim3A_571 = vector.shape_cast %and3A_570 : vector<16xi32> to vector<16x1xi32>
    %gather3A_572 = vector.shape_cast %broadcast_in_dim3A_571 : vector<16x1xi32> to vector<16xi32>
    %gather3A_573 = tpu.dynamic_gather %select_n3A_563[%gather3A_572] in [0] : vector<16xf32>, vector<16xi32> -> vector<16xf32>
    %broadcast_in_dim3A_574 = vector.shape_cast %and3A_570 : vector<16xi32> to vector<16x1xi32>
    %gather3A_575 = vector.shape_cast %broadcast_in_dim3A_574 : vector<16x1xi32> to vector<16xi32>
    %gather3A_576 = tpu.dynamic_gather %select_n3A_564[%gather3A_575] in [0] : vector<16xi32>, vector<16xi32> -> vector<16xi32>
    %gt3A_577 = arith.cmpf ogt, %gather3A_573, %select_n3A_563 : vector<16xf32>
    %eq3A_578 = arith.cmpf oeq, %gather3A_573, %select_n3A_563 : vector<16xf32>
    %lt3A_579 = arith.cmpi slt, %gather3A_576, %select_n3A_564 : vector<16xi32>
    %and3A_580 = arith.andi %eq3A_578, %lt3A_579 : vector<16xi1>
    %or3A_581 = arith.ori %gt3A_577, %and3A_580 : vector<16xi1>
    %select_n3A_582 = arith.select %or3A_581, %gather3A_573, %select_n3A_563 : vector<16xi1>, vector<16xf32>
    %select_n3A_583 = arith.select %or3A_581, %gather3A_576, %select_n3A_564 : vector<16xi1>, vector<16xi32>
    %convert_element_type3A_584 = arith.sitofp %select_n3A_583 : vector<16xi32> to vector<16xf32>
    %add3A_585 = arith.constant 5.000000e-01 : f32
    %add3A_586 = vector.broadcast %add3A_585 : f32 to vector<16xf32>
    %add3A_587 = arith.addf %convert_element_type3A_584, %add3A_586 : vector<16xf32>
    %mul3A_588 = arith.constant 0.0357142873 : f32
    %mul3A_589 = vector.broadcast %mul3A_588 : f32 to vector<16xf32>
    %mul3A_590 = arith.mulf %add3A_587, %mul3A_589 : vector<16xf32>
    %convert_element_type3A_591 = arith.fptosi %mul3A_590 : vector<16xf32> to vector<16xi32>
    %mul3A_592 = arith.constant 28 : i32
    %mul3A_593 = vector.broadcast %mul3A_592 : i32 to vector<16xi32>
    %mul3A_594 = arith.muli %convert_element_type3A_591, %mul3A_593 : vector<16xi32>
    %sub3A_595 = arith.subi %select_n3A_583, %mul3A_594 : vector<16xi32>
    %mul3A_596 = arith.constant 28 : i32
    %mul3A_597 = arith.muli %and3A_2, %mul3A_596 : i32
    %add3A_598 = vector.broadcast %mul3A_597 : i32 to vector<16xi32>
    %add3A_599 = arith.addi %add3A_598, %convert_element_type3A_591 : vector<16xi32>
    %add3A_600 = arith.constant 112 : i32
    %add3A_601 = vector.broadcast %add3A_600 : i32 to vector<16xi32>
    %add3A_602 = arith.addi %add3A_601, %sub3A_595 : vector<16xi32>
    %mul3A_603 = arith.constant 50176 : i32
    %mul3A_604 = arith.muli %shift_right_arithmetic3A_1, %mul3A_603 : i32
    %mul3A_605 = arith.constant 224 : i32
    %mul3A_606 = vector.broadcast %mul3A_605 : i32 to vector<16xi32>
    %mul3A_607 = arith.muli %add3A_599, %mul3A_606 : vector<16xi32>
    %add3A_608 = vector.broadcast %mul3A_604 : i32 to vector<16xi32>
    %add3A_609 = arith.addi %add3A_608, %mul3A_607 : vector<16xi32>
    %add3A_610 = arith.addi %add3A_609, %add3A_602 : vector<16xi32>
    %eq3A_611 = arith.constant 0 : i32
    %eq3A_612 = vector.broadcast %eq3A_611 : i32 to vector<16xi32>
    %eq3A_613 = arith.cmpi eq, %iota3A, %eq3A_612 : vector<16xi32>
    %convert_element_type3A_614 = arith.sitofp %add3A_599 : vector<16xi32> to vector<16xf32>
    %eq3A_615 = arith.constant 1 : i32
    %eq3A_616 = vector.broadcast %eq3A_615 : i32 to vector<16xi32>
    %eq3A_617 = arith.cmpi eq, %iota3A, %eq3A_616 : vector<16xi32>
    %convert_element_type3A_618 = arith.sitofp %add3A_602 : vector<16xi32> to vector<16xf32>
    %jit3A_619 = arith.constant 0.000000e+00 : f32
    %broadcast_in_dim3A_620 = vector.broadcast %jit3A_619 : f32 to vector<16xf32>
    %select_n3A_621 = arith.select %eq3A_617, %convert_element_type3A_618, %broadcast_in_dim3A_620 : vector<16xi1>, vector<16xf32>
    %select_n3A_622 = arith.select %eq3A_613, %convert_element_type3A_614, %select_n3A_621 : vector<16xi1>, vector<16xf32>
    %slice3A_623 = vector.extract_strided_slice %add3A_610 {offsets = [0], sizes = [1], strides = [1]} : vector<16xi32> to vector<1xi32>
    %squeeze3A_624 = vector.extract %slice3A_623[0] : i32 from vector<1xi32>
    %broadcast_in_dim3A_625 = arith.constant 0xFF800000 : f32
    %broadcast_in_dim3A_626 = vector.broadcast %broadcast_in_dim3A_625 : f32 to vector<16xf32>
    %broadcast_in_dim3A_627 = arith.constant 1048576 : i32
    %broadcast_in_dim3A_628 = vector.broadcast %broadcast_in_dim3A_627 : i32 to vector<16xi32>
    %scan3A_629 = arith.constant 0 : i32
    %scan3A_630 = arith.constant 28 : i32
    %scan3A_631 = arith.addi %scan3A_629, %scan3A_630 : i32
    %scan3A_632 = arith.constant 1 : i32
    %scan3A_633:2 = scf.for %scan3A_1534 = %scan3A_629 to %scan3A_631 step %scan3A_632 iter_args(%scan3A_1535 = %broadcast_in_dim3A_626, %scan3A_1536 = %broadcast_in_dim3A_628) -> (vector<16xf32>, vector<16xi32>)  : i32 {
      %mul3A_1537 = arith.constant 224 : i32
      %mul3A_1538 = arith.muli %scan3A_1534, %mul3A_1537 : i32
      %add3A_1539 = arith.constant 140 : i32
      %add3A_1540 = arith.addi %mul3A_1538, %add3A_1539 : i32
      %get3A_1541 = arith.index_cast %add3A_1540 : i32 to index
      %get3A_1542 = tpu.vector_load %arg5[%get3A_1541] {strides = array<i32>} : memref<6272xf32, #tpu.memory_space<vmem>>, vector<16xf32>,
      %add3A_1543 = arith.constant 12 : i32
      %add3A_1544 = arith.addi %add3A_1540, %add3A_1543 : i32
      %get3A_1545 = arith.index_cast %add3A_1544 : i32 to index
      %get3A_1546 = tpu.vector_load %arg5[%get3A_1545] {strides = array<i32>} : memref<6272xf32, #tpu.memory_space<vmem>>, vector<16xf32>,
      %mul3A_1547 = arith.constant 28 : i32
      %mul3A_1548 = arith.muli %scan3A_1534, %mul3A_1547 : i32
      %add3A_1549 = vector.broadcast %mul3A_1548 : i32 to vector<16xi32>
      %add3A_1550 = arith.addi %add3A_1549, %iota3A : vector<16xi32>
      %add3A_1551 = arith.constant 12 : i32
      %add3A_1552 = vector.broadcast %add3A_1551 : i32 to vector<16xi32>
      %add3A_1553 = arith.addi %add3A_1550, %add3A_1552 : vector<16xi32>
      %gt3A_1554 = arith.cmpf ogt, %get3A_1542, %scan3A_1535 : vector<16xf32>
      %eq3A_1555 = arith.cmpf oeq, %get3A_1542, %scan3A_1535 : vector<16xf32>
      %lt3A_1556 = arith.cmpi slt, %add3A_1550, %scan3A_1536 : vector<16xi32>
      %and3A_1557 = arith.andi %eq3A_1555, %lt3A_1556 : vector<16xi1>
      %or3A_1558 = arith.ori %gt3A_1554, %and3A_1557 : vector<16xi1>
      %select_n3A_1559 = arith.select %or3A_1558, %get3A_1542, %scan3A_1535 : vector<16xi1>, vector<16xf32>
      %select_n3A_1560 = arith.select %or3A_1558, %add3A_1550, %scan3A_1536 : vector<16xi1>, vector<16xi32>
      %gt3A_1561 = arith.cmpf ogt, %get3A_1546, %select_n3A_1559 : vector<16xf32>
      %eq3A_1562 = arith.cmpf oeq, %get3A_1546, %select_n3A_1559 : vector<16xf32>
      %lt3A_1563 = arith.cmpi slt, %add3A_1553, %select_n3A_1560 : vector<16xi32>
      %and3A_1564 = arith.andi %eq3A_1562, %lt3A_1563 : vector<16xi1>
      %or3A_1565 = arith.ori %gt3A_1561, %and3A_1564 : vector<16xi1>
      %select_n3A_1566 = arith.select %or3A_1565, %get3A_1546, %select_n3A_1559 : vector<16xi1>, vector<16xf32>
      %select_n3A_1567 = arith.select %or3A_1565, %add3A_1553, %select_n3A_1560 : vector<16xi1>, vector<16xi32>
      scf.yield %select_n3A_1566, %select_n3A_1567 : vector<16xf32>, vector<16xi32>
    }
    %scan3A_634 = arith.constant 28 : i32
    %add3A_635 = arith.constant 8 : i32
    %add3A_636 = vector.broadcast %add3A_635 : i32 to vector<16xi32>
    %add3A_637 = arith.addi %iota3A, %add3A_636 : vector<16xi32>
    %and3A_638 = arith.constant 15 : i32
    %and3A_639 = vector.broadcast %and3A_638 : i32 to vector<16xi32>
    %and3A_640 = arith.andi %add3A_637, %and3A_639 : vector<16xi32>
    %broadcast_in_dim3A_641 = vector.shape_cast %and3A_640 : vector<16xi32> to vector<16x1xi32>
    %gather3A_642 = vector.shape_cast %broadcast_in_dim3A_641 : vector<16x1xi32> to vector<16xi32>
    %gather3A_643 = tpu.dynamic_gather %scan3A_633#0[%gather3A_642] in [0] : vector<16xf32>, vector<16xi32> -> vector<16xf32>
    %broadcast_in_dim3A_644 = vector.shape_cast %and3A_640 : vector<16xi32> to vector<16x1xi32>
    %gather3A_645 = vector.shape_cast %broadcast_in_dim3A_644 : vector<16x1xi32> to vector<16xi32>
    %gather3A_646 = tpu.dynamic_gather %scan3A_633#1[%gather3A_645] in [0] : vector<16xi32>, vector<16xi32> -> vector<16xi32>
    %gt3A_647 = arith.cmpf ogt, %gather3A_643, %scan3A_633#0 : vector<16xf32>
    %eq3A_648 = arith.cmpf oeq, %gather3A_643, %scan3A_633#0 : vector<16xf32>
    %lt3A_649 = arith.cmpi slt, %gather3A_646, %scan3A_633#1 : vector<16xi32>
    %and3A_650 = arith.andi %eq3A_648, %lt3A_649 : vector<16xi1>
    %or3A_651 = arith.ori %gt3A_647, %and3A_650 : vector<16xi1>
    %select_n3A_652 = arith.select %or3A_651, %gather3A_643, %scan3A_633#0 : vector<16xi1>, vector<16xf32>
    %select_n3A_653 = arith.select %or3A_651, %gather3A_646, %scan3A_633#1 : vector<16xi1>, vector<16xi32>
    %add3A_654 = arith.constant 4 : i32
    %add3A_655 = vector.broadcast %add3A_654 : i32 to vector<16xi32>
    %add3A_656 = arith.addi %iota3A, %add3A_655 : vector<16xi32>
    %and3A_657 = arith.constant 15 : i32
    %and3A_658 = vector.broadcast %and3A_657 : i32 to vector<16xi32>
    %and3A_659 = arith.andi %add3A_656, %and3A_658 : vector<16xi32>
    %broadcast_in_dim3A_660 = vector.shape_cast %and3A_659 : vector<16xi32> to vector<16x1xi32>
    %gather3A_661 = vector.shape_cast %broadcast_in_dim3A_660 : vector<16x1xi32> to vector<16xi32>
    %gather3A_662 = tpu.dynamic_gather %select_n3A_652[%gather3A_661] in [0] : vector<16xf32>, vector<16xi32> -> vector<16xf32>
    %broadcast_in_dim3A_663 = vector.shape_cast %and3A_659 : vector<16xi32> to vector<16x1xi32>
    %gather3A_664 = vector.shape_cast %broadcast_in_dim3A_663 : vector<16x1xi32> to vector<16xi32>
    %gather3A_665 = tpu.dynamic_gather %select_n3A_653[%gather3A_664] in [0] : vector<16xi32>, vector<16xi32> -> vector<16xi32>
    %gt3A_666 = arith.cmpf ogt, %gather3A_662, %select_n3A_652 : vector<16xf32>
    %eq3A_667 = arith.cmpf oeq, %gather3A_662, %select_n3A_652 : vector<16xf32>
    %lt3A_668 = arith.cmpi slt, %gather3A_665, %select_n3A_653 : vector<16xi32>
    %and3A_669 = arith.andi %eq3A_667, %lt3A_668 : vector<16xi1>
    %or3A_670 = arith.ori %gt3A_666, %and3A_669 : vector<16xi1>
    %select_n3A_671 = arith.select %or3A_670, %gather3A_662, %select_n3A_652 : vector<16xi1>, vector<16xf32>
    %select_n3A_672 = arith.select %or3A_670, %gather3A_665, %select_n3A_653 : vector<16xi1>, vector<16xi32>
    %add3A_673 = arith.constant 2 : i32
    %add3A_674 = vector.broadcast %add3A_673 : i32 to vector<16xi32>
    %add3A_675 = arith.addi %iota3A, %add3A_674 : vector<16xi32>
    %and3A_676 = arith.constant 15 : i32
    %and3A_677 = vector.broadcast %and3A_676 : i32 to vector<16xi32>
    %and3A_678 = arith.andi %add3A_675, %and3A_677 : vector<16xi32>
    %broadcast_in_dim3A_679 = vector.shape_cast %and3A_678 : vector<16xi32> to vector<16x1xi32>
    %gather3A_680 = vector.shape_cast %broadcast_in_dim3A_679 : vector<16x1xi32> to vector<16xi32>
    %gather3A_681 = tpu.dynamic_gather %select_n3A_671[%gather3A_680] in [0] : vector<16xf32>, vector<16xi32> -> vector<16xf32>
    %broadcast_in_dim3A_682 = vector.shape_cast %and3A_678 : vector<16xi32> to vector<16x1xi32>
    %gather3A_683 = vector.shape_cast %broadcast_in_dim3A_682 : vector<16x1xi32> to vector<16xi32>
    %gather3A_684 = tpu.dynamic_gather %select_n3A_672[%gather3A_683] in [0] : vector<16xi32>, vector<16xi32> -> vector<16xi32>
    %gt3A_685 = arith.cmpf ogt, %gather3A_681, %select_n3A_671 : vector<16xf32>
    %eq3A_686 = arith.cmpf oeq, %gather3A_681, %select_n3A_671 : vector<16xf32>
    %lt3A_687 = arith.cmpi slt, %gather3A_684, %select_n3A_672 : vector<16xi32>
    %and3A_688 = arith.andi %eq3A_686, %lt3A_687 : vector<16xi1>
    %or3A_689 = arith.ori %gt3A_685, %and3A_688 : vector<16xi1>
    %select_n3A_690 = arith.select %or3A_689, %gather3A_681, %select_n3A_671 : vector<16xi1>, vector<16xf32>
    %select_n3A_691 = arith.select %or3A_689, %gather3A_684, %select_n3A_672 : vector<16xi1>, vector<16xi32>
    %add3A_692 = arith.constant 1 : i32
    %add3A_693 = vector.broadcast %add3A_692 : i32 to vector<16xi32>
    %add3A_694 = arith.addi %iota3A, %add3A_693 : vector<16xi32>
    %and3A_695 = arith.constant 15 : i32
    %and3A_696 = vector.broadcast %and3A_695 : i32 to vector<16xi32>
    %and3A_697 = arith.andi %add3A_694, %and3A_696 : vector<16xi32>
    %broadcast_in_dim3A_698 = vector.shape_cast %and3A_697 : vector<16xi32> to vector<16x1xi32>
    %gather3A_699 = vector.shape_cast %broadcast_in_dim3A_698 : vector<16x1xi32> to vector<16xi32>
    %gather3A_700 = tpu.dynamic_gather %select_n3A_690[%gather3A_699] in [0] : vector<16xf32>, vector<16xi32> -> vector<16xf32>
    %broadcast_in_dim3A_701 = vector.shape_cast %and3A_697 : vector<16xi32> to vector<16x1xi32>
    %gather3A_702 = vector.shape_cast %broadcast_in_dim3A_701 : vector<16x1xi32> to vector<16xi32>
    %gather3A_703 = tpu.dynamic_gather %select_n3A_691[%gather3A_702] in [0] : vector<16xi32>, vector<16xi32> -> vector<16xi32>
    %gt3A_704 = arith.cmpf ogt, %gather3A_700, %select_n3A_690 : vector<16xf32>
    %eq3A_705 = arith.cmpf oeq, %gather3A_700, %select_n3A_690 : vector<16xf32>
    %lt3A_706 = arith.cmpi slt, %gather3A_703, %select_n3A_691 : vector<16xi32>
    %and3A_707 = arith.andi %eq3A_705, %lt3A_706 : vector<16xi1>
    %or3A_708 = arith.ori %gt3A_704, %and3A_707 : vector<16xi1>
    %select_n3A_709 = arith.select %or3A_708, %gather3A_700, %select_n3A_690 : vector<16xi1>, vector<16xf32>
    %select_n3A_710 = arith.select %or3A_708, %gather3A_703, %select_n3A_691 : vector<16xi1>, vector<16xi32>
    %convert_element_type3A_711 = arith.sitofp %select_n3A_710 : vector<16xi32> to vector<16xf32>
    %add3A_712 = arith.constant 5.000000e-01 : f32
    %add3A_713 = vector.broadcast %add3A_712 : f32 to vector<16xf32>
    %add3A_714 = arith.addf %convert_element_type3A_711, %add3A_713 : vector<16xf32>
    %mul3A_715 = arith.constant 0.0357142873 : f32
    %mul3A_716 = vector.broadcast %mul3A_715 : f32 to vector<16xf32>
    %mul3A_717 = arith.mulf %add3A_714, %mul3A_716 : vector<16xf32>
    %convert_element_type3A_718 = arith.fptosi %mul3A_717 : vector<16xf32> to vector<16xi32>
    %mul3A_719 = arith.constant 28 : i32
    %mul3A_720 = vector.broadcast %mul3A_719 : i32 to vector<16xi32>
    %mul3A_721 = arith.muli %convert_element_type3A_718, %mul3A_720 : vector<16xi32>
    %sub3A_722 = arith.subi %select_n3A_710, %mul3A_721 : vector<16xi32>
    %mul3A_723 = arith.constant 28 : i32
    %mul3A_724 = arith.muli %and3A_2, %mul3A_723 : i32
    %add3A_725 = vector.broadcast %mul3A_724 : i32 to vector<16xi32>
    %add3A_726 = arith.addi %add3A_725, %convert_element_type3A_718 : vector<16xi32>
    %add3A_727 = arith.constant 140 : i32
    %add3A_728 = vector.broadcast %add3A_727 : i32 to vector<16xi32>
    %add3A_729 = arith.addi %add3A_728, %sub3A_722 : vector<16xi32>
    %mul3A_730 = arith.constant 50176 : i32
    %mul3A_731 = arith.muli %shift_right_arithmetic3A_1, %mul3A_730 : i32
    %mul3A_732 = arith.constant 224 : i32
    %mul3A_733 = vector.broadcast %mul3A_732 : i32 to vector<16xi32>
    %mul3A_734 = arith.muli %add3A_726, %mul3A_733 : vector<16xi32>
    %add3A_735 = vector.broadcast %mul3A_731 : i32 to vector<16xi32>
    %add3A_736 = arith.addi %add3A_735, %mul3A_734 : vector<16xi32>
    %add3A_737 = arith.addi %add3A_736, %add3A_729 : vector<16xi32>
    %eq3A_738 = arith.constant 0 : i32
    %eq3A_739 = vector.broadcast %eq3A_738 : i32 to vector<16xi32>
    %eq3A_740 = arith.cmpi eq, %iota3A, %eq3A_739 : vector<16xi32>
    %convert_element_type3A_741 = arith.sitofp %add3A_726 : vector<16xi32> to vector<16xf32>
    %eq3A_742 = arith.constant 1 : i32
    %eq3A_743 = vector.broadcast %eq3A_742 : i32 to vector<16xi32>
    %eq3A_744 = arith.cmpi eq, %iota3A, %eq3A_743 : vector<16xi32>
    %convert_element_type3A_745 = arith.sitofp %add3A_729 : vector<16xi32> to vector<16xf32>
    %jit3A_746 = arith.constant 0.000000e+00 : f32
    %broadcast_in_dim3A_747 = vector.broadcast %jit3A_746 : f32 to vector<16xf32>
    %select_n3A_748 = arith.select %eq3A_744, %convert_element_type3A_745, %broadcast_in_dim3A_747 : vector<16xi1>, vector<16xf32>
    %select_n3A_749 = arith.select %eq3A_740, %convert_element_type3A_741, %select_n3A_748 : vector<16xi1>, vector<16xf32>
    %slice3A_750 = vector.extract_strided_slice %add3A_737 {offsets = [0], sizes = [1], strides = [1]} : vector<16xi32> to vector<1xi32>
    %squeeze3A_751 = vector.extract %slice3A_750[0] : i32 from vector<1xi32>
    %broadcast_in_dim3A_752 = arith.constant 0xFF800000 : f32
    %broadcast_in_dim3A_753 = vector.broadcast %broadcast_in_dim3A_752 : f32 to vector<16xf32>
    %broadcast_in_dim3A_754 = arith.constant 1048576 : i32
    %broadcast_in_dim3A_755 = vector.broadcast %broadcast_in_dim3A_754 : i32 to vector<16xi32>
    %scan3A_756 = arith.constant 0 : i32
    %scan3A_757 = arith.constant 28 : i32
    %scan3A_758 = arith.addi %scan3A_756, %scan3A_757 : i32
    %scan3A_759 = arith.constant 1 : i32
    %scan3A_760:2 = scf.for %scan3A_1534 = %scan3A_756 to %scan3A_758 step %scan3A_759 iter_args(%scan3A_1535 = %broadcast_in_dim3A_753, %scan3A_1536 = %broadcast_in_dim3A_755) -> (vector<16xf32>, vector<16xi32>)  : i32 {
      %mul3A_1537 = arith.constant 224 : i32
      %mul3A_1538 = arith.muli %scan3A_1534, %mul3A_1537 : i32
      %add3A_1539 = arith.constant 168 : i32
      %add3A_1540 = arith.addi %mul3A_1538, %add3A_1539 : i32
      %get3A_1541 = arith.index_cast %add3A_1540 : i32 to index
      %get3A_1542 = tpu.vector_load %arg5[%get3A_1541] {strides = array<i32>} : memref<6272xf32, #tpu.memory_space<vmem>>, vector<16xf32>,
      %add3A_1543 = arith.constant 12 : i32
      %add3A_1544 = arith.addi %add3A_1540, %add3A_1543 : i32
      %get3A_1545 = arith.index_cast %add3A_1544 : i32 to index
      %get3A_1546 = tpu.vector_load %arg5[%get3A_1545] {strides = array<i32>} : memref<6272xf32, #tpu.memory_space<vmem>>, vector<16xf32>,
      %mul3A_1547 = arith.constant 28 : i32
      %mul3A_1548 = arith.muli %scan3A_1534, %mul3A_1547 : i32
      %add3A_1549 = vector.broadcast %mul3A_1548 : i32 to vector<16xi32>
      %add3A_1550 = arith.addi %add3A_1549, %iota3A : vector<16xi32>
      %add3A_1551 = arith.constant 12 : i32
      %add3A_1552 = vector.broadcast %add3A_1551 : i32 to vector<16xi32>
      %add3A_1553 = arith.addi %add3A_1550, %add3A_1552 : vector<16xi32>
      %gt3A_1554 = arith.cmpf ogt, %get3A_1542, %scan3A_1535 : vector<16xf32>
      %eq3A_1555 = arith.cmpf oeq, %get3A_1542, %scan3A_1535 : vector<16xf32>
      %lt3A_1556 = arith.cmpi slt, %add3A_1550, %scan3A_1536 : vector<16xi32>
      %and3A_1557 = arith.andi %eq3A_1555, %lt3A_1556 : vector<16xi1>
      %or3A_1558 = arith.ori %gt3A_1554, %and3A_1557 : vector<16xi1>
      %select_n3A_1559 = arith.select %or3A_1558, %get3A_1542, %scan3A_1535 : vector<16xi1>, vector<16xf32>
      %select_n3A_1560 = arith.select %or3A_1558, %add3A_1550, %scan3A_1536 : vector<16xi1>, vector<16xi32>
      %gt3A_1561 = arith.cmpf ogt, %get3A_1546, %select_n3A_1559 : vector<16xf32>
      %eq3A_1562 = arith.cmpf oeq, %get3A_1546, %select_n3A_1559 : vector<16xf32>
      %lt3A_1563 = arith.cmpi slt, %add3A_1553, %select_n3A_1560 : vector<16xi32>
      %and3A_1564 = arith.andi %eq3A_1562, %lt3A_1563 : vector<16xi1>
      %or3A_1565 = arith.ori %gt3A_1561, %and3A_1564 : vector<16xi1>
      %select_n3A_1566 = arith.select %or3A_1565, %get3A_1546, %select_n3A_1559 : vector<16xi1>, vector<16xf32>
      %select_n3A_1567 = arith.select %or3A_1565, %add3A_1553, %select_n3A_1560 : vector<16xi1>, vector<16xi32>
      scf.yield %select_n3A_1566, %select_n3A_1567 : vector<16xf32>, vector<16xi32>
    }
    %scan3A_761 = arith.constant 28 : i32
    %add3A_762 = arith.constant 8 : i32
    %add3A_763 = vector.broadcast %add3A_762 : i32 to vector<16xi32>
    %add3A_764 = arith.addi %iota3A, %add3A_763 : vector<16xi32>
    %and3A_765 = arith.constant 15 : i32
    %and3A_766 = vector.broadcast %and3A_765 : i32 to vector<16xi32>
    %and3A_767 = arith.andi %add3A_764, %and3A_766 : vector<16xi32>
    %broadcast_in_dim3A_768 = vector.shape_cast %and3A_767 : vector<16xi32> to vector<16x1xi32>
    %gather3A_769 = vector.shape_cast %broadcast_in_dim3A_768 : vector<16x1xi32> to vector<16xi32>
    %gather3A_770 = tpu.dynamic_gather %scan3A_760#0[%gather3A_769] in [0] : vector<16xf32>, vector<16xi32> -> vector<16xf32>
    %broadcast_in_dim3A_771 = vector.shape_cast %and3A_767 : vector<16xi32> to vector<16x1xi32>
    %gather3A_772 = vector.shape_cast %broadcast_in_dim3A_771 : vector<16x1xi32> to vector<16xi32>
    %gather3A_773 = tpu.dynamic_gather %scan3A_760#1[%gather3A_772] in [0] : vector<16xi32>, vector<16xi32> -> vector<16xi32>
    %gt3A_774 = arith.cmpf ogt, %gather3A_770, %scan3A_760#0 : vector<16xf32>
    %eq3A_775 = arith.cmpf oeq, %gather3A_770, %scan3A_760#0 : vector<16xf32>
    %lt3A_776 = arith.cmpi slt, %gather3A_773, %scan3A_760#1 : vector<16xi32>
    %and3A_777 = arith.andi %eq3A_775, %lt3A_776 : vector<16xi1>
    %or3A_778 = arith.ori %gt3A_774, %and3A_777 : vector<16xi1>
    %select_n3A_779 = arith.select %or3A_778, %gather3A_770, %scan3A_760#0 : vector<16xi1>, vector<16xf32>
    %select_n3A_780 = arith.select %or3A_778, %gather3A_773, %scan3A_760#1 : vector<16xi1>, vector<16xi32>
    %add3A_781 = arith.constant 4 : i32
    %add3A_782 = vector.broadcast %add3A_781 : i32 to vector<16xi32>
    %add3A_783 = arith.addi %iota3A, %add3A_782 : vector<16xi32>
    %and3A_784 = arith.constant 15 : i32
    %and3A_785 = vector.broadcast %and3A_784 : i32 to vector<16xi32>
    %and3A_786 = arith.andi %add3A_783, %and3A_785 : vector<16xi32>
    %broadcast_in_dim3A_787 = vector.shape_cast %and3A_786 : vector<16xi32> to vector<16x1xi32>
    %gather3A_788 = vector.shape_cast %broadcast_in_dim3A_787 : vector<16x1xi32> to vector<16xi32>
    %gather3A_789 = tpu.dynamic_gather %select_n3A_779[%gather3A_788] in [0] : vector<16xf32>, vector<16xi32> -> vector<16xf32>
    %broadcast_in_dim3A_790 = vector.shape_cast %and3A_786 : vector<16xi32> to vector<16x1xi32>
    %gather3A_791 = vector.shape_cast %broadcast_in_dim3A_790 : vector<16x1xi32> to vector<16xi32>
    %gather3A_792 = tpu.dynamic_gather %select_n3A_780[%gather3A_791] in [0] : vector<16xi32>, vector<16xi32> -> vector<16xi32>
    %gt3A_793 = arith.cmpf ogt, %gather3A_789, %select_n3A_779 : vector<16xf32>
    %eq3A_794 = arith.cmpf oeq, %gather3A_789, %select_n3A_779 : vector<16xf32>
    %lt3A_795 = arith.cmpi slt, %gather3A_792, %select_n3A_780 : vector<16xi32>
    %and3A_796 = arith.andi %eq3A_794, %lt3A_795 : vector<16xi1>
    %or3A_797 = arith.ori %gt3A_793, %and3A_796 : vector<16xi1>
    %select_n3A_798 = arith.select %or3A_797, %gather3A_789, %select_n3A_779 : vector<16xi1>, vector<16xf32>
    %select_n3A_799 = arith.select %or3A_797, %gather3A_792, %select_n3A_780 : vector<16xi1>, vector<16xi32>
    %add3A_800 = arith.constant 2 : i32
    %add3A_801 = vector.broadcast %add3A_800 : i32 to vector<16xi32>
    %add3A_802 = arith.addi %iota3A, %add3A_801 : vector<16xi32>
    %and3A_803 = arith.constant 15 : i32
    %and3A_804 = vector.broadcast %and3A_803 : i32 to vector<16xi32>
    %and3A_805 = arith.andi %add3A_802, %and3A_804 : vector<16xi32>
    %broadcast_in_dim3A_806 = vector.shape_cast %and3A_805 : vector<16xi32> to vector<16x1xi32>
    %gather3A_807 = vector.shape_cast %broadcast_in_dim3A_806 : vector<16x1xi32> to vector<16xi32>
    %gather3A_808 = tpu.dynamic_gather %select_n3A_798[%gather3A_807] in [0] : vector<16xf32>, vector<16xi32> -> vector<16xf32>
    %broadcast_in_dim3A_809 = vector.shape_cast %and3A_805 : vector<16xi32> to vector<16x1xi32>
    %gather3A_810 = vector.shape_cast %broadcast_in_dim3A_809 : vector<16x1xi32> to vector<16xi32>
    %gather3A_811 = tpu.dynamic_gather %select_n3A_799[%gather3A_810] in [0] : vector<16xi32>, vector<16xi32> -> vector<16xi32>
    %gt3A_812 = arith.cmpf ogt, %gather3A_808, %select_n3A_798 : vector<16xf32>
    %eq3A_813 = arith.cmpf oeq, %gather3A_808, %select_n3A_798 : vector<16xf32>
    %lt3A_814 = arith.cmpi slt, %gather3A_811, %select_n3A_799 : vector<16xi32>
    %and3A_815 = arith.andi %eq3A_813, %lt3A_814 : vector<16xi1>
    %or3A_816 = arith.ori %gt3A_812, %and3A_815 : vector<16xi1>
    %select_n3A_817 = arith.select %or3A_816, %gather3A_808, %select_n3A_798 : vector<16xi1>, vector<16xf32>
    %select_n3A_818 = arith.select %or3A_816, %gather3A_811, %select_n3A_799 : vector<16xi1>, vector<16xi32>
    %add3A_819 = arith.constant 1 : i32
    %add3A_820 = vector.broadcast %add3A_819 : i32 to vector<16xi32>
    %add3A_821 = arith.addi %iota3A, %add3A_820 : vector<16xi32>
    %and3A_822 = arith.constant 15 : i32
    %and3A_823 = vector.broadcast %and3A_822 : i32 to vector<16xi32>
    %and3A_824 = arith.andi %add3A_821, %and3A_823 : vector<16xi32>
    %broadcast_in_dim3A_825 = vector.shape_cast %and3A_824 : vector<16xi32> to vector<16x1xi32>
    %gather3A_826 = vector.shape_cast %broadcast_in_dim3A_825 : vector<16x1xi32> to vector<16xi32>
    %gather3A_827 = tpu.dynamic_gather %select_n3A_817[%gather3A_826] in [0] : vector<16xf32>, vector<16xi32> -> vector<16xf32>
    %broadcast_in_dim3A_828 = vector.shape_cast %and3A_824 : vector<16xi32> to vector<16x1xi32>
    %gather3A_829 = vector.shape_cast %broadcast_in_dim3A_828 : vector<16x1xi32> to vector<16xi32>
    %gather3A_830 = tpu.dynamic_gather %select_n3A_818[%gather3A_829] in [0] : vector<16xi32>, vector<16xi32> -> vector<16xi32>
    %gt3A_831 = arith.cmpf ogt, %gather3A_827, %select_n3A_817 : vector<16xf32>
    %eq3A_832 = arith.cmpf oeq, %gather3A_827, %select_n3A_817 : vector<16xf32>
    %lt3A_833 = arith.cmpi slt, %gather3A_830, %select_n3A_818 : vector<16xi32>
    %and3A_834 = arith.andi %eq3A_832, %lt3A_833 : vector<16xi1>
    %or3A_835 = arith.ori %gt3A_831, %and3A_834 : vector<16xi1>
    %select_n3A_836 = arith.select %or3A_835, %gather3A_827, %select_n3A_817 : vector<16xi1>, vector<16xf32>
    %select_n3A_837 = arith.select %or3A_835, %gather3A_830, %select_n3A_818 : vector<16xi1>, vector<16xi32>
    %convert_element_type3A_838 = arith.sitofp %select_n3A_837 : vector<16xi32> to vector<16xf32>
    %add3A_839 = arith.constant 5.000000e-01 : f32
    %add3A_840 = vector.broadcast %add3A_839 : f32 to vector<16xf32>
    %add3A_841 = arith.addf %convert_element_type3A_838, %add3A_840 : vector<16xf32>
    %mul3A_842 = arith.constant 0.0357142873 : f32
    %mul3A_843 = vector.broadcast %mul3A_842 : f32 to vector<16xf32>
    %mul3A_844 = arith.mulf %add3A_841, %mul3A_843 : vector<16xf32>
    %convert_element_type3A_845 = arith.fptosi %mul3A_844 : vector<16xf32> to vector<16xi32>
    %mul3A_846 = arith.constant 28 : i32
    %mul3A_847 = vector.broadcast %mul3A_846 : i32 to vector<16xi32>
    %mul3A_848 = arith.muli %convert_element_type3A_845, %mul3A_847 : vector<16xi32>
    %sub3A_849 = arith.subi %select_n3A_837, %mul3A_848 : vector<16xi32>
    %mul3A_850 = arith.constant 28 : i32
    %mul3A_851 = arith.muli %and3A_2, %mul3A_850 : i32
    %add3A_852 = vector.broadcast %mul3A_851 : i32 to vector<16xi32>
    %add3A_853 = arith.addi %add3A_852, %convert_element_type3A_845 : vector<16xi32>
    %add3A_854 = arith.constant 168 : i32
    %add3A_855 = vector.broadcast %add3A_854 : i32 to vector<16xi32>
    %add3A_856 = arith.addi %add3A_855, %sub3A_849 : vector<16xi32>
    %mul3A_857 = arith.constant 50176 : i32
    %mul3A_858 = arith.muli %shift_right_arithmetic3A_1, %mul3A_857 : i32
    %mul3A_859 = arith.constant 224 : i32
    %mul3A_860 = vector.broadcast %mul3A_859 : i32 to vector<16xi32>
    %mul3A_861 = arith.muli %add3A_853, %mul3A_860 : vector<16xi32>
    %add3A_862 = vector.broadcast %mul3A_858 : i32 to vector<16xi32>
    %add3A_863 = arith.addi %add3A_862, %mul3A_861 : vector<16xi32>
    %add3A_864 = arith.addi %add3A_863, %add3A_856 : vector<16xi32>
    %eq3A_865 = arith.constant 0 : i32
    %eq3A_866 = vector.broadcast %eq3A_865 : i32 to vector<16xi32>
    %eq3A_867 = arith.cmpi eq, %iota3A, %eq3A_866 : vector<16xi32>
    %convert_element_type3A_868 = arith.sitofp %add3A_853 : vector<16xi32> to vector<16xf32>
    %eq3A_869 = arith.constant 1 : i32
    %eq3A_870 = vector.broadcast %eq3A_869 : i32 to vector<16xi32>
    %eq3A_871 = arith.cmpi eq, %iota3A, %eq3A_870 : vector<16xi32>
    %convert_element_type3A_872 = arith.sitofp %add3A_856 : vector<16xi32> to vector<16xf32>
    %jit3A_873 = arith.constant 0.000000e+00 : f32
    %broadcast_in_dim3A_874 = vector.broadcast %jit3A_873 : f32 to vector<16xf32>
    %select_n3A_875 = arith.select %eq3A_871, %convert_element_type3A_872, %broadcast_in_dim3A_874 : vector<16xi1>, vector<16xf32>
    %select_n3A_876 = arith.select %eq3A_867, %convert_element_type3A_868, %select_n3A_875 : vector<16xi1>, vector<16xf32>
    %slice3A_877 = vector.extract_strided_slice %add3A_864 {offsets = [0], sizes = [1], strides = [1]} : vector<16xi32> to vector<1xi32>
    %squeeze3A_878 = vector.extract %slice3A_877[0] : i32 from vector<1xi32>
    %broadcast_in_dim3A_879 = arith.constant 0xFF800000 : f32
    %broadcast_in_dim3A_880 = vector.broadcast %broadcast_in_dim3A_879 : f32 to vector<16xf32>
    %broadcast_in_dim3A_881 = arith.constant 1048576 : i32
    %broadcast_in_dim3A_882 = vector.broadcast %broadcast_in_dim3A_881 : i32 to vector<16xi32>
    %scan3A_883 = arith.constant 0 : i32
    %scan3A_884 = arith.constant 28 : i32
    %scan3A_885 = arith.addi %scan3A_883, %scan3A_884 : i32
    %scan3A_886 = arith.constant 1 : i32
    %scan3A_887:2 = scf.for %scan3A_1534 = %scan3A_883 to %scan3A_885 step %scan3A_886 iter_args(%scan3A_1535 = %broadcast_in_dim3A_880, %scan3A_1536 = %broadcast_in_dim3A_882) -> (vector<16xf32>, vector<16xi32>)  : i32 {
      %mul3A_1537 = arith.constant 224 : i32
      %mul3A_1538 = arith.muli %scan3A_1534, %mul3A_1537 : i32
      %add3A_1539 = arith.constant 196 : i32
      %add3A_1540 = arith.addi %mul3A_1538, %add3A_1539 : i32
      %get3A_1541 = arith.index_cast %add3A_1540 : i32 to index
      %get3A_1542 = tpu.vector_load %arg5[%get3A_1541] {strides = array<i32>} : memref<6272xf32, #tpu.memory_space<vmem>>, vector<16xf32>,
      %add3A_1543 = arith.constant 12 : i32
      %add3A_1544 = arith.addi %add3A_1540, %add3A_1543 : i32
      %get3A_1545 = arith.index_cast %add3A_1544 : i32 to index
      %get3A_1546 = tpu.vector_load %arg5[%get3A_1545] {strides = array<i32>} : memref<6272xf32, #tpu.memory_space<vmem>>, vector<16xf32>,
      %mul3A_1547 = arith.constant 28 : i32
      %mul3A_1548 = arith.muli %scan3A_1534, %mul3A_1547 : i32
      %add3A_1549 = vector.broadcast %mul3A_1548 : i32 to vector<16xi32>
      %add3A_1550 = arith.addi %add3A_1549, %iota3A : vector<16xi32>
      %add3A_1551 = arith.constant 12 : i32
      %add3A_1552 = vector.broadcast %add3A_1551 : i32 to vector<16xi32>
      %add3A_1553 = arith.addi %add3A_1550, %add3A_1552 : vector<16xi32>
      %gt3A_1554 = arith.cmpf ogt, %get3A_1542, %scan3A_1535 : vector<16xf32>
      %eq3A_1555 = arith.cmpf oeq, %get3A_1542, %scan3A_1535 : vector<16xf32>
      %lt3A_1556 = arith.cmpi slt, %add3A_1550, %scan3A_1536 : vector<16xi32>
      %and3A_1557 = arith.andi %eq3A_1555, %lt3A_1556 : vector<16xi1>
      %or3A_1558 = arith.ori %gt3A_1554, %and3A_1557 : vector<16xi1>
      %select_n3A_1559 = arith.select %or3A_1558, %get3A_1542, %scan3A_1535 : vector<16xi1>, vector<16xf32>
      %select_n3A_1560 = arith.select %or3A_1558, %add3A_1550, %scan3A_1536 : vector<16xi1>, vector<16xi32>
      %gt3A_1561 = arith.cmpf ogt, %get3A_1546, %select_n3A_1559 : vector<16xf32>
      %eq3A_1562 = arith.cmpf oeq, %get3A_1546, %select_n3A_1559 : vector<16xf32>
      %lt3A_1563 = arith.cmpi slt, %add3A_1553, %select_n3A_1560 : vector<16xi32>
      %and3A_1564 = arith.andi %eq3A_1562, %lt3A_1563 : vector<16xi1>
      %or3A_1565 = arith.ori %gt3A_1561, %and3A_1564 : vector<16xi1>
      %select_n3A_1566 = arith.select %or3A_1565, %get3A_1546, %select_n3A_1559 : vector<16xi1>, vector<16xf32>
      %select_n3A_1567 = arith.select %or3A_1565, %add3A_1553, %select_n3A_1560 : vector<16xi1>, vector<16xi32>
      scf.yield %select_n3A_1566, %select_n3A_1567 : vector<16xf32>, vector<16xi32>
    }
    %scan3A_888 = arith.constant 28 : i32
    %add3A_889 = arith.constant 8 : i32
    %add3A_890 = vector.broadcast %add3A_889 : i32 to vector<16xi32>
    %add3A_891 = arith.addi %iota3A, %add3A_890 : vector<16xi32>
    %and3A_892 = arith.constant 15 : i32
    %and3A_893 = vector.broadcast %and3A_892 : i32 to vector<16xi32>
    %and3A_894 = arith.andi %add3A_891, %and3A_893 : vector<16xi32>
    %broadcast_in_dim3A_895 = vector.shape_cast %and3A_894 : vector<16xi32> to vector<16x1xi32>
    %gather3A_896 = vector.shape_cast %broadcast_in_dim3A_895 : vector<16x1xi32> to vector<16xi32>
    %gather3A_897 = tpu.dynamic_gather %scan3A_887#0[%gather3A_896] in [0] : vector<16xf32>, vector<16xi32> -> vector<16xf32>
    %broadcast_in_dim3A_898 = vector.shape_cast %and3A_894 : vector<16xi32> to vector<16x1xi32>
    %gather3A_899 = vector.shape_cast %broadcast_in_dim3A_898 : vector<16x1xi32> to vector<16xi32>
    %gather3A_900 = tpu.dynamic_gather %scan3A_887#1[%gather3A_899] in [0] : vector<16xi32>, vector<16xi32> -> vector<16xi32>
    %gt3A_901 = arith.cmpf ogt, %gather3A_897, %scan3A_887#0 : vector<16xf32>
    %eq3A_902 = arith.cmpf oeq, %gather3A_897, %scan3A_887#0 : vector<16xf32>
    %lt3A_903 = arith.cmpi slt, %gather3A_900, %scan3A_887#1 : vector<16xi32>
    %and3A_904 = arith.andi %eq3A_902, %lt3A_903 : vector<16xi1>
    %or3A_905 = arith.ori %gt3A_901, %and3A_904 : vector<16xi1>
    %select_n3A_906 = arith.select %or3A_905, %gather3A_897, %scan3A_887#0 : vector<16xi1>, vector<16xf32>
    %select_n3A_907 = arith.select %or3A_905, %gather3A_900, %scan3A_887#1 : vector<16xi1>, vector<16xi32>
    %add3A_908 = arith.constant 4 : i32
    %add3A_909 = vector.broadcast %add3A_908 : i32 to vector<16xi32>
    %add3A_910 = arith.addi %iota3A, %add3A_909 : vector<16xi32>
    %and3A_911 = arith.constant 15 : i32
    %and3A_912 = vector.broadcast %and3A_911 : i32 to vector<16xi32>
    %and3A_913 = arith.andi %add3A_910, %and3A_912 : vector<16xi32>
    %broadcast_in_dim3A_914 = vector.shape_cast %and3A_913 : vector<16xi32> to vector<16x1xi32>
    %gather3A_915 = vector.shape_cast %broadcast_in_dim3A_914 : vector<16x1xi32> to vector<16xi32>
    %gather3A_916 = tpu.dynamic_gather %select_n3A_906[%gather3A_915] in [0] : vector<16xf32>, vector<16xi32> -> vector<16xf32>
    %broadcast_in_dim3A_917 = vector.shape_cast %and3A_913 : vector<16xi32> to vector<16x1xi32>
    %gather3A_918 = vector.shape_cast %broadcast_in_dim3A_917 : vector<16x1xi32> to vector<16xi32>
    %gather3A_919 = tpu.dynamic_gather %select_n3A_907[%gather3A_918] in [0] : vector<16xi32>, vector<16xi32> -> vector<16xi32>
    %gt3A_920 = arith.cmpf ogt, %gather3A_916, %select_n3A_906 : vector<16xf32>
    %eq3A_921 = arith.cmpf oeq, %gather3A_916, %select_n3A_906 : vector<16xf32>
    %lt3A_922 = arith.cmpi slt, %gather3A_919, %select_n3A_907 : vector<16xi32>
    %and3A_923 = arith.andi %eq3A_921, %lt3A_922 : vector<16xi1>
    %or3A_924 = arith.ori %gt3A_920, %and3A_923 : vector<16xi1>
    %select_n3A_925 = arith.select %or3A_924, %gather3A_916, %select_n3A_906 : vector<16xi1>, vector<16xf32>
    %select_n3A_926 = arith.select %or3A_924, %gather3A_919, %select_n3A_907 : vector<16xi1>, vector<16xi32>
    %add3A_927 = arith.constant 2 : i32
    %add3A_928 = vector.broadcast %add3A_927 : i32 to vector<16xi32>
    %add3A_929 = arith.addi %iota3A, %add3A_928 : vector<16xi32>
    %and3A_930 = arith.constant 15 : i32
    %and3A_931 = vector.broadcast %and3A_930 : i32 to vector<16xi32>
    %and3A_932 = arith.andi %add3A_929, %and3A_931 : vector<16xi32>
    %broadcast_in_dim3A_933 = vector.shape_cast %and3A_932 : vector<16xi32> to vector<16x1xi32>
    %gather3A_934 = vector.shape_cast %broadcast_in_dim3A_933 : vector<16x1xi32> to vector<16xi32>
    %gather3A_935 = tpu.dynamic_gather %select_n3A_925[%gather3A_934] in [0] : vector<16xf32>, vector<16xi32> -> vector<16xf32>
    %broadcast_in_dim3A_936 = vector.shape_cast %and3A_932 : vector<16xi32> to vector<16x1xi32>
    %gather3A_937 = vector.shape_cast %broadcast_in_dim3A_936 : vector<16x1xi32> to vector<16xi32>
    %gather3A_938 = tpu.dynamic_gather %select_n3A_926[%gather3A_937] in [0] : vector<16xi32>, vector<16xi32> -> vector<16xi32>
    %gt3A_939 = arith.cmpf ogt, %gather3A_935, %select_n3A_925 : vector<16xf32>
    %eq3A_940 = arith.cmpf oeq, %gather3A_935, %select_n3A_925 : vector<16xf32>
    %lt3A_941 = arith.cmpi slt, %gather3A_938, %select_n3A_926 : vector<16xi32>
    %and3A_942 = arith.andi %eq3A_940, %lt3A_941 : vector<16xi1>
    %or3A_943 = arith.ori %gt3A_939, %and3A_942 : vector<16xi1>
    %select_n3A_944 = arith.select %or3A_943, %gather3A_935, %select_n3A_925 : vector<16xi1>, vector<16xf32>
    %select_n3A_945 = arith.select %or3A_943, %gather3A_938, %select_n3A_926 : vector<16xi1>, vector<16xi32>
    %add3A_946 = arith.constant 1 : i32
    %add3A_947 = vector.broadcast %add3A_946 : i32 to vector<16xi32>
    %add3A_948 = arith.addi %iota3A, %add3A_947 : vector<16xi32>
    %and3A_949 = arith.constant 15 : i32
    %and3A_950 = vector.broadcast %and3A_949 : i32 to vector<16xi32>
    %and3A_951 = arith.andi %add3A_948, %and3A_950 : vector<16xi32>
    %broadcast_in_dim3A_952 = vector.shape_cast %and3A_951 : vector<16xi32> to vector<16x1xi32>
    %gather3A_953 = vector.shape_cast %broadcast_in_dim3A_952 : vector<16x1xi32> to vector<16xi32>
    %gather3A_954 = tpu.dynamic_gather %select_n3A_944[%gather3A_953] in [0] : vector<16xf32>, vector<16xi32> -> vector<16xf32>
    %broadcast_in_dim3A_955 = vector.shape_cast %and3A_951 : vector<16xi32> to vector<16x1xi32>
    %gather3A_956 = vector.shape_cast %broadcast_in_dim3A_955 : vector<16x1xi32> to vector<16xi32>
    %gather3A_957 = tpu.dynamic_gather %select_n3A_945[%gather3A_956] in [0] : vector<16xi32>, vector<16xi32> -> vector<16xi32>
    %gt3A_958 = arith.cmpf ogt, %gather3A_954, %select_n3A_944 : vector<16xf32>
    %eq3A_959 = arith.cmpf oeq, %gather3A_954, %select_n3A_944 : vector<16xf32>
    %lt3A_960 = arith.cmpi slt, %gather3A_957, %select_n3A_945 : vector<16xi32>
    %and3A_961 = arith.andi %eq3A_959, %lt3A_960 : vector<16xi1>
    %or3A_962 = arith.ori %gt3A_958, %and3A_961 : vector<16xi1>
    %select_n3A_963 = arith.select %or3A_962, %gather3A_954, %select_n3A_944 : vector<16xi1>, vector<16xf32>
    %select_n3A_964 = arith.select %or3A_962, %gather3A_957, %select_n3A_945 : vector<16xi1>, vector<16xi32>
    %convert_element_type3A_965 = arith.sitofp %select_n3A_964 : vector<16xi32> to vector<16xf32>
    %add3A_966 = arith.constant 5.000000e-01 : f32
    %add3A_967 = vector.broadcast %add3A_966 : f32 to vector<16xf32>
    %add3A_968 = arith.addf %convert_element_type3A_965, %add3A_967 : vector<16xf32>
    %mul3A_969 = arith.constant 0.0357142873 : f32
    %mul3A_970 = vector.broadcast %mul3A_969 : f32 to vector<16xf32>
    %mul3A_971 = arith.mulf %add3A_968, %mul3A_970 : vector<16xf32>
    %convert_element_type3A_972 = arith.fptosi %mul3A_971 : vector<16xf32> to vector<16xi32>
    %mul3A_973 = arith.constant 28 : i32
    %mul3A_974 = vector.broadcast %mul3A_973 : i32 to vector<16xi32>
    %mul3A_975 = arith.muli %convert_element_type3A_972, %mul3A_974 : vector<16xi32>
    %sub3A_976 = arith.subi %select_n3A_964, %mul3A_975 : vector<16xi32>
    %mul3A_977 = arith.constant 28 : i32
    %mul3A_978 = arith.muli %and3A_2, %mul3A_977 : i32
    %add3A_979 = vector.broadcast %mul3A_978 : i32 to vector<16xi32>
    %add3A_980 = arith.addi %add3A_979, %convert_element_type3A_972 : vector<16xi32>
    %add3A_981 = arith.constant 196 : i32
    %add3A_982 = vector.broadcast %add3A_981 : i32 to vector<16xi32>
    %add3A_983 = arith.addi %add3A_982, %sub3A_976 : vector<16xi32>
    %mul3A_984 = arith.constant 50176 : i32
    %mul3A_985 = arith.muli %shift_right_arithmetic3A_1, %mul3A_984 : i32
    %mul3A_986 = arith.constant 224 : i32
    %mul3A_987 = vector.broadcast %mul3A_986 : i32 to vector<16xi32>
    %mul3A_988 = arith.muli %add3A_980, %mul3A_987 : vector<16xi32>
    %add3A_989 = vector.broadcast %mul3A_985 : i32 to vector<16xi32>
    %add3A_990 = arith.addi %add3A_989, %mul3A_988 : vector<16xi32>
    %add3A_991 = arith.addi %add3A_990, %add3A_983 : vector<16xi32>
    %eq3A_992 = arith.constant 0 : i32
    %eq3A_993 = vector.broadcast %eq3A_992 : i32 to vector<16xi32>
    %eq3A_994 = arith.cmpi eq, %iota3A, %eq3A_993 : vector<16xi32>
    %convert_element_type3A_995 = arith.sitofp %add3A_980 : vector<16xi32> to vector<16xf32>
    %eq3A_996 = arith.constant 1 : i32
    %eq3A_997 = vector.broadcast %eq3A_996 : i32 to vector<16xi32>
    %eq3A_998 = arith.cmpi eq, %iota3A, %eq3A_997 : vector<16xi32>
    %convert_element_type3A_999 = arith.sitofp %add3A_983 : vector<16xi32> to vector<16xf32>
    %jit3A_1000 = arith.constant 0.000000e+00 : f32
    %broadcast_in_dim3A_1001 = vector.broadcast %jit3A_1000 : f32 to vector<16xf32>
    %select_n3A_1002 = arith.select %eq3A_998, %convert_element_type3A_999, %broadcast_in_dim3A_1001 : vector<16xi1>, vector<16xf32>
    %select_n3A_1003 = arith.select %eq3A_994, %convert_element_type3A_995, %select_n3A_1002 : vector<16xi1>, vector<16xf32>
    %slice3A_1004 = vector.extract_strided_slice %add3A_991 {offsets = [0], sizes = [1], strides = [1]} : vector<16xi32> to vector<1xi32>
    %squeeze3A_1005 = vector.extract %slice3A_1004[0] : i32 from vector<1xi32>
    %dma_start3A = arith.constant 0 : i32
    %dma_start3A_1006 = arith.constant 0 : i32
    %dma_start3A_1007 = tpu.memref_slice %arg6[%dma_start3A, %dma_start3A_1006] : memref<8x32xf32, #tpu.memory_space<vmem>> -> memref<1x32xf32, #tpu.memory_space<vmem>>
    %dma_start3A_1008 = tpu.memref_squeeze %dma_start3A_1007 : memref<1x32xf32, #tpu.memory_space<vmem>> -> memref<32xf32, #tpu.memory_space<vmem>>
    %dma_start3A_1009 = arith.constant 0 : i32
    %dma_start3A_1010 = tpu.memref_slice %arg3[%squeeze3A, %dma_start3A_1009] : memref<200704x32xf32, #tpu.memory_space<hbm>> -> memref<1x32xf32, #tpu.memory_space<hbm>>
    %dma_start3A_1011 = tpu.memref_squeeze %dma_start3A_1010 : memref<1x32xf32, #tpu.memory_space<hbm>> -> memref<32xf32, #tpu.memory_space<hbm>>
    %dma_start3A_1012 = arith.constant 0 : i32
    %dma_start3A_1013 = tpu.memref_slice %arg6[%dma_start3A, %dma_start3A_1012] : memref<8x32xf32, #tpu.memory_space<vmem>> -> memref<1x32xf32, #tpu.memory_space<vmem>>
    %dma_start3A_1014 = tpu.memref_squeeze %dma_start3A_1013 : memref<1x32xf32, #tpu.memory_space<vmem>> -> memref<32xf32, #tpu.memory_space<vmem>>
    %dma_start3A_1015 = arith.constant 0 : i32
    %dma_start3A_1016 = tpu.memref_slice %arg3[%squeeze3A, %dma_start3A_1015] : memref<200704x32xf32, #tpu.memory_space<hbm>> -> memref<1x32xf32, #tpu.memory_space<hbm>>
    %dma_start3A_1017 = tpu.memref_squeeze %dma_start3A_1016 : memref<1x32xf32, #tpu.memory_space<hbm>> -> memref<32xf32, #tpu.memory_space<hbm>>
    tpu.enqueue_dma source(%dma_start3A_1017 : memref<32xf32, #tpu.memory_space<hbm>>) target(%dma_start3A_1014 : memref<32xf32, #tpu.memory_space<vmem>>) target_semaphore(%arg8 : memref<!tpu.dma_semaphore, #tpu.memory_space<semaphore_mem>>)
    %dma_start3A_1018 = arith.constant 1 : i32
    %dma_start3A_1019 = arith.constant 0 : i32
    %dma_start3A_1020 = tpu.memref_slice %arg6[%dma_start3A_1018, %dma_start3A_1019] : memref<8x32xf32, #tpu.memory_space<vmem>> -> memref<1x32xf32, #tpu.memory_space<vmem>>
    %dma_start3A_1021 = tpu.memref_squeeze %dma_start3A_1020 : memref<1x32xf32, #tpu.memory_space<vmem>> -> memref<32xf32, #tpu.memory_space<vmem>>
    %dma_start3A_1022 = arith.constant 0 : i32
    %dma_start3A_1023 = tpu.memref_slice %arg3[%squeeze3A_243, %dma_start3A_1022] : memref<200704x32xf32, #tpu.memory_space<hbm>> -> memref<1x32xf32, #tpu.memory_space<hbm>>
    %dma_start3A_1024 = tpu.memref_squeeze %dma_start3A_1023 : memref<1x32xf32, #tpu.memory_space<hbm>> -> memref<32xf32, #tpu.memory_space<hbm>>
    %dma_start3A_1025 = arith.constant 0 : i32
    %dma_start3A_1026 = tpu.memref_slice %arg6[%dma_start3A_1018, %dma_start3A_1025] : memref<8x32xf32, #tpu.memory_space<vmem>> -> memref<1x32xf32, #tpu.memory_space<vmem>>
    %dma_start3A_1027 = tpu.memref_squeeze %dma_start3A_1026 : memref<1x32xf32, #tpu.memory_space<vmem>> -> memref<32xf32, #tpu.memory_space<vmem>>
    %dma_start3A_1028 = arith.constant 0 : i32
    %dma_start3A_1029 = tpu.memref_slice %arg3[%squeeze3A_243, %dma_start3A_1028] : memref<200704x32xf32, #tpu.memory_space<hbm>> -> memref<1x32xf32, #tpu.memory_space<hbm>>
    %dma_start3A_1030 = tpu.memref_squeeze %dma_start3A_1029 : memref<1x32xf32, #tpu.memory_space<hbm>> -> memref<32xf32, #tpu.memory_space<hbm>>
    tpu.enqueue_dma source(%dma_start3A_1030 : memref<32xf32, #tpu.memory_space<hbm>>) target(%dma_start3A_1027 : memref<32xf32, #tpu.memory_space<vmem>>) target_semaphore(%arg8 : memref<!tpu.dma_semaphore, #tpu.memory_space<semaphore_mem>>)
    %dma_start3A_1031 = arith.constant 2 : i32
    %dma_start3A_1032 = arith.constant 0 : i32
    %dma_start3A_1033 = tpu.memref_slice %arg6[%dma_start3A_1031, %dma_start3A_1032] : memref<8x32xf32, #tpu.memory_space<vmem>> -> memref<1x32xf32, #tpu.memory_space<vmem>>
    %dma_start3A_1034 = tpu.memref_squeeze %dma_start3A_1033 : memref<1x32xf32, #tpu.memory_space<vmem>> -> memref<32xf32, #tpu.memory_space<vmem>>
    %dma_start3A_1035 = arith.constant 0 : i32
    %dma_start3A_1036 = tpu.memref_slice %arg3[%squeeze3A_370, %dma_start3A_1035] : memref<200704x32xf32, #tpu.memory_space<hbm>> -> memref<1x32xf32, #tpu.memory_space<hbm>>
    %dma_start3A_1037 = tpu.memref_squeeze %dma_start3A_1036 : memref<1x32xf32, #tpu.memory_space<hbm>> -> memref<32xf32, #tpu.memory_space<hbm>>
    %dma_start3A_1038 = arith.constant 0 : i32
    %dma_start3A_1039 = tpu.memref_slice %arg6[%dma_start3A_1031, %dma_start3A_1038] : memref<8x32xf32, #tpu.memory_space<vmem>> -> memref<1x32xf32, #tpu.memory_space<vmem>>
    %dma_start3A_1040 = tpu.memref_squeeze %dma_start3A_1039 : memref<1x32xf32, #tpu.memory_space<vmem>> -> memref<32xf32, #tpu.memory_space<vmem>>
    %dma_start3A_1041 = arith.constant 0 : i32
    %dma_start3A_1042 = tpu.memref_slice %arg3[%squeeze3A_370, %dma_start3A_1041] : memref<200704x32xf32, #tpu.memory_space<hbm>> -> memref<1x32xf32, #tpu.memory_space<hbm>>
    %dma_start3A_1043 = tpu.memref_squeeze %dma_start3A_1042 : memref<1x32xf32, #tpu.memory_space<hbm>> -> memref<32xf32, #tpu.memory_space<hbm>>
    tpu.enqueue_dma source(%dma_start3A_1043 : memref<32xf32, #tpu.memory_space<hbm>>) target(%dma_start3A_1040 : memref<32xf32, #tpu.memory_space<vmem>>) target_semaphore(%arg8 : memref<!tpu.dma_semaphore, #tpu.memory_space<semaphore_mem>>)
    %dma_start3A_1044 = arith.constant 3 : i32
    %dma_start3A_1045 = arith.constant 0 : i32
    %dma_start3A_1046 = tpu.memref_slice %arg6[%dma_start3A_1044, %dma_start3A_1045] : memref<8x32xf32, #tpu.memory_space<vmem>> -> memref<1x32xf32, #tpu.memory_space<vmem>>
    %dma_start3A_1047 = tpu.memref_squeeze %dma_start3A_1046 : memref<1x32xf32, #tpu.memory_space<vmem>> -> memref<32xf32, #tpu.memory_space<vmem>>
    %dma_start3A_1048 = arith.constant 0 : i32
    %dma_start3A_1049 = tpu.memref_slice %arg3[%squeeze3A_497, %dma_start3A_1048] : memref<200704x32xf32, #tpu.memory_space<hbm>> -> memref<1x32xf32, #tpu.memory_space<hbm>>
    %dma_start3A_1050 = tpu.memref_squeeze %dma_start3A_1049 : memref<1x32xf32, #tpu.memory_space<hbm>> -> memref<32xf32, #tpu.memory_space<hbm>>
    %dma_start3A_1051 = arith.constant 0 : i32
    %dma_start3A_1052 = tpu.memref_slice %arg6[%dma_start3A_1044, %dma_start3A_1051] : memref<8x32xf32, #tpu.memory_space<vmem>> -> memref<1x32xf32, #tpu.memory_space<vmem>>
    %dma_start3A_1053 = tpu.memref_squeeze %dma_start3A_1052 : memref<1x32xf32, #tpu.memory_space<vmem>> -> memref<32xf32, #tpu.memory_space<vmem>>
    %dma_start3A_1054 = arith.constant 0 : i32
    %dma_start3A_1055 = tpu.memref_slice %arg3[%squeeze3A_497, %dma_start3A_1054] : memref<200704x32xf32, #tpu.memory_space<hbm>> -> memref<1x32xf32, #tpu.memory_space<hbm>>
    %dma_start3A_1056 = tpu.memref_squeeze %dma_start3A_1055 : memref<1x32xf32, #tpu.memory_space<hbm>> -> memref<32xf32, #tpu.memory_space<hbm>>
    tpu.enqueue_dma source(%dma_start3A_1056 : memref<32xf32, #tpu.memory_space<hbm>>) target(%dma_start3A_1053 : memref<32xf32, #tpu.memory_space<vmem>>) target_semaphore(%arg8 : memref<!tpu.dma_semaphore, #tpu.memory_space<semaphore_mem>>)
    %dma_start3A_1057 = arith.constant 4 : i32
    %dma_start3A_1058 = arith.constant 0 : i32
    %dma_start3A_1059 = tpu.memref_slice %arg6[%dma_start3A_1057, %dma_start3A_1058] : memref<8x32xf32, #tpu.memory_space<vmem>> -> memref<1x32xf32, #tpu.memory_space<vmem>>
    %dma_start3A_1060 = tpu.memref_squeeze %dma_start3A_1059 : memref<1x32xf32, #tpu.memory_space<vmem>> -> memref<32xf32, #tpu.memory_space<vmem>>
    %dma_start3A_1061 = arith.constant 0 : i32
    %dma_start3A_1062 = tpu.memref_slice %arg3[%squeeze3A_624, %dma_start3A_1061] : memref<200704x32xf32, #tpu.memory_space<hbm>> -> memref<1x32xf32, #tpu.memory_space<hbm>>
    %dma_start3A_1063 = tpu.memref_squeeze %dma_start3A_1062 : memref<1x32xf32, #tpu.memory_space<hbm>> -> memref<32xf32, #tpu.memory_space<hbm>>
    %dma_start3A_1064 = arith.constant 0 : i32
    %dma_start3A_1065 = tpu.memref_slice %arg6[%dma_start3A_1057, %dma_start3A_1064] : memref<8x32xf32, #tpu.memory_space<vmem>> -> memref<1x32xf32, #tpu.memory_space<vmem>>
    %dma_start3A_1066 = tpu.memref_squeeze %dma_start3A_1065 : memref<1x32xf32, #tpu.memory_space<vmem>> -> memref<32xf32, #tpu.memory_space<vmem>>
    %dma_start3A_1067 = arith.constant 0 : i32
    %dma_start3A_1068 = tpu.memref_slice %arg3[%squeeze3A_624, %dma_start3A_1067] : memref<200704x32xf32, #tpu.memory_space<hbm>> -> memref<1x32xf32, #tpu.memory_space<hbm>>
    %dma_start3A_1069 = tpu.memref_squeeze %dma_start3A_1068 : memref<1x32xf32, #tpu.memory_space<hbm>> -> memref<32xf32, #tpu.memory_space<hbm>>
    tpu.enqueue_dma source(%dma_start3A_1069 : memref<32xf32, #tpu.memory_space<hbm>>) target(%dma_start3A_1066 : memref<32xf32, #tpu.memory_space<vmem>>) target_semaphore(%arg8 : memref<!tpu.dma_semaphore, #tpu.memory_space<semaphore_mem>>)
    %dma_start3A_1070 = arith.constant 5 : i32
    %dma_start3A_1071 = arith.constant 0 : i32
    %dma_start3A_1072 = tpu.memref_slice %arg6[%dma_start3A_1070, %dma_start3A_1071] : memref<8x32xf32, #tpu.memory_space<vmem>> -> memref<1x32xf32, #tpu.memory_space<vmem>>
    %dma_start3A_1073 = tpu.memref_squeeze %dma_start3A_1072 : memref<1x32xf32, #tpu.memory_space<vmem>> -> memref<32xf32, #tpu.memory_space<vmem>>
    %dma_start3A_1074 = arith.constant 0 : i32
    %dma_start3A_1075 = tpu.memref_slice %arg3[%squeeze3A_751, %dma_start3A_1074] : memref<200704x32xf32, #tpu.memory_space<hbm>> -> memref<1x32xf32, #tpu.memory_space<hbm>>
    %dma_start3A_1076 = tpu.memref_squeeze %dma_start3A_1075 : memref<1x32xf32, #tpu.memory_space<hbm>> -> memref<32xf32, #tpu.memory_space<hbm>>
    %dma_start3A_1077 = arith.constant 0 : i32
    %dma_start3A_1078 = tpu.memref_slice %arg6[%dma_start3A_1070, %dma_start3A_1077] : memref<8x32xf32, #tpu.memory_space<vmem>> -> memref<1x32xf32, #tpu.memory_space<vmem>>
    %dma_start3A_1079 = tpu.memref_squeeze %dma_start3A_1078 : memref<1x32xf32, #tpu.memory_space<vmem>> -> memref<32xf32, #tpu.memory_space<vmem>>
    %dma_start3A_1080 = arith.constant 0 : i32
    %dma_start3A_1081 = tpu.memref_slice %arg3[%squeeze3A_751, %dma_start3A_1080] : memref<200704x32xf32, #tpu.memory_space<hbm>> -> memref<1x32xf32, #tpu.memory_space<hbm>>
    %dma_start3A_1082 = tpu.memref_squeeze %dma_start3A_1081 : memref<1x32xf32, #tpu.memory_space<hbm>> -> memref<32xf32, #tpu.memory_space<hbm>>
    tpu.enqueue_dma source(%dma_start3A_1082 : memref<32xf32, #tpu.memory_space<hbm>>) target(%dma_start3A_1079 : memref<32xf32, #tpu.memory_space<vmem>>) target_semaphore(%arg8 : memref<!tpu.dma_semaphore, #tpu.memory_space<semaphore_mem>>)
    %dma_start3A_1083 = arith.constant 6 : i32
    %dma_start3A_1084 = arith.constant 0 : i32
    %dma_start3A_1085 = tpu.memref_slice %arg6[%dma_start3A_1083, %dma_start3A_1084] : memref<8x32xf32, #tpu.memory_space<vmem>> -> memref<1x32xf32, #tpu.memory_space<vmem>>
    %dma_start3A_1086 = tpu.memref_squeeze %dma_start3A_1085 : memref<1x32xf32, #tpu.memory_space<vmem>> -> memref<32xf32, #tpu.memory_space<vmem>>
    %dma_start3A_1087 = arith.constant 0 : i32
    %dma_start3A_1088 = tpu.memref_slice %arg3[%squeeze3A_878, %dma_start3A_1087] : memref<200704x32xf32, #tpu.memory_space<hbm>> -> memref<1x32xf32, #tpu.memory_space<hbm>>
    %dma_start3A_1089 = tpu.memref_squeeze %dma_start3A_1088 : memref<1x32xf32, #tpu.memory_space<hbm>> -> memref<32xf32, #tpu.memory_space<hbm>>
    %dma_start3A_1090 = arith.constant 0 : i32
    %dma_start3A_1091 = tpu.memref_slice %arg6[%dma_start3A_1083, %dma_start3A_1090] : memref<8x32xf32, #tpu.memory_space<vmem>> -> memref<1x32xf32, #tpu.memory_space<vmem>>
    %dma_start3A_1092 = tpu.memref_squeeze %dma_start3A_1091 : memref<1x32xf32, #tpu.memory_space<vmem>> -> memref<32xf32, #tpu.memory_space<vmem>>
    %dma_start3A_1093 = arith.constant 0 : i32
    %dma_start3A_1094 = tpu.memref_slice %arg3[%squeeze3A_878, %dma_start3A_1093] : memref<200704x32xf32, #tpu.memory_space<hbm>> -> memref<1x32xf32, #tpu.memory_space<hbm>>
    %dma_start3A_1095 = tpu.memref_squeeze %dma_start3A_1094 : memref<1x32xf32, #tpu.memory_space<hbm>> -> memref<32xf32, #tpu.memory_space<hbm>>
    tpu.enqueue_dma source(%dma_start3A_1095 : memref<32xf32, #tpu.memory_space<hbm>>) target(%dma_start3A_1092 : memref<32xf32, #tpu.memory_space<vmem>>) target_semaphore(%arg8 : memref<!tpu.dma_semaphore, #tpu.memory_space<semaphore_mem>>)
    %dma_start3A_1096 = arith.constant 7 : i32
    %dma_start3A_1097 = arith.constant 0 : i32
    %dma_start3A_1098 = tpu.memref_slice %arg6[%dma_start3A_1096, %dma_start3A_1097] : memref<8x32xf32, #tpu.memory_space<vmem>> -> memref<1x32xf32, #tpu.memory_space<vmem>>
    %dma_start3A_1099 = tpu.memref_squeeze %dma_start3A_1098 : memref<1x32xf32, #tpu.memory_space<vmem>> -> memref<32xf32, #tpu.memory_space<vmem>>
    %dma_start3A_1100 = arith.constant 0 : i32
    %dma_start3A_1101 = tpu.memref_slice %arg3[%squeeze3A_1005, %dma_start3A_1100] : memref<200704x32xf32, #tpu.memory_space<hbm>> -> memref<1x32xf32, #tpu.memory_space<hbm>>
    %dma_start3A_1102 = tpu.memref_squeeze %dma_start3A_1101 : memref<1x32xf32, #tpu.memory_space<hbm>> -> memref<32xf32, #tpu.memory_space<hbm>>
    %dma_start3A_1103 = arith.constant 0 : i32
    %dma_start3A_1104 = tpu.memref_slice %arg6[%dma_start3A_1096, %dma_start3A_1103] : memref<8x32xf32, #tpu.memory_space<vmem>> -> memref<1x32xf32, #tpu.memory_space<vmem>>
    %dma_start3A_1105 = tpu.memref_squeeze %dma_start3A_1104 : memref<1x32xf32, #tpu.memory_space<vmem>> -> memref<32xf32, #tpu.memory_space<vmem>>
    %dma_start3A_1106 = arith.constant 0 : i32
    %dma_start3A_1107 = tpu.memref_slice %arg3[%squeeze3A_1005, %dma_start3A_1106] : memref<200704x32xf32, #tpu.memory_space<hbm>> -> memref<1x32xf32, #tpu.memory_space<hbm>>
    %dma_start3A_1108 = tpu.memref_squeeze %dma_start3A_1107 : memref<1x32xf32, #tpu.memory_space<hbm>> -> memref<32xf32, #tpu.memory_space<hbm>>
    tpu.enqueue_dma source(%dma_start3A_1108 : memref<32xf32, #tpu.memory_space<hbm>>) target(%dma_start3A_1105 : memref<32xf32, #tpu.memory_space<vmem>>) target_semaphore(%arg8 : memref<!tpu.dma_semaphore, #tpu.memory_space<semaphore_mem>>)
    %dma_wait3A = arith.constant 0 : i32
    %dma_wait3A_1109 = arith.constant 0 : i32
    %dma_wait3A_1110 = tpu.memref_slice %arg6[%dma_wait3A, %dma_wait3A_1109] : memref<8x32xf32, #tpu.memory_space<vmem>> -> memref<1x32xf32, #tpu.memory_space<vmem>>
    %dma_wait3A_1111 = tpu.memref_squeeze %dma_wait3A_1110 : memref<1x32xf32, #tpu.memory_space<vmem>> -> memref<32xf32, #tpu.memory_space<vmem>>
    %dma_wait3A_1112 = arith.constant 0 : i32
    %dma_wait3A_1113 = tpu.memref_slice %arg3[%squeeze3A, %dma_wait3A_1112] : memref<200704x32xf32, #tpu.memory_space<hbm>> -> memref<1x32xf32, #tpu.memory_space<hbm>>
    %dma_wait3A_1114 = tpu.memref_squeeze %dma_wait3A_1113 : memref<1x32xf32, #tpu.memory_space<hbm>> -> memref<32xf32, #tpu.memory_space<hbm>>
    %dma_wait3A_1115 = arith.constant 0 : i32
    %dma_wait3A_1116 = tpu.memref_slice %arg6[%dma_wait3A, %dma_wait3A_1115] : memref<8x32xf32, #tpu.memory_space<vmem>> -> memref<1x32xf32, #tpu.memory_space<vmem>>
    %dma_wait3A_1117 = tpu.memref_squeeze %dma_wait3A_1116 : memref<1x32xf32, #tpu.memory_space<vmem>> -> memref<32xf32, #tpu.memory_space<vmem>>
    %dma_wait3A_1118 = arith.constant 0 : i32
    %dma_wait3A_1119 = tpu.memref_slice %arg3[%squeeze3A, %dma_wait3A_1118] : memref<200704x32xf32, #tpu.memory_space<hbm>> -> memref<1x32xf32, #tpu.memory_space<hbm>>
    %dma_wait3A_1120 = tpu.memref_squeeze %dma_wait3A_1119 : memref<1x32xf32, #tpu.memory_space<hbm>> -> memref<32xf32, #tpu.memory_space<hbm>>
    tpu.wait_dma2 semaphore(%arg8 : memref<!tpu.dma_semaphore, #tpu.memory_space<semaphore_mem>>) src(%dma_wait3A_1120 : memref<32xf32, #tpu.memory_space<hbm>>) dst(%dma_wait3A_1117 : memref<32xf32, #tpu.memory_space<vmem>>)
    %dma_wait3A_1121 = arith.constant 1 : i32
    %dma_wait3A_1122 = arith.constant 0 : i32
    %dma_wait3A_1123 = tpu.memref_slice %arg6[%dma_wait3A_1121, %dma_wait3A_1122] : memref<8x32xf32, #tpu.memory_space<vmem>> -> memref<1x32xf32, #tpu.memory_space<vmem>>
    %dma_wait3A_1124 = tpu.memref_squeeze %dma_wait3A_1123 : memref<1x32xf32, #tpu.memory_space<vmem>> -> memref<32xf32, #tpu.memory_space<vmem>>
    %dma_wait3A_1125 = arith.constant 0 : i32
    %dma_wait3A_1126 = tpu.memref_slice %arg3[%squeeze3A_243, %dma_wait3A_1125] : memref<200704x32xf32, #tpu.memory_space<hbm>> -> memref<1x32xf32, #tpu.memory_space<hbm>>
    %dma_wait3A_1127 = tpu.memref_squeeze %dma_wait3A_1126 : memref<1x32xf32, #tpu.memory_space<hbm>> -> memref<32xf32, #tpu.memory_space<hbm>>
    %dma_wait3A_1128 = arith.constant 0 : i32
    %dma_wait3A_1129 = tpu.memref_slice %arg6[%dma_wait3A_1121, %dma_wait3A_1128] : memref<8x32xf32, #tpu.memory_space<vmem>> -> memref<1x32xf32, #tpu.memory_space<vmem>>
    %dma_wait3A_1130 = tpu.memref_squeeze %dma_wait3A_1129 : memref<1x32xf32, #tpu.memory_space<vmem>> -> memref<32xf32, #tpu.memory_space<vmem>>
    %dma_wait3A_1131 = arith.constant 0 : i32
    %dma_wait3A_1132 = tpu.memref_slice %arg3[%squeeze3A_243, %dma_wait3A_1131] : memref<200704x32xf32, #tpu.memory_space<hbm>> -> memref<1x32xf32, #tpu.memory_space<hbm>>
    %dma_wait3A_1133 = tpu.memref_squeeze %dma_wait3A_1132 : memref<1x32xf32, #tpu.memory_space<hbm>> -> memref<32xf32, #tpu.memory_space<hbm>>
    tpu.wait_dma2 semaphore(%arg8 : memref<!tpu.dma_semaphore, #tpu.memory_space<semaphore_mem>>) src(%dma_wait3A_1133 : memref<32xf32, #tpu.memory_space<hbm>>) dst(%dma_wait3A_1130 : memref<32xf32, #tpu.memory_space<vmem>>)
    %dma_wait3A_1134 = arith.constant 2 : i32
    %dma_wait3A_1135 = arith.constant 0 : i32
    %dma_wait3A_1136 = tpu.memref_slice %arg6[%dma_wait3A_1134, %dma_wait3A_1135] : memref<8x32xf32, #tpu.memory_space<vmem>> -> memref<1x32xf32, #tpu.memory_space<vmem>>
    %dma_wait3A_1137 = tpu.memref_squeeze %dma_wait3A_1136 : memref<1x32xf32, #tpu.memory_space<vmem>> -> memref<32xf32, #tpu.memory_space<vmem>>
    %dma_wait3A_1138 = arith.constant 0 : i32
    %dma_wait3A_1139 = tpu.memref_slice %arg3[%squeeze3A_370, %dma_wait3A_1138] : memref<200704x32xf32, #tpu.memory_space<hbm>> -> memref<1x32xf32, #tpu.memory_space<hbm>>
    %dma_wait3A_1140 = tpu.memref_squeeze %dma_wait3A_1139 : memref<1x32xf32, #tpu.memory_space<hbm>> -> memref<32xf32, #tpu.memory_space<hbm>>
    %dma_wait3A_1141 = arith.constant 0 : i32
    %dma_wait3A_1142 = tpu.memref_slice %arg6[%dma_wait3A_1134, %dma_wait3A_1141] : memref<8x32xf32, #tpu.memory_space<vmem>> -> memref<1x32xf32, #tpu.memory_space<vmem>>
    %dma_wait3A_1143 = tpu.memref_squeeze %dma_wait3A_1142 : memref<1x32xf32, #tpu.memory_space<vmem>> -> memref<32xf32, #tpu.memory_space<vmem>>
    %dma_wait3A_1144 = arith.constant 0 : i32
    %dma_wait3A_1145 = tpu.memref_slice %arg3[%squeeze3A_370, %dma_wait3A_1144] : memref<200704x32xf32, #tpu.memory_space<hbm>> -> memref<1x32xf32, #tpu.memory_space<hbm>>
    %dma_wait3A_1146 = tpu.memref_squeeze %dma_wait3A_1145 : memref<1x32xf32, #tpu.memory_space<hbm>> -> memref<32xf32, #tpu.memory_space<hbm>>
    tpu.wait_dma2 semaphore(%arg8 : memref<!tpu.dma_semaphore, #tpu.memory_space<semaphore_mem>>) src(%dma_wait3A_1146 : memref<32xf32, #tpu.memory_space<hbm>>) dst(%dma_wait3A_1143 : memref<32xf32, #tpu.memory_space<vmem>>)
    %dma_wait3A_1147 = arith.constant 3 : i32
    %dma_wait3A_1148 = arith.constant 0 : i32
    %dma_wait3A_1149 = tpu.memref_slice %arg6[%dma_wait3A_1147, %dma_wait3A_1148] : memref<8x32xf32, #tpu.memory_space<vmem>> -> memref<1x32xf32, #tpu.memory_space<vmem>>
    %dma_wait3A_1150 = tpu.memref_squeeze %dma_wait3A_1149 : memref<1x32xf32, #tpu.memory_space<vmem>> -> memref<32xf32, #tpu.memory_space<vmem>>
    %dma_wait3A_1151 = arith.constant 0 : i32
    %dma_wait3A_1152 = tpu.memref_slice %arg3[%squeeze3A_497, %dma_wait3A_1151] : memref<200704x32xf32, #tpu.memory_space<hbm>> -> memref<1x32xf32, #tpu.memory_space<hbm>>
    %dma_wait3A_1153 = tpu.memref_squeeze %dma_wait3A_1152 : memref<1x32xf32, #tpu.memory_space<hbm>> -> memref<32xf32, #tpu.memory_space<hbm>>
    %dma_wait3A_1154 = arith.constant 0 : i32
    %dma_wait3A_1155 = tpu.memref_slice %arg6[%dma_wait3A_1147, %dma_wait3A_1154] : memref<8x32xf32, #tpu.memory_space<vmem>> -> memref<1x32xf32, #tpu.memory_space<vmem>>
    %dma_wait3A_1156 = tpu.memref_squeeze %dma_wait3A_1155 : memref<1x32xf32, #tpu.memory_space<vmem>> -> memref<32xf32, #tpu.memory_space<vmem>>
    %dma_wait3A_1157 = arith.constant 0 : i32
    %dma_wait3A_1158 = tpu.memref_slice %arg3[%squeeze3A_497, %dma_wait3A_1157] : memref<200704x32xf32, #tpu.memory_space<hbm>> -> memref<1x32xf32, #tpu.memory_space<hbm>>
    %dma_wait3A_1159 = tpu.memref_squeeze %dma_wait3A_1158 : memref<1x32xf32, #tpu.memory_space<hbm>> -> memref<32xf32, #tpu.memory_space<hbm>>
    tpu.wait_dma2 semaphore(%arg8 : memref<!tpu.dma_semaphore, #tpu.memory_space<semaphore_mem>>) src(%dma_wait3A_1159 : memref<32xf32, #tpu.memory_space<hbm>>) dst(%dma_wait3A_1156 : memref<32xf32, #tpu.memory_space<vmem>>)
    %dma_wait3A_1160 = arith.constant 4 : i32
    %dma_wait3A_1161 = arith.constant 0 : i32
    %dma_wait3A_1162 = tpu.memref_slice %arg6[%dma_wait3A_1160, %dma_wait3A_1161] : memref<8x32xf32, #tpu.memory_space<vmem>> -> memref<1x32xf32, #tpu.memory_space<vmem>>
    %dma_wait3A_1163 = tpu.memref_squeeze %dma_wait3A_1162 : memref<1x32xf32, #tpu.memory_space<vmem>> -> memref<32xf32, #tpu.memory_space<vmem>>
    %dma_wait3A_1164 = arith.constant 0 : i32
    %dma_wait3A_1165 = tpu.memref_slice %arg3[%squeeze3A_624, %dma_wait3A_1164] : memref<200704x32xf32, #tpu.memory_space<hbm>> -> memref<1x32xf32, #tpu.memory_space<hbm>>
    %dma_wait3A_1166 = tpu.memref_squeeze %dma_wait3A_1165 : memref<1x32xf32, #tpu.memory_space<hbm>> -> memref<32xf32, #tpu.memory_space<hbm>>
    %dma_wait3A_1167 = arith.constant 0 : i32
    %dma_wait3A_1168 = tpu.memref_slice %arg6[%dma_wait3A_1160, %dma_wait3A_1167] : memref<8x32xf32, #tpu.memory_space<vmem>> -> memref<1x32xf32, #tpu.memory_space<vmem>>
    %dma_wait3A_1169 = tpu.memref_squeeze %dma_wait3A_1168 : memref<1x32xf32, #tpu.memory_space<vmem>> -> memref<32xf32, #tpu.memory_space<vmem>>
    %dma_wait3A_1170 = arith.constant 0 : i32
    %dma_wait3A_1171 = tpu.memref_slice %arg3[%squeeze3A_624, %dma_wait3A_1170] : memref<200704x32xf32, #tpu.memory_space<hbm>> -> memref<1x32xf32, #tpu.memory_space<hbm>>
    %dma_wait3A_1172 = tpu.memref_squeeze %dma_wait3A_1171 : memref<1x32xf32, #tpu.memory_space<hbm>> -> memref<32xf32, #tpu.memory_space<hbm>>
    tpu.wait_dma2 semaphore(%arg8 : memref<!tpu.dma_semaphore, #tpu.memory_space<semaphore_mem>>) src(%dma_wait3A_1172 : memref<32xf32, #tpu.memory_space<hbm>>) dst(%dma_wait3A_1169 : memref<32xf32, #tpu.memory_space<vmem>>)
    %dma_wait3A_1173 = arith.constant 5 : i32
    %dma_wait3A_1174 = arith.constant 0 : i32
    %dma_wait3A_1175 = tpu.memref_slice %arg6[%dma_wait3A_1173, %dma_wait3A_1174] : memref<8x32xf32, #tpu.memory_space<vmem>> -> memref<1x32xf32, #tpu.memory_space<vmem>>
    %dma_wait3A_1176 = tpu.memref_squeeze %dma_wait3A_1175 : memref<1x32xf32, #tpu.memory_space<vmem>> -> memref<32xf32, #tpu.memory_space<vmem>>
    %dma_wait3A_1177 = arith.constant 0 : i32
    %dma_wait3A_1178 = tpu.memref_slice %arg3[%squeeze3A_751, %dma_wait3A_1177] : memref<200704x32xf32, #tpu.memory_space<hbm>> -> memref<1x32xf32, #tpu.memory_space<hbm>>
    %dma_wait3A_1179 = tpu.memref_squeeze %dma_wait3A_1178 : memref<1x32xf32, #tpu.memory_space<hbm>> -> memref<32xf32, #tpu.memory_space<hbm>>
    %dma_wait3A_1180 = arith.constant 0 : i32
    %dma_wait3A_1181 = tpu.memref_slice %arg6[%dma_wait3A_1173, %dma_wait3A_1180] : memref<8x32xf32, #tpu.memory_space<vmem>> -> memref<1x32xf32, #tpu.memory_space<vmem>>
    %dma_wait3A_1182 = tpu.memref_squeeze %dma_wait3A_1181 : memref<1x32xf32, #tpu.memory_space<vmem>> -> memref<32xf32, #tpu.memory_space<vmem>>
    %dma_wait3A_1183 = arith.constant 0 : i32
    %dma_wait3A_1184 = tpu.memref_slice %arg3[%squeeze3A_751, %dma_wait3A_1183] : memref<200704x32xf32, #tpu.memory_space<hbm>> -> memref<1x32xf32, #tpu.memory_space<hbm>>
    %dma_wait3A_1185 = tpu.memref_squeeze %dma_wait3A_1184 : memref<1x32xf32, #tpu.memory_space<hbm>> -> memref<32xf32, #tpu.memory_space<hbm>>
    tpu.wait_dma2 semaphore(%arg8 : memref<!tpu.dma_semaphore, #tpu.memory_space<semaphore_mem>>) src(%dma_wait3A_1185 : memref<32xf32, #tpu.memory_space<hbm>>) dst(%dma_wait3A_1182 : memref<32xf32, #tpu.memory_space<vmem>>)
    %dma_wait3A_1186 = arith.constant 6 : i32
    %dma_wait3A_1187 = arith.constant 0 : i32
    %dma_wait3A_1188 = tpu.memref_slice %arg6[%dma_wait3A_1186, %dma_wait3A_1187] : memref<8x32xf32, #tpu.memory_space<vmem>> -> memref<1x32xf32, #tpu.memory_space<vmem>>
    %dma_wait3A_1189 = tpu.memref_squeeze %dma_wait3A_1188 : memref<1x32xf32, #tpu.memory_space<vmem>> -> memref<32xf32, #tpu.memory_space<vmem>>
    %dma_wait3A_1190 = arith.constant 0 : i32
    %dma_wait3A_1191 = tpu.memref_slice %arg3[%squeeze3A_878, %dma_wait3A_1190] : memref<200704x32xf32, #tpu.memory_space<hbm>> -> memref<1x32xf32, #tpu.memory_space<hbm>>
    %dma_wait3A_1192 = tpu.memref_squeeze %dma_wait3A_1191 : memref<1x32xf32, #tpu.memory_space<hbm>> -> memref<32xf32, #tpu.memory_space<hbm>>
    %dma_wait3A_1193 = arith.constant 0 : i32
    %dma_wait3A_1194 = tpu.memref_slice %arg6[%dma_wait3A_1186, %dma_wait3A_1193] : memref<8x32xf32, #tpu.memory_space<vmem>> -> memref<1x32xf32, #tpu.memory_space<vmem>>
    %dma_wait3A_1195 = tpu.memref_squeeze %dma_wait3A_1194 : memref<1x32xf32, #tpu.memory_space<vmem>> -> memref<32xf32, #tpu.memory_space<vmem>>
    %dma_wait3A_1196 = arith.constant 0 : i32
    %dma_wait3A_1197 = tpu.memref_slice %arg3[%squeeze3A_878, %dma_wait3A_1196] : memref<200704x32xf32, #tpu.memory_space<hbm>> -> memref<1x32xf32, #tpu.memory_space<hbm>>
    %dma_wait3A_1198 = tpu.memref_squeeze %dma_wait3A_1197 : memref<1x32xf32, #tpu.memory_space<hbm>> -> memref<32xf32, #tpu.memory_space<hbm>>
    tpu.wait_dma2 semaphore(%arg8 : memref<!tpu.dma_semaphore, #tpu.memory_space<semaphore_mem>>) src(%dma_wait3A_1198 : memref<32xf32, #tpu.memory_space<hbm>>) dst(%dma_wait3A_1195 : memref<32xf32, #tpu.memory_space<vmem>>)
    %dma_wait3A_1199 = arith.constant 7 : i32
    %dma_wait3A_1200 = arith.constant 0 : i32
    %dma_wait3A_1201 = tpu.memref_slice %arg6[%dma_wait3A_1199, %dma_wait3A_1200] : memref<8x32xf32, #tpu.memory_space<vmem>> -> memref<1x32xf32, #tpu.memory_space<vmem>>
    %dma_wait3A_1202 = tpu.memref_squeeze %dma_wait3A_1201 : memref<1x32xf32, #tpu.memory_space<vmem>> -> memref<32xf32, #tpu.memory_space<vmem>>
    %dma_wait3A_1203 = arith.constant 0 : i32
    %dma_wait3A_1204 = tpu.memref_slice %arg3[%squeeze3A_1005, %dma_wait3A_1203] : memref<200704x32xf32, #tpu.memory_space<hbm>> -> memref<1x32xf32, #tpu.memory_space<hbm>>
    %dma_wait3A_1205 = tpu.memref_squeeze %dma_wait3A_1204 : memref<1x32xf32, #tpu.memory_space<hbm>> -> memref<32xf32, #tpu.memory_space<hbm>>
    %dma_wait3A_1206 = arith.constant 0 : i32
    %dma_wait3A_1207 = tpu.memref_slice %arg6[%dma_wait3A_1199, %dma_wait3A_1206] : memref<8x32xf32, #tpu.memory_space<vmem>> -> memref<1x32xf32, #tpu.memory_space<vmem>>
    %dma_wait3A_1208 = tpu.memref_squeeze %dma_wait3A_1207 : memref<1x32xf32, #tpu.memory_space<vmem>> -> memref<32xf32, #tpu.memory_space<vmem>>
    %dma_wait3A_1209 = arith.constant 0 : i32
    %dma_wait3A_1210 = tpu.memref_slice %arg3[%squeeze3A_1005, %dma_wait3A_1209] : memref<200704x32xf32, #tpu.memory_space<hbm>> -> memref<1x32xf32, #tpu.memory_space<hbm>>
    %dma_wait3A_1211 = tpu.memref_squeeze %dma_wait3A_1210 : memref<1x32xf32, #tpu.memory_space<hbm>> -> memref<32xf32, #tpu.memory_space<hbm>>
    tpu.wait_dma2 semaphore(%arg8 : memref<!tpu.dma_semaphore, #tpu.memory_space<semaphore_mem>>) src(%dma_wait3A_1211 : memref<32xf32, #tpu.memory_space<hbm>>) dst(%dma_wait3A_1208 : memref<32xf32, #tpu.memory_space<vmem>>)
    %broadcast_in_dim3A_1212 = arith.constant 0.000000e+00 : f32
    %broadcast_in_dim3A_1213 = vector.broadcast %broadcast_in_dim3A_1212 : f32 to vector<16xf32>
    %get3A = arith.constant 0 : i32
    %get3A_1214 = arith.index_cast %get3A : i32 to index
    %get3A_1215 = arith.constant 0 : index
    %get3A_1216 = tpu.vector_load %arg6[%get3A_1214, %get3A_1215] {strides = array<i32>} : memref<8x32xf32, #tpu.memory_space<vmem>>, vector<16xf32>,
    %swap3A = arith.constant 0 : i32
    %swap3A_1217 = arith.index_cast %swap3A : i32 to index
    %swap3A_1218 = arith.constant 0 : index
    %swap3A_1219 = tpu.vector_load %arg7[%swap3A_1217, %swap3A_1218] {strides = array<i32>} : memref<8x128xf32, #tpu.memory_space<vmem>>, vector<16xf32>,
    tpu.vector_store %arg7[%swap3A_1217, %swap3A_1218], %get3A_1216 {strides = array<i32>} : memref<8x128xf32, #tpu.memory_space<vmem>>, vector<16xf32>,
    %get3A_1220 = arith.constant 0 : i32
    %get3A_1221 = arith.index_cast %get3A_1220 : i32 to index
    %get3A_1222 = arith.constant 16 : index
    %get3A_1223 = tpu.vector_load %arg6[%get3A_1221, %get3A_1222] {strides = array<i32>} : memref<8x32xf32, #tpu.memory_space<vmem>>, vector<16xf32>,
    %swap3A_1224 = arith.constant 0 : i32
    %swap3A_1225 = arith.index_cast %swap3A_1224 : i32 to index
    %swap3A_1226 = arith.constant 16 : index
    %swap3A_1227 = tpu.vector_load %arg7[%swap3A_1225, %swap3A_1226] {strides = array<i32>} : memref<8x128xf32, #tpu.memory_space<vmem>>, vector<16xf32>,
    tpu.vector_store %arg7[%swap3A_1225, %swap3A_1226], %get3A_1223 {strides = array<i32>} : memref<8x128xf32, #tpu.memory_space<vmem>>, vector<16xf32>,
    %swap3A_1228 = arith.constant 0 : i32
    %swap3A_1229 = arith.index_cast %swap3A_1228 : i32 to index
    %swap3A_1230 = arith.constant 32 : index
    %swap3A_1231 = tpu.vector_load %arg7[%swap3A_1229, %swap3A_1230] {strides = array<i32>} : memref<8x128xf32, #tpu.memory_space<vmem>>, vector<16xf32>,
    tpu.vector_store %arg7[%swap3A_1229, %swap3A_1230], %select_n3A_116 {strides = array<i32>} : memref<8x128xf32, #tpu.memory_space<vmem>>, vector<16xf32>,
    %swap3A_1232 = arith.constant 0 : i32
    %swap3A_1233 = arith.index_cast %swap3A_1232 : i32 to index
    %swap3A_1234 = arith.constant 48 : index
    %swap3A_1235 = tpu.vector_load %arg7[%swap3A_1233, %swap3A_1234] {strides = array<i32>} : memref<8x128xf32, #tpu.memory_space<vmem>>, vector<16xf32>,
    tpu.vector_store %arg7[%swap3A_1233, %swap3A_1234], %broadcast_in_dim3A_1213 {strides = array<i32>} : memref<8x128xf32, #tpu.memory_space<vmem>>, vector<16xf32>,
    %swap3A_1236 = arith.constant 0 : i32
    %swap3A_1237 = arith.index_cast %swap3A_1236 : i32 to index
    %swap3A_1238 = arith.constant 64 : index
    %swap3A_1239 = tpu.vector_load %arg7[%swap3A_1237, %swap3A_1238] {strides = array<i32>} : memref<8x128xf32, #tpu.memory_space<vmem>>, vector<16xf32>,
    tpu.vector_store %arg7[%swap3A_1237, %swap3A_1238], %broadcast_in_dim3A_1213 {strides = array<i32>} : memref<8x128xf32, #tpu.memory_space<vmem>>, vector<16xf32>,
    %swap3A_1240 = arith.constant 0 : i32
    %swap3A_1241 = arith.index_cast %swap3A_1240 : i32 to index
    %swap3A_1242 = arith.constant 80 : index
    %swap3A_1243 = tpu.vector_load %arg7[%swap3A_1241, %swap3A_1242] {strides = array<i32>} : memref<8x128xf32, #tpu.memory_space<vmem>>, vector<16xf32>,
    tpu.vector_store %arg7[%swap3A_1241, %swap3A_1242], %broadcast_in_dim3A_1213 {strides = array<i32>} : memref<8x128xf32, #tpu.memory_space<vmem>>, vector<16xf32>,
    %swap3A_1244 = arith.constant 0 : i32
    %swap3A_1245 = arith.index_cast %swap3A_1244 : i32 to index
    %swap3A_1246 = arith.constant 96 : index
    %swap3A_1247 = tpu.vector_load %arg7[%swap3A_1245, %swap3A_1246] {strides = array<i32>} : memref<8x128xf32, #tpu.memory_space<vmem>>, vector<16xf32>,
    tpu.vector_store %arg7[%swap3A_1245, %swap3A_1246], %broadcast_in_dim3A_1213 {strides = array<i32>} : memref<8x128xf32, #tpu.memory_space<vmem>>, vector<16xf32>,
    %swap3A_1248 = arith.constant 0 : i32
    %swap3A_1249 = arith.index_cast %swap3A_1248 : i32 to index
    %swap3A_1250 = arith.constant 112 : index
    %swap3A_1251 = tpu.vector_load %arg7[%swap3A_1249, %swap3A_1250] {strides = array<i32>} : memref<8x128xf32, #tpu.memory_space<vmem>>, vector<16xf32>,
    tpu.vector_store %arg7[%swap3A_1249, %swap3A_1250], %broadcast_in_dim3A_1213 {strides = array<i32>} : memref<8x128xf32, #tpu.memory_space<vmem>>, vector<16xf32>,
    %get3A_1252 = arith.constant 1 : i32
    %get3A_1253 = arith.index_cast %get3A_1252 : i32 to index
    %get3A_1254 = arith.constant 0 : index
    %get3A_1255 = tpu.vector_load %arg6[%get3A_1253, %get3A_1254] {strides = array<i32>} : memref<8x32xf32, #tpu.memory_space<vmem>>, vector<16xf32>,
    %swap3A_1256 = arith.constant 1 : i32
    %swap3A_1257 = arith.index_cast %swap3A_1256 : i32 to index
    %swap3A_1258 = arith.constant 0 : index
    %swap3A_1259 = tpu.vector_load %arg7[%swap3A_1257, %swap3A_1258] {strides = array<i32>} : memref<8x128xf32, #tpu.memory_space<vmem>>, vector<16xf32>,
    tpu.vector_store %arg7[%swap3A_1257, %swap3A_1258], %get3A_1255 {strides = array<i32>} : memref<8x128xf32, #tpu.memory_space<vmem>>, vector<16xf32>,
    %get3A_1260 = arith.constant 1 : i32
    %get3A_1261 = arith.index_cast %get3A_1260 : i32 to index
    %get3A_1262 = arith.constant 16 : index
    %get3A_1263 = tpu.vector_load %arg6[%get3A_1261, %get3A_1262] {strides = array<i32>} : memref<8x32xf32, #tpu.memory_space<vmem>>, vector<16xf32>,
    %swap3A_1264 = arith.constant 1 : i32
    %swap3A_1265 = arith.index_cast %swap3A_1264 : i32 to index
    %swap3A_1266 = arith.constant 16 : index
    %swap3A_1267 = tpu.vector_load %arg7[%swap3A_1265, %swap3A_1266] {strides = array<i32>} : memref<8x128xf32, #tpu.memory_space<vmem>>, vector<16xf32>,
    tpu.vector_store %arg7[%swap3A_1265, %swap3A_1266], %get3A_1263 {strides = array<i32>} : memref<8x128xf32, #tpu.memory_space<vmem>>, vector<16xf32>,
    %swap3A_1268 = arith.constant 1 : i32
    %swap3A_1269 = arith.index_cast %swap3A_1268 : i32 to index
    %swap3A_1270 = arith.constant 32 : index
    %swap3A_1271 = tpu.vector_load %arg7[%swap3A_1269, %swap3A_1270] {strides = array<i32>} : memref<8x128xf32, #tpu.memory_space<vmem>>, vector<16xf32>,
    tpu.vector_store %arg7[%swap3A_1269, %swap3A_1270], %select_n3A_241 {strides = array<i32>} : memref<8x128xf32, #tpu.memory_space<vmem>>, vector<16xf32>,
    %swap3A_1272 = arith.constant 1 : i32
    %swap3A_1273 = arith.index_cast %swap3A_1272 : i32 to index
    %swap3A_1274 = arith.constant 48 : index
    %swap3A_1275 = tpu.vector_load %arg7[%swap3A_1273, %swap3A_1274] {strides = array<i32>} : memref<8x128xf32, #tpu.memory_space<vmem>>, vector<16xf32>,
    tpu.vector_store %arg7[%swap3A_1273, %swap3A_1274], %broadcast_in_dim3A_1213 {strides = array<i32>} : memref<8x128xf32, #tpu.memory_space<vmem>>, vector<16xf32>,
    %swap3A_1276 = arith.constant 1 : i32
    %swap3A_1277 = arith.index_cast %swap3A_1276 : i32 to index
    %swap3A_1278 = arith.constant 64 : index
    %swap3A_1279 = tpu.vector_load %arg7[%swap3A_1277, %swap3A_1278] {strides = array<i32>} : memref<8x128xf32, #tpu.memory_space<vmem>>, vector<16xf32>,
    tpu.vector_store %arg7[%swap3A_1277, %swap3A_1278], %broadcast_in_dim3A_1213 {strides = array<i32>} : memref<8x128xf32, #tpu.memory_space<vmem>>, vector<16xf32>,
    %swap3A_1280 = arith.constant 1 : i32
    %swap3A_1281 = arith.index_cast %swap3A_1280 : i32 to index
    %swap3A_1282 = arith.constant 80 : index
    %swap3A_1283 = tpu.vector_load %arg7[%swap3A_1281, %swap3A_1282] {strides = array<i32>} : memref<8x128xf32, #tpu.memory_space<vmem>>, vector<16xf32>,
    tpu.vector_store %arg7[%swap3A_1281, %swap3A_1282], %broadcast_in_dim3A_1213 {strides = array<i32>} : memref<8x128xf32, #tpu.memory_space<vmem>>, vector<16xf32>,
    %swap3A_1284 = arith.constant 1 : i32
    %swap3A_1285 = arith.index_cast %swap3A_1284 : i32 to index
    %swap3A_1286 = arith.constant 96 : index
    %swap3A_1287 = tpu.vector_load %arg7[%swap3A_1285, %swap3A_1286] {strides = array<i32>} : memref<8x128xf32, #tpu.memory_space<vmem>>, vector<16xf32>,
    tpu.vector_store %arg7[%swap3A_1285, %swap3A_1286], %broadcast_in_dim3A_1213 {strides = array<i32>} : memref<8x128xf32, #tpu.memory_space<vmem>>, vector<16xf32>,
    %swap3A_1288 = arith.constant 1 : i32
    %swap3A_1289 = arith.index_cast %swap3A_1288 : i32 to index
    %swap3A_1290 = arith.constant 112 : index
    %swap3A_1291 = tpu.vector_load %arg7[%swap3A_1289, %swap3A_1290] {strides = array<i32>} : memref<8x128xf32, #tpu.memory_space<vmem>>, vector<16xf32>,
    tpu.vector_store %arg7[%swap3A_1289, %swap3A_1290], %broadcast_in_dim3A_1213 {strides = array<i32>} : memref<8x128xf32, #tpu.memory_space<vmem>>, vector<16xf32>,
    %get3A_1292 = arith.constant 2 : i32
    %get3A_1293 = arith.index_cast %get3A_1292 : i32 to index
    %get3A_1294 = arith.constant 0 : index
    %get3A_1295 = tpu.vector_load %arg6[%get3A_1293, %get3A_1294] {strides = array<i32>} : memref<8x32xf32, #tpu.memory_space<vmem>>, vector<16xf32>,
    %swap3A_1296 = arith.constant 2 : i32
    %swap3A_1297 = arith.index_cast %swap3A_1296 : i32 to index
    %swap3A_1298 = arith.constant 0 : index
    %swap3A_1299 = tpu.vector_load %arg7[%swap3A_1297, %swap3A_1298] {strides = array<i32>} : memref<8x128xf32, #tpu.memory_space<vmem>>, vector<16xf32>,
    tpu.vector_store %arg7[%swap3A_1297, %swap3A_1298], %get3A_1295 {strides = array<i32>} : memref<8x128xf32, #tpu.memory_space<vmem>>, vector<16xf32>,
    %get3A_1300 = arith.constant 2 : i32
    %get3A_1301 = arith.index_cast %get3A_1300 : i32 to index
    %get3A_1302 = arith.constant 16 : index
    %get3A_1303 = tpu.vector_load %arg6[%get3A_1301, %get3A_1302] {strides = array<i32>} : memref<8x32xf32, #tpu.memory_space<vmem>>, vector<16xf32>,
    %swap3A_1304 = arith.constant 2 : i32
    %swap3A_1305 = arith.index_cast %swap3A_1304 : i32 to index
    %swap3A_1306 = arith.constant 16 : index
    %swap3A_1307 = tpu.vector_load %arg7[%swap3A_1305, %swap3A_1306] {strides = array<i32>} : memref<8x128xf32, #tpu.memory_space<vmem>>, vector<16xf32>,
    tpu.vector_store %arg7[%swap3A_1305, %swap3A_1306], %get3A_1303 {strides = array<i32>} : memref<8x128xf32, #tpu.memory_space<vmem>>, vector<16xf32>,
    %swap3A_1308 = arith.constant 2 : i32
    %swap3A_1309 = arith.index_cast %swap3A_1308 : i32 to index
    %swap3A_1310 = arith.constant 32 : index
    %swap3A_1311 = tpu.vector_load %arg7[%swap3A_1309, %swap3A_1310] {strides = array<i32>} : memref<8x128xf32, #tpu.memory_space<vmem>>, vector<16xf32>,
    tpu.vector_store %arg7[%swap3A_1309, %swap3A_1310], %select_n3A_368 {strides = array<i32>} : memref<8x128xf32, #tpu.memory_space<vmem>>, vector<16xf32>,
    %swap3A_1312 = arith.constant 2 : i32
    %swap3A_1313 = arith.index_cast %swap3A_1312 : i32 to index
    %swap3A_1314 = arith.constant 48 : index
    %swap3A_1315 = tpu.vector_load %arg7[%swap3A_1313, %swap3A_1314] {strides = array<i32>} : memref<8x128xf32, #tpu.memory_space<vmem>>, vector<16xf32>,
    tpu.vector_store %arg7[%swap3A_1313, %swap3A_1314], %broadcast_in_dim3A_1213 {strides = array<i32>} : memref<8x128xf32, #tpu.memory_space<vmem>>, vector<16xf32>,
    %swap3A_1316 = arith.constant 2 : i32
    %swap3A_1317 = arith.index_cast %swap3A_1316 : i32 to index
    %swap3A_1318 = arith.constant 64 : index
    %swap3A_1319 = tpu.vector_load %arg7[%swap3A_1317, %swap3A_1318] {strides = array<i32>} : memref<8x128xf32, #tpu.memory_space<vmem>>, vector<16xf32>,
    tpu.vector_store %arg7[%swap3A_1317, %swap3A_1318], %broadcast_in_dim3A_1213 {strides = array<i32>} : memref<8x128xf32, #tpu.memory_space<vmem>>, vector<16xf32>,
    %swap3A_1320 = arith.constant 2 : i32
    %swap3A_1321 = arith.index_cast %swap3A_1320 : i32 to index
    %swap3A_1322 = arith.constant 80 : index
    %swap3A_1323 = tpu.vector_load %arg7[%swap3A_1321, %swap3A_1322] {strides = array<i32>} : memref<8x128xf32, #tpu.memory_space<vmem>>, vector<16xf32>,
    tpu.vector_store %arg7[%swap3A_1321, %swap3A_1322], %broadcast_in_dim3A_1213 {strides = array<i32>} : memref<8x128xf32, #tpu.memory_space<vmem>>, vector<16xf32>,
    %swap3A_1324 = arith.constant 2 : i32
    %swap3A_1325 = arith.index_cast %swap3A_1324 : i32 to index
    %swap3A_1326 = arith.constant 96 : index
    %swap3A_1327 = tpu.vector_load %arg7[%swap3A_1325, %swap3A_1326] {strides = array<i32>} : memref<8x128xf32, #tpu.memory_space<vmem>>, vector<16xf32>,
    tpu.vector_store %arg7[%swap3A_1325, %swap3A_1326], %broadcast_in_dim3A_1213 {strides = array<i32>} : memref<8x128xf32, #tpu.memory_space<vmem>>, vector<16xf32>,
    %swap3A_1328 = arith.constant 2 : i32
    %swap3A_1329 = arith.index_cast %swap3A_1328 : i32 to index
    %swap3A_1330 = arith.constant 112 : index
    %swap3A_1331 = tpu.vector_load %arg7[%swap3A_1329, %swap3A_1330] {strides = array<i32>} : memref<8x128xf32, #tpu.memory_space<vmem>>, vector<16xf32>,
    tpu.vector_store %arg7[%swap3A_1329, %swap3A_1330], %broadcast_in_dim3A_1213 {strides = array<i32>} : memref<8x128xf32, #tpu.memory_space<vmem>>, vector<16xf32>,
    %get3A_1332 = arith.constant 3 : i32
    %get3A_1333 = arith.index_cast %get3A_1332 : i32 to index
    %get3A_1334 = arith.constant 0 : index
    %get3A_1335 = tpu.vector_load %arg6[%get3A_1333, %get3A_1334] {strides = array<i32>} : memref<8x32xf32, #tpu.memory_space<vmem>>, vector<16xf32>,
    %swap3A_1336 = arith.constant 3 : i32
    %swap3A_1337 = arith.index_cast %swap3A_1336 : i32 to index
    %swap3A_1338 = arith.constant 0 : index
    %swap3A_1339 = tpu.vector_load %arg7[%swap3A_1337, %swap3A_1338] {strides = array<i32>} : memref<8x128xf32, #tpu.memory_space<vmem>>, vector<16xf32>,
    tpu.vector_store %arg7[%swap3A_1337, %swap3A_1338], %get3A_1335 {strides = array<i32>} : memref<8x128xf32, #tpu.memory_space<vmem>>, vector<16xf32>,
    %get3A_1340 = arith.constant 3 : i32
    %get3A_1341 = arith.index_cast %get3A_1340 : i32 to index
    %get3A_1342 = arith.constant 16 : index
    %get3A_1343 = tpu.vector_load %arg6[%get3A_1341, %get3A_1342] {strides = array<i32>} : memref<8x32xf32, #tpu.memory_space<vmem>>, vector<16xf32>,
    %swap3A_1344 = arith.constant 3 : i32
    %swap3A_1345 = arith.index_cast %swap3A_1344 : i32 to index
    %swap3A_1346 = arith.constant 16 : index
    %swap3A_1347 = tpu.vector_load %arg7[%swap3A_1345, %swap3A_1346] {strides = array<i32>} : memref<8x128xf32, #tpu.memory_space<vmem>>, vector<16xf32>,
    tpu.vector_store %arg7[%swap3A_1345, %swap3A_1346], %get3A_1343 {strides = array<i32>} : memref<8x128xf32, #tpu.memory_space<vmem>>, vector<16xf32>,
    %swap3A_1348 = arith.constant 3 : i32
    %swap3A_1349 = arith.index_cast %swap3A_1348 : i32 to index
    %swap3A_1350 = arith.constant 32 : index
    %swap3A_1351 = tpu.vector_load %arg7[%swap3A_1349, %swap3A_1350] {strides = array<i32>} : memref<8x128xf32, #tpu.memory_space<vmem>>, vector<16xf32>,
    tpu.vector_store %arg7[%swap3A_1349, %swap3A_1350], %select_n3A_495 {strides = array<i32>} : memref<8x128xf32, #tpu.memory_space<vmem>>, vector<16xf32>,
    %swap3A_1352 = arith.constant 3 : i32
    %swap3A_1353 = arith.index_cast %swap3A_1352 : i32 to index
    %swap3A_1354 = arith.constant 48 : index
    %swap3A_1355 = tpu.vector_load %arg7[%swap3A_1353, %swap3A_1354] {strides = array<i32>} : memref<8x128xf32, #tpu.memory_space<vmem>>, vector<16xf32>,
    tpu.vector_store %arg7[%swap3A_1353, %swap3A_1354], %broadcast_in_dim3A_1213 {strides = array<i32>} : memref<8x128xf32, #tpu.memory_space<vmem>>, vector<16xf32>,
    %swap3A_1356 = arith.constant 3 : i32
    %swap3A_1357 = arith.index_cast %swap3A_1356 : i32 to index
    %swap3A_1358 = arith.constant 64 : index
    %swap3A_1359 = tpu.vector_load %arg7[%swap3A_1357, %swap3A_1358] {strides = array<i32>} : memref<8x128xf32, #tpu.memory_space<vmem>>, vector<16xf32>,
    tpu.vector_store %arg7[%swap3A_1357, %swap3A_1358], %broadcast_in_dim3A_1213 {strides = array<i32>} : memref<8x128xf32, #tpu.memory_space<vmem>>, vector<16xf32>,
    %swap3A_1360 = arith.constant 3 : i32
    %swap3A_1361 = arith.index_cast %swap3A_1360 : i32 to index
    %swap3A_1362 = arith.constant 80 : index
    %swap3A_1363 = tpu.vector_load %arg7[%swap3A_1361, %swap3A_1362] {strides = array<i32>} : memref<8x128xf32, #tpu.memory_space<vmem>>, vector<16xf32>,
    tpu.vector_store %arg7[%swap3A_1361, %swap3A_1362], %broadcast_in_dim3A_1213 {strides = array<i32>} : memref<8x128xf32, #tpu.memory_space<vmem>>, vector<16xf32>,
    %swap3A_1364 = arith.constant 3 : i32
    %swap3A_1365 = arith.index_cast %swap3A_1364 : i32 to index
    %swap3A_1366 = arith.constant 96 : index
    %swap3A_1367 = tpu.vector_load %arg7[%swap3A_1365, %swap3A_1366] {strides = array<i32>} : memref<8x128xf32, #tpu.memory_space<vmem>>, vector<16xf32>,
    tpu.vector_store %arg7[%swap3A_1365, %swap3A_1366], %broadcast_in_dim3A_1213 {strides = array<i32>} : memref<8x128xf32, #tpu.memory_space<vmem>>, vector<16xf32>,
    %swap3A_1368 = arith.constant 3 : i32
    %swap3A_1369 = arith.index_cast %swap3A_1368 : i32 to index
    %swap3A_1370 = arith.constant 112 : index
    %swap3A_1371 = tpu.vector_load %arg7[%swap3A_1369, %swap3A_1370] {strides = array<i32>} : memref<8x128xf32, #tpu.memory_space<vmem>>, vector<16xf32>,
    tpu.vector_store %arg7[%swap3A_1369, %swap3A_1370], %broadcast_in_dim3A_1213 {strides = array<i32>} : memref<8x128xf32, #tpu.memory_space<vmem>>, vector<16xf32>,
    %get3A_1372 = arith.constant 4 : i32
    %get3A_1373 = arith.index_cast %get3A_1372 : i32 to index
    %get3A_1374 = arith.constant 0 : index
    %get3A_1375 = tpu.vector_load %arg6[%get3A_1373, %get3A_1374] {strides = array<i32>} : memref<8x32xf32, #tpu.memory_space<vmem>>, vector<16xf32>,
    %swap3A_1376 = arith.constant 4 : i32
    %swap3A_1377 = arith.index_cast %swap3A_1376 : i32 to index
    %swap3A_1378 = arith.constant 0 : index
    %swap3A_1379 = tpu.vector_load %arg7[%swap3A_1377, %swap3A_1378] {strides = array<i32>} : memref<8x128xf32, #tpu.memory_space<vmem>>, vector<16xf32>,
    tpu.vector_store %arg7[%swap3A_1377, %swap3A_1378], %get3A_1375 {strides = array<i32>} : memref<8x128xf32, #tpu.memory_space<vmem>>, vector<16xf32>,
    %get3A_1380 = arith.constant 4 : i32
    %get3A_1381 = arith.index_cast %get3A_1380 : i32 to index
    %get3A_1382 = arith.constant 16 : index
    %get3A_1383 = tpu.vector_load %arg6[%get3A_1381, %get3A_1382] {strides = array<i32>} : memref<8x32xf32, #tpu.memory_space<vmem>>, vector<16xf32>,
    %swap3A_1384 = arith.constant 4 : i32
    %swap3A_1385 = arith.index_cast %swap3A_1384 : i32 to index
    %swap3A_1386 = arith.constant 16 : index
    %swap3A_1387 = tpu.vector_load %arg7[%swap3A_1385, %swap3A_1386] {strides = array<i32>} : memref<8x128xf32, #tpu.memory_space<vmem>>, vector<16xf32>,
    tpu.vector_store %arg7[%swap3A_1385, %swap3A_1386], %get3A_1383 {strides = array<i32>} : memref<8x128xf32, #tpu.memory_space<vmem>>, vector<16xf32>,
    %swap3A_1388 = arith.constant 4 : i32
    %swap3A_1389 = arith.index_cast %swap3A_1388 : i32 to index
    %swap3A_1390 = arith.constant 32 : index
    %swap3A_1391 = tpu.vector_load %arg7[%swap3A_1389, %swap3A_1390] {strides = array<i32>} : memref<8x128xf32, #tpu.memory_space<vmem>>, vector<16xf32>,
    tpu.vector_store %arg7[%swap3A_1389, %swap3A_1390], %select_n3A_622 {strides = array<i32>} : memref<8x128xf32, #tpu.memory_space<vmem>>, vector<16xf32>,
    %swap3A_1392 = arith.constant 4 : i32
    %swap3A_1393 = arith.index_cast %swap3A_1392 : i32 to index
    %swap3A_1394 = arith.constant 48 : index
    %swap3A_1395 = tpu.vector_load %arg7[%swap3A_1393, %swap3A_1394] {strides = array<i32>} : memref<8x128xf32, #tpu.memory_space<vmem>>, vector<16xf32>,
    tpu.vector_store %arg7[%swap3A_1393, %swap3A_1394], %broadcast_in_dim3A_1213 {strides = array<i32>} : memref<8x128xf32, #tpu.memory_space<vmem>>, vector<16xf32>,
    %swap3A_1396 = arith.constant 4 : i32
    %swap3A_1397 = arith.index_cast %swap3A_1396 : i32 to index
    %swap3A_1398 = arith.constant 64 : index
    %swap3A_1399 = tpu.vector_load %arg7[%swap3A_1397, %swap3A_1398] {strides = array<i32>} : memref<8x128xf32, #tpu.memory_space<vmem>>, vector<16xf32>,
    tpu.vector_store %arg7[%swap3A_1397, %swap3A_1398], %broadcast_in_dim3A_1213 {strides = array<i32>} : memref<8x128xf32, #tpu.memory_space<vmem>>, vector<16xf32>,
    %swap3A_1400 = arith.constant 4 : i32
    %swap3A_1401 = arith.index_cast %swap3A_1400 : i32 to index
    %swap3A_1402 = arith.constant 80 : index
    %swap3A_1403 = tpu.vector_load %arg7[%swap3A_1401, %swap3A_1402] {strides = array<i32>} : memref<8x128xf32, #tpu.memory_space<vmem>>, vector<16xf32>,
    tpu.vector_store %arg7[%swap3A_1401, %swap3A_1402], %broadcast_in_dim3A_1213 {strides = array<i32>} : memref<8x128xf32, #tpu.memory_space<vmem>>, vector<16xf32>,
    %swap3A_1404 = arith.constant 4 : i32
    %swap3A_1405 = arith.index_cast %swap3A_1404 : i32 to index
    %swap3A_1406 = arith.constant 96 : index
    %swap3A_1407 = tpu.vector_load %arg7[%swap3A_1405, %swap3A_1406] {strides = array<i32>} : memref<8x128xf32, #tpu.memory_space<vmem>>, vector<16xf32>,
    tpu.vector_store %arg7[%swap3A_1405, %swap3A_1406], %broadcast_in_dim3A_1213 {strides = array<i32>} : memref<8x128xf32, #tpu.memory_space<vmem>>, vector<16xf32>,
    %swap3A_1408 = arith.constant 4 : i32
    %swap3A_1409 = arith.index_cast %swap3A_1408 : i32 to index
    %swap3A_1410 = arith.constant 112 : index
    %swap3A_1411 = tpu.vector_load %arg7[%swap3A_1409, %swap3A_1410] {strides = array<i32>} : memref<8x128xf32, #tpu.memory_space<vmem>>, vector<16xf32>,
    tpu.vector_store %arg7[%swap3A_1409, %swap3A_1410], %broadcast_in_dim3A_1213 {strides = array<i32>} : memref<8x128xf32, #tpu.memory_space<vmem>>, vector<16xf32>,
    %get3A_1412 = arith.constant 5 : i32
    %get3A_1413 = arith.index_cast %get3A_1412 : i32 to index
    %get3A_1414 = arith.constant 0 : index
    %get3A_1415 = tpu.vector_load %arg6[%get3A_1413, %get3A_1414] {strides = array<i32>} : memref<8x32xf32, #tpu.memory_space<vmem>>, vector<16xf32>,
    %swap3A_1416 = arith.constant 5 : i32
    %swap3A_1417 = arith.index_cast %swap3A_1416 : i32 to index
    %swap3A_1418 = arith.constant 0 : index
    %swap3A_1419 = tpu.vector_load %arg7[%swap3A_1417, %swap3A_1418] {strides = array<i32>} : memref<8x128xf32, #tpu.memory_space<vmem>>, vector<16xf32>,
    tpu.vector_store %arg7[%swap3A_1417, %swap3A_1418], %get3A_1415 {strides = array<i32>} : memref<8x128xf32, #tpu.memory_space<vmem>>, vector<16xf32>,
    %get3A_1420 = arith.constant 5 : i32
    %get3A_1421 = arith.index_cast %get3A_1420 : i32 to index
    %get3A_1422 = arith.constant 16 : index
    %get3A_1423 = tpu.vector_load %arg6[%get3A_1421, %get3A_1422] {strides = array<i32>} : memref<8x32xf32, #tpu.memory_space<vmem>>, vector<16xf32>,
    %swap3A_1424 = arith.constant 5 : i32
    %swap3A_1425 = arith.index_cast %swap3A_1424 : i32 to index
    %swap3A_1426 = arith.constant 16 : index
    %swap3A_1427 = tpu.vector_load %arg7[%swap3A_1425, %swap3A_1426] {strides = array<i32>} : memref<8x128xf32, #tpu.memory_space<vmem>>, vector<16xf32>,
    tpu.vector_store %arg7[%swap3A_1425, %swap3A_1426], %get3A_1423 {strides = array<i32>} : memref<8x128xf32, #tpu.memory_space<vmem>>, vector<16xf32>,
    %swap3A_1428 = arith.constant 5 : i32
    %swap3A_1429 = arith.index_cast %swap3A_1428 : i32 to index
    %swap3A_1430 = arith.constant 32 : index
    %swap3A_1431 = tpu.vector_load %arg7[%swap3A_1429, %swap3A_1430] {strides = array<i32>} : memref<8x128xf32, #tpu.memory_space<vmem>>, vector<16xf32>,
    tpu.vector_store %arg7[%swap3A_1429, %swap3A_1430], %select_n3A_749 {strides = array<i32>} : memref<8x128xf32, #tpu.memory_space<vmem>>, vector<16xf32>,
    %swap3A_1432 = arith.constant 5 : i32
    %swap3A_1433 = arith.index_cast %swap3A_1432 : i32 to index
    %swap3A_1434 = arith.constant 48 : index
    %swap3A_1435 = tpu.vector_load %arg7[%swap3A_1433, %swap3A_1434] {strides = array<i32>} : memref<8x128xf32, #tpu.memory_space<vmem>>, vector<16xf32>,
    tpu.vector_store %arg7[%swap3A_1433, %swap3A_1434], %broadcast_in_dim3A_1213 {strides = array<i32>} : memref<8x128xf32, #tpu.memory_space<vmem>>, vector<16xf32>,
    %swap3A_1436 = arith.constant 5 : i32
    %swap3A_1437 = arith.index_cast %swap3A_1436 : i32 to index
    %swap3A_1438 = arith.constant 64 : index
    %swap3A_1439 = tpu.vector_load %arg7[%swap3A_1437, %swap3A_1438] {strides = array<i32>} : memref<8x128xf32, #tpu.memory_space<vmem>>, vector<16xf32>,
    tpu.vector_store %arg7[%swap3A_1437, %swap3A_1438], %broadcast_in_dim3A_1213 {strides = array<i32>} : memref<8x128xf32, #tpu.memory_space<vmem>>, vector<16xf32>,
    %swap3A_1440 = arith.constant 5 : i32
    %swap3A_1441 = arith.index_cast %swap3A_1440 : i32 to index
    %swap3A_1442 = arith.constant 80 : index
    %swap3A_1443 = tpu.vector_load %arg7[%swap3A_1441, %swap3A_1442] {strides = array<i32>} : memref<8x128xf32, #tpu.memory_space<vmem>>, vector<16xf32>,
    tpu.vector_store %arg7[%swap3A_1441, %swap3A_1442], %broadcast_in_dim3A_1213 {strides = array<i32>} : memref<8x128xf32, #tpu.memory_space<vmem>>, vector<16xf32>,
    %swap3A_1444 = arith.constant 5 : i32
    %swap3A_1445 = arith.index_cast %swap3A_1444 : i32 to index
    %swap3A_1446 = arith.constant 96 : index
    %swap3A_1447 = tpu.vector_load %arg7[%swap3A_1445, %swap3A_1446] {strides = array<i32>} : memref<8x128xf32, #tpu.memory_space<vmem>>, vector<16xf32>,
    tpu.vector_store %arg7[%swap3A_1445, %swap3A_1446], %broadcast_in_dim3A_1213 {strides = array<i32>} : memref<8x128xf32, #tpu.memory_space<vmem>>, vector<16xf32>,
    %swap3A_1448 = arith.constant 5 : i32
    %swap3A_1449 = arith.index_cast %swap3A_1448 : i32 to index
    %swap3A_1450 = arith.constant 112 : index
    %swap3A_1451 = tpu.vector_load %arg7[%swap3A_1449, %swap3A_1450] {strides = array<i32>} : memref<8x128xf32, #tpu.memory_space<vmem>>, vector<16xf32>,
    tpu.vector_store %arg7[%swap3A_1449, %swap3A_1450], %broadcast_in_dim3A_1213 {strides = array<i32>} : memref<8x128xf32, #tpu.memory_space<vmem>>, vector<16xf32>,
    %get3A_1452 = arith.constant 6 : i32
    %get3A_1453 = arith.index_cast %get3A_1452 : i32 to index
    %get3A_1454 = arith.constant 0 : index
    %get3A_1455 = tpu.vector_load %arg6[%get3A_1453, %get3A_1454] {strides = array<i32>} : memref<8x32xf32, #tpu.memory_space<vmem>>, vector<16xf32>,
    %swap3A_1456 = arith.constant 6 : i32
    %swap3A_1457 = arith.index_cast %swap3A_1456 : i32 to index
    %swap3A_1458 = arith.constant 0 : index
    %swap3A_1459 = tpu.vector_load %arg7[%swap3A_1457, %swap3A_1458] {strides = array<i32>} : memref<8x128xf32, #tpu.memory_space<vmem>>, vector<16xf32>,
    tpu.vector_store %arg7[%swap3A_1457, %swap3A_1458], %get3A_1455 {strides = array<i32>} : memref<8x128xf32, #tpu.memory_space<vmem>>, vector<16xf32>,
    %get3A_1460 = arith.constant 6 : i32
    %get3A_1461 = arith.index_cast %get3A_1460 : i32 to index
    %get3A_1462 = arith.constant 16 : index
    %get3A_1463 = tpu.vector_load %arg6[%get3A_1461, %get3A_1462] {strides = array<i32>} : memref<8x32xf32, #tpu.memory_space<vmem>>, vector<16xf32>,
    %swap3A_1464 = arith.constant 6 : i32
    %swap3A_1465 = arith.index_cast %swap3A_1464 : i32 to index
    %swap3A_1466 = arith.constant 16 : index
    %swap3A_1467 = tpu.vector_load %arg7[%swap3A_1465, %swap3A_1466] {strides = array<i32>} : memref<8x128xf32, #tpu.memory_space<vmem>>, vector<16xf32>,
    tpu.vector_store %arg7[%swap3A_1465, %swap3A_1466], %get3A_1463 {strides = array<i32>} : memref<8x128xf32, #tpu.memory_space<vmem>>, vector<16xf32>,
    %swap3A_1468 = arith.constant 6 : i32
    %swap3A_1469 = arith.index_cast %swap3A_1468 : i32 to index
    %swap3A_1470 = arith.constant 32 : index
    %swap3A_1471 = tpu.vector_load %arg7[%swap3A_1469, %swap3A_1470] {strides = array<i32>} : memref<8x128xf32, #tpu.memory_space<vmem>>, vector<16xf32>,
    tpu.vector_store %arg7[%swap3A_1469, %swap3A_1470], %select_n3A_876 {strides = array<i32>} : memref<8x128xf32, #tpu.memory_space<vmem>>, vector<16xf32>,
    %swap3A_1472 = arith.constant 6 : i32
    %swap3A_1473 = arith.index_cast %swap3A_1472 : i32 to index
    %swap3A_1474 = arith.constant 48 : index
    %swap3A_1475 = tpu.vector_load %arg7[%swap3A_1473, %swap3A_1474] {strides = array<i32>} : memref<8x128xf32, #tpu.memory_space<vmem>>, vector<16xf32>,
    tpu.vector_store %arg7[%swap3A_1473, %swap3A_1474], %broadcast_in_dim3A_1213 {strides = array<i32>} : memref<8x128xf32, #tpu.memory_space<vmem>>, vector<16xf32>,
    %swap3A_1476 = arith.constant 6 : i32
    %swap3A_1477 = arith.index_cast %swap3A_1476 : i32 to index
    %swap3A_1478 = arith.constant 64 : index
    %swap3A_1479 = tpu.vector_load %arg7[%swap3A_1477, %swap3A_1478] {strides = array<i32>} : memref<8x128xf32, #tpu.memory_space<vmem>>, vector<16xf32>,
    tpu.vector_store %arg7[%swap3A_1477, %swap3A_1478], %broadcast_in_dim3A_1213 {strides = array<i32>} : memref<8x128xf32, #tpu.memory_space<vmem>>, vector<16xf32>,
    %swap3A_1480 = arith.constant 6 : i32
    %swap3A_1481 = arith.index_cast %swap3A_1480 : i32 to index
    %swap3A_1482 = arith.constant 80 : index
    %swap3A_1483 = tpu.vector_load %arg7[%swap3A_1481, %swap3A_1482] {strides = array<i32>} : memref<8x128xf32, #tpu.memory_space<vmem>>, vector<16xf32>,
    tpu.vector_store %arg7[%swap3A_1481, %swap3A_1482], %broadcast_in_dim3A_1213 {strides = array<i32>} : memref<8x128xf32, #tpu.memory_space<vmem>>, vector<16xf32>,
    %swap3A_1484 = arith.constant 6 : i32
    %swap3A_1485 = arith.index_cast %swap3A_1484 : i32 to index
    %swap3A_1486 = arith.constant 96 : index
    %swap3A_1487 = tpu.vector_load %arg7[%swap3A_1485, %swap3A_1486] {strides = array<i32>} : memref<8x128xf32, #tpu.memory_space<vmem>>, vector<16xf32>,
    tpu.vector_store %arg7[%swap3A_1485, %swap3A_1486], %broadcast_in_dim3A_1213 {strides = array<i32>} : memref<8x128xf32, #tpu.memory_space<vmem>>, vector<16xf32>,
    %swap3A_1488 = arith.constant 6 : i32
    %swap3A_1489 = arith.index_cast %swap3A_1488 : i32 to index
    %swap3A_1490 = arith.constant 112 : index
    %swap3A_1491 = tpu.vector_load %arg7[%swap3A_1489, %swap3A_1490] {strides = array<i32>} : memref<8x128xf32, #tpu.memory_space<vmem>>, vector<16xf32>,
    tpu.vector_store %arg7[%swap3A_1489, %swap3A_1490], %broadcast_in_dim3A_1213 {strides = array<i32>} : memref<8x128xf32, #tpu.memory_space<vmem>>, vector<16xf32>,
    %get3A_1492 = arith.constant 7 : i32
    %get3A_1493 = arith.index_cast %get3A_1492 : i32 to index
    %get3A_1494 = arith.constant 0 : index
    %get3A_1495 = tpu.vector_load %arg6[%get3A_1493, %get3A_1494] {strides = array<i32>} : memref<8x32xf32, #tpu.memory_space<vmem>>, vector<16xf32>,
    %swap3A_1496 = arith.constant 7 : i32
    %swap3A_1497 = arith.index_cast %swap3A_1496 : i32 to index
    %swap3A_1498 = arith.constant 0 : index
    %swap3A_1499 = tpu.vector_load %arg7[%swap3A_1497, %swap3A_1498] {strides = array<i32>} : memref<8x128xf32, #tpu.memory_space<vmem>>, vector<16xf32>,
    tpu.vector_store %arg7[%swap3A_1497, %swap3A_1498], %get3A_1495 {strides = array<i32>} : memref<8x128xf32, #tpu.memory_space<vmem>>, vector<16xf32>,
    %get3A_1500 = arith.constant 7 : i32
    %get3A_1501 = arith.index_cast %get3A_1500 : i32 to index
    %get3A_1502 = arith.constant 16 : index
    %get3A_1503 = tpu.vector_load %arg6[%get3A_1501, %get3A_1502] {strides = array<i32>} : memref<8x32xf32, #tpu.memory_space<vmem>>, vector<16xf32>,
    %swap3A_1504 = arith.constant 7 : i32
    %swap3A_1505 = arith.index_cast %swap3A_1504 : i32 to index
    %swap3A_1506 = arith.constant 16 : index
    %swap3A_1507 = tpu.vector_load %arg7[%swap3A_1505, %swap3A_1506] {strides = array<i32>} : memref<8x128xf32, #tpu.memory_space<vmem>>, vector<16xf32>,
    tpu.vector_store %arg7[%swap3A_1505, %swap3A_1506], %get3A_1503 {strides = array<i32>} : memref<8x128xf32, #tpu.memory_space<vmem>>, vector<16xf32>,
    %swap3A_1508 = arith.constant 7 : i32
    %swap3A_1509 = arith.index_cast %swap3A_1508 : i32 to index
    %swap3A_1510 = arith.constant 32 : index
    %swap3A_1511 = tpu.vector_load %arg7[%swap3A_1509, %swap3A_1510] {strides = array<i32>} : memref<8x128xf32, #tpu.memory_space<vmem>>, vector<16xf32>,
    tpu.vector_store %arg7[%swap3A_1509, %swap3A_1510], %select_n3A_1003 {strides = array<i32>} : memref<8x128xf32, #tpu.memory_space<vmem>>, vector<16xf32>,
    %swap3A_1512 = arith.constant 7 : i32
    %swap3A_1513 = arith.index_cast %swap3A_1512 : i32 to index
    %swap3A_1514 = arith.constant 48 : index
    %swap3A_1515 = tpu.vector_load %arg7[%swap3A_1513, %swap3A_1514] {strides = array<i32>} : memref<8x128xf32, #tpu.memory_space<vmem>>, vector<16xf32>,
    tpu.vector_store %arg7[%swap3A_1513, %swap3A_1514], %broadcast_in_dim3A_1213 {strides = array<i32>} : memref<8x128xf32, #tpu.memory_space<vmem>>, vector<16xf32>,
    %swap3A_1516 = arith.constant 7 : i32
    %swap3A_1517 = arith.index_cast %swap3A_1516 : i32 to index
    %swap3A_1518 = arith.constant 64 : index
    %swap3A_1519 = tpu.vector_load %arg7[%swap3A_1517, %swap3A_1518] {strides = array<i32>} : memref<8x128xf32, #tpu.memory_space<vmem>>, vector<16xf32>,
    tpu.vector_store %arg7[%swap3A_1517, %swap3A_1518], %broadcast_in_dim3A_1213 {strides = array<i32>} : memref<8x128xf32, #tpu.memory_space<vmem>>, vector<16xf32>,
    %swap3A_1520 = arith.constant 7 : i32
    %swap3A_1521 = arith.index_cast %swap3A_1520 : i32 to index
    %swap3A_1522 = arith.constant 80 : index
    %swap3A_1523 = tpu.vector_load %arg7[%swap3A_1521, %swap3A_1522] {strides = array<i32>} : memref<8x128xf32, #tpu.memory_space<vmem>>, vector<16xf32>,
    tpu.vector_store %arg7[%swap3A_1521, %swap3A_1522], %broadcast_in_dim3A_1213 {strides = array<i32>} : memref<8x128xf32, #tpu.memory_space<vmem>>, vector<16xf32>,
    %swap3A_1524 = arith.constant 7 : i32
    %swap3A_1525 = arith.index_cast %swap3A_1524 : i32 to index
    %swap3A_1526 = arith.constant 96 : index
    %swap3A_1527 = tpu.vector_load %arg7[%swap3A_1525, %swap3A_1526] {strides = array<i32>} : memref<8x128xf32, #tpu.memory_space<vmem>>, vector<16xf32>,
    tpu.vector_store %arg7[%swap3A_1525, %swap3A_1526], %broadcast_in_dim3A_1213 {strides = array<i32>} : memref<8x128xf32, #tpu.memory_space<vmem>>, vector<16xf32>,
    %swap3A_1528 = arith.constant 7 : i32
    %swap3A_1529 = arith.index_cast %swap3A_1528 : i32 to index
    %swap3A_1530 = arith.constant 112 : index
    %swap3A_1531 = tpu.vector_load %arg7[%swap3A_1529, %swap3A_1530] {strides = array<i32>} : memref<8x128xf32, #tpu.memory_space<vmem>>, vector<16xf32>,
    tpu.vector_store %arg7[%swap3A_1529, %swap3A_1530], %broadcast_in_dim3A_1213 {strides = array<i32>} : memref<8x128xf32, #tpu.memory_space<vmem>>, vector<16xf32>,
    %mul3A_1532 = arith.constant 8 : i32
    %mul3A_1533 = arith.muli %add3A, %mul3A_1532 : i32
    "tpu.region"() ({
      %run_scoped3A_1534 = tpu.sem_alloc : memref<!tpu.dma_semaphore, #tpu.memory_space<semaphore_mem>>
      %dma_start3A_1535 = arith.constant 0 : i32
      %dma_start3A_1536 = tpu.memref_slice %arg4[%mul3A_1533, %dma_start3A_1535] : memref<256x128xf32, #tpu.memory_space<hbm>> -> memref<8x128xf32, #tpu.memory_space<hbm>>
      %dma_start3A_1537 = arith.constant 0 : i32
      %dma_start3A_1538 = tpu.memref_slice %arg4[%mul3A_1533, %dma_start3A_1537] : memref<256x128xf32, #tpu.memory_space<hbm>> -> memref<8x128xf32, #tpu.memory_space<hbm>>
      tpu.enqueue_dma source(%arg7 : memref<8x128xf32, #tpu.memory_space<vmem>>) target(%dma_start3A_1538 : memref<8x128xf32, #tpu.memory_space<hbm>>) target_semaphore(%run_scoped3A_1534 : memref<!tpu.dma_semaphore, #tpu.memory_space<semaphore_mem>>)
      %dma_wait3A_1539 = arith.constant 0 : i32
      %dma_wait3A_1540 = tpu.memref_slice %arg4[%mul3A_1533, %dma_wait3A_1539] : memref<256x128xf32, #tpu.memory_space<hbm>> -> memref<8x128xf32, #tpu.memory_space<hbm>>
      %dma_wait3A_1541 = arith.constant 0 : i32
      %dma_wait3A_1542 = tpu.memref_slice %arg4[%mul3A_1533, %dma_wait3A_1541] : memref<256x128xf32, #tpu.memory_space<hbm>> -> memref<8x128xf32, #tpu.memory_space<hbm>>
      tpu.wait_dma2 semaphore(%run_scoped3A_1534 : memref<!tpu.dma_semaphore, #tpu.memory_space<semaphore_mem>>) src(%arg7 : memref<8x128xf32, #tpu.memory_space<vmem>>) dst(%dma_wait3A_1542 : memref<8x128xf32, #tpu.memory_space<hbm>>)
      tpu.yield
    }) : () -> ()
    return
  }
}

module attributes {stable_mosaic.version = 14 : i64} {
  func.func @_resp_body(%arg0: i32, %arg1: memref<1x6272x32xf32, #tpu.memory_space<vmem>>, %arg2: memref<32x96xf32, #tpu.memory_space<vmem>>, %arg3: memref<1x96xf32, #tpu.memory_space<vmem>>, %arg4: memref<1x1x6272xf32, #tpu.memory_space<vmem>>) attributes {dimension_semantics = [#tpu.dimension_semantics<arbitrary>], iteration_bounds = array<i64: 32>, scalar_prefetch = 0 : i64, scratch_operands = 0 : i64, tpu.core_type = #tpu.core_type<tc>, window_params = [{transform_indices = @transform_0, window_bounds = array<i64: 1, 6272, 32>}, {pipeline_mode = #tpu.pipeline_mode<synchronous>, transform_indices = @transform_1, window_bounds = array<i64: 32, 96>}, {pipeline_mode = #tpu.pipeline_mode<synchronous>, transform_indices = @transform_2, window_bounds = array<i64: 1, 96>}, {transform_indices = @transform_3, window_bounds = array<i64: 1, 1, 6272>}]} {
    %get3A = arith.constant 0 : index
    %get3A_0 = arith.constant 0 : index
    %get3A_1 = arith.constant 0 : index
    %get3A_2 = vector.load %arg1[%get3A, %get3A_0, %get3A_1] : memref<1x6272x32xf32, #tpu.memory_space<vmem>>, vector<1x6272x32xf32>
    %get3A_3 = vector.shape_cast %get3A_2 : vector<1x6272x32xf32> to vector<6272x32xf32>
    %get3A_4 = arith.constant 0 : index
    %get3A_5 = arith.constant 0 : index
    %get3A_6 = vector.load %arg2[%get3A_4, %get3A_5] : memref<32x96xf32, #tpu.memory_space<vmem>>, vector<32x96xf32>
    %dot_general3A = arith.constant dense<0.000000e+00> : vector<6272x96xf32>
    %dot_general3A_7 = tpu.matmul %get3A_3, %get3A_6, %dot_general3A {dimension_numbers = #tpu.dot_dimension_numbers<[1], [0], [0], [1], [0, 0, 1, 1], [], []>, transpose_lhs_hint = false} : vector<6272x32xf32>, vector<32x96xf32>, vector<6272x96xf32> -> vector<6272x96xf32>
    %get3A_8 = arith.constant 0 : index
    %get3A_9 = arith.constant 0 : index
    %get3A_10 = vector.load %arg3[%get3A_8, %get3A_9] : memref<1x96xf32, #tpu.memory_space<vmem>>, vector<1x96xf32>
    %add3A = vector.broadcast %get3A_10 : vector<1x96xf32> to vector<6272x96xf32>
    %add3A_11 = arith.addf %dot_general3A_7, %add3A : vector<6272x96xf32>
    %max3A = arith.constant 0.000000e+00 : f32
    %max3A_12 = vector.broadcast %max3A : f32 to vector<6272x96xf32>
    %max3A_13 = arith.maximumf %add3A_11, %max3A_12 : vector<6272x96xf32>
    %broadcast_in_dim3A = arith.constant 1.000000e+00 : f32
    %broadcast_in_dim3A_14 = vector.broadcast %broadcast_in_dim3A : f32 to vector<1x96xf32>
    %dot_general3A_15 = arith.constant dense<0.000000e+00> : vector<1x6272xf32>
    %dot_general3A_16 = tpu.matmul %broadcast_in_dim3A_14, %max3A_13, %dot_general3A_15 {dimension_numbers = #tpu.dot_dimension_numbers<[1], [1], [0], [0], [0, 0, 1, 0], [], []>, transpose_lhs_hint = false} : vector<1x96xf32>, vector<6272x96xf32>, vector<1x6272xf32> -> vector<1x6272xf32>
    %swap3A = arith.constant 0 : index
    %swap3A_17 = arith.constant 0 : index
    %swap3A_18 = arith.constant 0 : index
    %swap3A_19 = vector.load %arg4[%swap3A, %swap3A_17, %swap3A_18] : memref<1x1x6272xf32, #tpu.memory_space<vmem>>, vector<1x1x6272xf32>
    %swap3A_20 = vector.shape_cast %swap3A_19 : vector<1x1x6272xf32> to vector<1x6272xf32>
    %swap3A_21 = vector.shape_cast %dot_general3A_16 : vector<1x6272xf32> to vector<1x1x6272xf32>
    tpu.vector_store %arg4[%swap3A, %swap3A_17, %swap3A_18], %swap3A_21 {strides = array<i32>} : memref<1x1x6272xf32, #tpu.memory_space<vmem>>, vector<1x1x6272xf32>,
    return
  }
  func.func @transform_0(%arg0: i32) -> (i32, i32, i32) {
    %jit3A = arith.constant 8 : i32
    %div3A = arith.divsi %arg0, %jit3A : i32
    %sign3A = arith.constant 0 : i32
    %sign3A_0 = arith.cmpi sgt, %arg0, %sign3A : i32
    %sign3A_1 = arith.extui %sign3A_0 : i1 to i32
    %sign3A_2 = arith.constant 0 : i32
    %sign3A_3 = arith.cmpi slt, %arg0, %sign3A_2 : i32
    %sign3A_4 = arith.extui %sign3A_3 : i1 to i32
    %sign3A_5 = arith.subi %sign3A_1, %sign3A_4 : i32
    %sign3A_6 = arith.constant 0 : i32
    %sign3A_7 = arith.cmpi sgt, %jit3A, %sign3A_6 : i32
    %sign3A_8 = arith.extui %sign3A_7 : i1 to i32
    %sign3A_9 = arith.constant 0 : i32
    %sign3A_10 = arith.cmpi slt, %jit3A, %sign3A_9 : i32
    %sign3A_11 = arith.extui %sign3A_10 : i1 to i32
    %sign3A_12 = arith.subi %sign3A_8, %sign3A_11 : i32
    %ne3A = arith.cmpi ne, %sign3A_5, %sign3A_12 : i32
    %rem3A = arith.remsi %arg0, %jit3A : i32
    %ne3A_13 = arith.constant 0 : i32
    %ne3A_14 = arith.cmpi ne, %rem3A, %ne3A_13 : i32
    %and3A = arith.andi %ne3A, %ne3A_14 : i1
    %sub3A = arith.constant 1 : i32
    %sub3A_15 = arith.subi %div3A, %sub3A : i32
    %select_n3A = arith.select %and3A, %sub3A_15, %div3A : i32
    %jit3A_16 = arith.constant 8 : i32
    %eq3A = arith.constant 0 : i32
    %eq3A_17 = arith.cmpi eq, %jit3A_16, %eq3A : i32
    %jit3A_18 = arith.constant 1 : i32
    %select_n3A_19 = arith.select %eq3A_17, %jit3A_18, %jit3A_16 : i32
    %rem3A_20 = arith.remsi %arg0, %select_n3A_19 : i32
    %ne3A_21 = arith.constant 0 : i32
    %ne3A_22 = arith.cmpi ne, %rem3A_20, %ne3A_21 : i32
    %lt3A = arith.constant 0 : i32
    %lt3A_23 = arith.cmpi slt, %rem3A_20, %lt3A : i32
    %lt3A_24 = arith.constant 0 : i32
    %lt3A_25 = arith.cmpi slt, %select_n3A_19, %lt3A_24 : i32
    %ne3A_26 = arith.xori %lt3A_23, %lt3A_25 : i1
    %and3A_27 = arith.andi %ne3A_26, %ne3A_22 : i1
    %add3A = arith.addi %rem3A_20, %select_n3A_19 : i32
    %select_n3A_28 = arith.select %and3A_27, %add3A, %rem3A_20 : i32
    %c0_i32 = arith.constant 0 : i32
    %c0_i32_29 = arith.constant 0 : i32
    return %select_n3A, %select_n3A_28, %c0_i32 : i32, i32, i32
  }
  func.func @transform_1(%arg0: i32) -> (i32, i32) {
    %c0_i32 = arith.constant 0 : i32
    %c0_i32_0 = arith.constant 0 : i32
    %c0_i32_1 = arith.constant 0 : i32
    return %c0_i32, %c0_i32_0 : i32, i32
  }
  func.func @transform_2(%arg0: i32) -> (i32, i32) {
    %c0_i32 = arith.constant 0 : i32
    %c0_i32_0 = arith.constant 0 : i32
    %c0_i32_1 = arith.constant 0 : i32
    return %c0_i32, %c0_i32_0 : i32, i32
  }
  func.func @transform_3(%arg0: i32) -> (i32, i32, i32) {
    %c0_i32 = arith.constant 0 : i32
    %c0_i32_0 = arith.constant 0 : i32
    %c0_i32_1 = arith.constant 0 : i32
    return %arg0, %c0_i32, %c0_i32_0 : i32, i32, i32
  }
}

module attributes {stable_mosaic.version = 14 : i64} {
  func.func @_dist_body(%arg0: i32, %arg1: i32, %arg2: memref<1x6272x32xf32, #tpu.memory_space<vmem>>, %arg3: memref<1x32x64xf32, #tpu.memory_space<vmem>>, %arg4: memref<1x1x64xf32, #tpu.memory_space<vmem>>, %arg5: memref<1x1x64xf32, #tpu.memory_space<vmem>>, %arg6: memref<32x96xf32, #tpu.memory_space<vmem>>, %arg7: memref<96x32xf32, #tpu.memory_space<vmem>>, %arg8: memref<1x96xf32, #tpu.memory_space<vmem>>, %arg9: memref<96x1xf32, #tpu.memory_space<vmem>>, %arg10: memref<1x1x64xf32, #tpu.memory_space<vmem>>, %arg11: memref<1x1x64xf32, #tpu.memory_space<vmem>>, %arg12: memref<1x1x64xf32, #tpu.memory_space<vmem>>, %arg13: memref<96x64xf32, #tpu.memory_space<vmem>>, %arg14: memref<1x64xf32, #tpu.memory_space<vmem>>, %arg15: memref<1x64xf32, #tpu.memory_space<vmem>>, %arg16: memref<1x64xi32, #tpu.memory_space<vmem>>) attributes {dimension_semantics = [#tpu.dimension_semantics<arbitrary>, #tpu.dimension_semantics<arbitrary>], iteration_bounds = array<i64: 4, 8>, scalar_prefetch = 0 : i64, scratch_operands = 4 : i64, tpu.core_type = #tpu.core_type<tc>, window_params = [{transform_indices = @transform_0, window_bounds = array<i64: 1, 6272, 32>}, {transform_indices = @transform_1, window_bounds = array<i64: 1, 32, 64>}, {transform_indices = @transform_2, window_bounds = array<i64: 1, 1, 64>}, {transform_indices = @transform_3, window_bounds = array<i64: 1, 1, 64>}, {pipeline_mode = #tpu.pipeline_mode<synchronous>, transform_indices = @transform_4, window_bounds = array<i64: 32, 96>}, {pipeline_mode = #tpu.pipeline_mode<synchronous>, transform_indices = @transform_5, window_bounds = array<i64: 96, 32>}, {pipeline_mode = #tpu.pipeline_mode<synchronous>, transform_indices = @transform_6, window_bounds = array<i64: 1, 96>}, {pipeline_mode = #tpu.pipeline_mode<synchronous>, transform_indices = @transform_7, window_bounds = array<i64: 96, 1>}, {transform_indices = @transform_8, window_bounds = array<i64: 1, 1, 64>}, {transform_indices = @transform_9, window_bounds = array<i64: 1, 1, 64>}, {transform_indices = @transform_10, window_bounds = array<i64: 1, 1, 64>}]} {
    %eq3A = arith.constant 0 : i32
    %eq3A_0 = arith.cmpi eq, %arg1, %eq3A : i32
    %convert_element_type3A = arith.extui %eq3A_0 : i1 to i32
    %cond3A = arith.constant 0 : i32
    %cond3A_1 = arith.cmpi ne, %convert_element_type3A, %cond3A : i32
    scf.if %cond3A_1 {
      %get3A_59 = arith.constant 0 : index
      %get3A_60 = arith.constant 0 : index
      %get3A_61 = vector.load %arg7[%get3A_59, %get3A_60] : memref<96x32xf32, #tpu.memory_space<vmem>>, vector<96x32xf32>
      %get3A_62 = arith.constant 0 : index
      %get3A_63 = arith.constant 0 : index
      %get3A_64 = arith.constant 0 : index
      %get3A_65 = vector.load %arg3[%get3A_62, %get3A_63, %get3A_64] : memref<1x32x64xf32, #tpu.memory_space<vmem>>, vector<1x32x64xf32>
      %get3A_66 = vector.shape_cast %get3A_65 : vector<1x32x64xf32> to vector<32x64xf32>
      %dot_general3A_67 = arith.constant dense<0.000000e+00> : vector<96x64xf32>
      %dot_general3A_68 = tpu.matmul %get3A_61, %get3A_66, %dot_general3A_67 {dimension_numbers = #tpu.dot_dimension_numbers<[1], [0], [0], [1], [0, 0, 1, 1], [], []>, transpose_lhs_hint = false} : vector<96x32xf32>, vector<32x64xf32>, vector<96x64xf32> -> vector<96x64xf32>
      %get3A_69 = arith.constant 0 : index
      %get3A_70 = arith.constant 0 : index
      %get3A_71 = vector.load %arg9[%get3A_69, %get3A_70] : memref<96x1xf32, #tpu.memory_space<vmem>>, vector<96x1xf32>
      %add3A_72 = vector.broadcast %get3A_71 : vector<96x1xf32> to vector<96x64xf32>
      %add3A_73 = arith.addf %dot_general3A_68, %add3A_72 : vector<96x64xf32>
      %max3A_74 = arith.constant 0.000000e+00 : f32
      %max3A_75 = vector.broadcast %max3A_74 : f32 to vector<96x64xf32>
      %max3A_76 = arith.maximumf %add3A_73, %max3A_75 : vector<96x64xf32>
      %swap3A_77 = arith.constant 0 : index
      %swap3A_78 = arith.constant 0 : index
      %swap3A_79 = vector.load %arg13[%swap3A_77, %swap3A_78] : memref<96x64xf32, #tpu.memory_space<vmem>>, vector<96x64xf32>
      tpu.vector_store %arg13[%swap3A_77, %swap3A_78], %max3A_76 {strides = array<i32>} : memref<96x64xf32, #tpu.memory_space<vmem>>, vector<96x64xf32>,
      %mul3A_80 = arith.mulf %max3A_76, %max3A_76 : vector<96x64xf32>
      %reduce_sum3A_81 = arith.constant dense<0.000000e+00> : vector<64xf32>
      %reduce_sum3A_82 = vector.multi_reduction <add>, %mul3A_80, %reduce_sum3A_81 [0] : vector<96x64xf32> to vector<64xf32>
      %broadcast_in_dim3A_83 = vector.shape_cast %reduce_sum3A_82 : vector<64xf32> to vector<1x64xf32>
      %swap3A_84 = arith.constant 0 : index
      %swap3A_85 = arith.constant 0 : index
      %swap3A_86 = vector.load %arg14[%swap3A_84, %swap3A_85] : memref<1x64xf32, #tpu.memory_space<vmem>>, vector<1x64xf32>
      tpu.vector_store %arg14[%swap3A_84, %swap3A_85], %broadcast_in_dim3A_83 {strides = array<i32>} : memref<1x64xf32, #tpu.memory_space<vmem>>, vector<1x64xf32>,
      %broadcast_in_dim3A_87 = arith.constant 0x7F800000 : f32
      %broadcast_in_dim3A_88 = vector.broadcast %broadcast_in_dim3A_87 : f32 to vector<1x64xf32>
      %swap3A_89 = arith.constant 0 : index
      %swap3A_90 = arith.constant 0 : index
      %swap3A_91 = vector.load %arg15[%swap3A_89, %swap3A_90] : memref<1x64xf32, #tpu.memory_space<vmem>>, vector<1x64xf32>
      tpu.vector_store %arg15[%swap3A_89, %swap3A_90], %broadcast_in_dim3A_88 {strides = array<i32>} : memref<1x64xf32, #tpu.memory_space<vmem>>, vector<1x64xf32>,
      %broadcast_in_dim3A_92 = arith.constant 0 : i32
      %broadcast_in_dim3A_93 = vector.broadcast %broadcast_in_dim3A_92 : i32 to vector<1x64xi32>
      %swap3A_94 = arith.constant 0 : index
      %swap3A_95 = arith.constant 0 : index
      %swap3A_96 = vector.load %arg16[%swap3A_94, %swap3A_95] : memref<1x64xi32, #tpu.memory_space<vmem>>, vector<1x64xi32>
      tpu.vector_store %arg16[%swap3A_94, %swap3A_95], %broadcast_in_dim3A_93 {strides = array<i32>} : memref<1x64xi32, #tpu.memory_space<vmem>>, vector<1x64xi32>,
    } else {
    }
    %get3A = arith.constant 0 : index
    %get3A_2 = arith.constant 0 : index
    %get3A_3 = arith.constant 0 : index
    %get3A_4 = vector.load %arg2[%get3A, %get3A_2, %get3A_3] : memref<1x6272x32xf32, #tpu.memory_space<vmem>>, vector<1x6272x32xf32>
    %get3A_5 = vector.shape_cast %get3A_4 : vector<1x6272x32xf32> to vector<6272x32xf32>
    %get3A_6 = arith.constant 0 : index
    %get3A_7 = arith.constant 0 : index
    %get3A_8 = vector.load %arg6[%get3A_6, %get3A_7] : memref<32x96xf32, #tpu.memory_space<vmem>>, vector<32x96xf32>
    %dot_general3A = arith.constant dense<0.000000e+00> : vector<6272x96xf32>
    %dot_general3A_9 = tpu.matmul %get3A_5, %get3A_8, %dot_general3A {dimension_numbers = #tpu.dot_dimension_numbers<[1], [0], [0], [1], [0, 0, 1, 1], [], []>, transpose_lhs_hint = false} : vector<6272x32xf32>, vector<32x96xf32>, vector<6272x96xf32> -> vector<6272x96xf32>
    %get3A_10 = arith.constant 0 : index
    %get3A_11 = arith.constant 0 : index
    %get3A_12 = vector.load %arg8[%get3A_10, %get3A_11] : memref<1x96xf32, #tpu.memory_space<vmem>>, vector<1x96xf32>
    %add3A = vector.broadcast %get3A_12 : vector<1x96xf32> to vector<6272x96xf32>
    %add3A_13 = arith.addf %dot_general3A_9, %add3A : vector<6272x96xf32>
    %max3A = arith.constant 0.000000e+00 : f32
    %max3A_14 = vector.broadcast %max3A : f32 to vector<6272x96xf32>
    %max3A_15 = arith.maximumf %add3A_13, %max3A_14 : vector<6272x96xf32>
    %get3A_16 = arith.constant 0 : index
    %get3A_17 = arith.constant 0 : index
    %get3A_18 = vector.load %arg13[%get3A_16, %get3A_17] : memref<96x64xf32, #tpu.memory_space<vmem>>, vector<96x64xf32>
    %dot_general3A_19 = arith.constant dense<0.000000e+00> : vector<6272x64xf32>
    %dot_general3A_20 = tpu.matmul %max3A_15, %get3A_18, %dot_general3A_19 {dimension_numbers = #tpu.dot_dimension_numbers<[1], [0], [0], [1], [0, 0, 1, 1], [], []>, transpose_lhs_hint = false} : vector<6272x96xf32>, vector<96x64xf32>, vector<6272x64xf32> -> vector<6272x64xf32>
    %mul3A = arith.mulf %max3A_15, %max3A_15 : vector<6272x96xf32>
    %reduce_sum3A = arith.constant dense<0.000000e+00> : vector<6272xf32>
    %reduce_sum3A_21 = vector.multi_reduction <add>, %mul3A, %reduce_sum3A [1] : vector<6272x96xf32> to vector<6272xf32>
    %broadcast_in_dim3A = vector.shape_cast %reduce_sum3A_21 : vector<6272xf32> to vector<6272x1xf32>
    %mul3A_22 = arith.constant 2.000000e+00 : f32
    %mul3A_23 = vector.broadcast %mul3A_22 : f32 to vector<6272x64xf32>
    %mul3A_24 = arith.mulf %mul3A_23, %dot_general3A_20 : vector<6272x64xf32>
    %sub3A = vector.broadcast %broadcast_in_dim3A : vector<6272x1xf32> to vector<6272x64xf32>
    %sub3A_25 = arith.subf %sub3A, %mul3A_24 : vector<6272x64xf32>
    %reduce_min3A = arith.constant dense<0x7F800000> : vector<64xf32>
    %reduce_min3A_26 = vector.multi_reduction <minimumf>, %sub3A_25, %reduce_min3A [0] : vector<6272x64xf32> to vector<64xf32>
    %broadcast_in_dim3A_27 = vector.shape_cast %reduce_min3A_26 : vector<64xf32> to vector<1x64xf32>
    %iota3A = tpu.iota {dimensions = array<i32: 0>} : vector<6272x64xi32>
    %eq3A_28 = vector.broadcast %broadcast_in_dim3A_27 : vector<1x64xf32> to vector<6272x64xf32>
    %eq3A_29 = arith.cmpf oeq, %sub3A_25, %eq3A_28 : vector<6272x64xf32>
    %jit3A = arith.constant 6272 : i32
    %broadcast_in_dim3A_30 = vector.broadcast %jit3A : i32 to vector<6272x64xi32>
    %select_n3A = arith.select %eq3A_29, %iota3A, %broadcast_in_dim3A_30 : vector<6272x64xi1>, vector<6272x64xi32>
    %reduce_min3A_31 = arith.constant dense<2147483647> : vector<64xi32>
    %reduce_min3A_32 = vector.multi_reduction <minsi>, %select_n3A, %reduce_min3A_31 [0] : vector<6272x64xi32> to vector<64xi32>
    %broadcast_in_dim3A_33 = vector.shape_cast %reduce_min3A_32 : vector<64xi32> to vector<1x64xi32>
    %get3A_34 = arith.constant 0 : index
    %get3A_35 = arith.constant 0 : index
    %get3A_36 = vector.load %arg15[%get3A_34, %get3A_35] : memref<1x64xf32, #tpu.memory_space<vmem>>, vector<1x64xf32>
    %lt3A = arith.cmpf olt, %broadcast_in_dim3A_27, %get3A_36 : vector<1x64xf32>
    %mul3A_37 = arith.constant 6272 : i32
    %mul3A_38 = arith.muli %arg1, %mul3A_37 : i32
    %add3A_39 = vector.broadcast %mul3A_38 : i32 to vector<1x64xi32>
    %add3A_40 = arith.addi %broadcast_in_dim3A_33, %add3A_39 : vector<1x64xi32>
    %get3A_41 = arith.constant 0 : index
    %get3A_42 = arith.constant 0 : index
    %get3A_43 = vector.load %arg16[%get3A_41, %get3A_42] : memref<1x64xi32, #tpu.memory_space<vmem>>, vector<1x64xi32>
    %select_n3A_44 = arith.select %lt3A, %add3A_40, %get3A_43 : vector<1x64xi1>, vector<1x64xi32>
    %swap3A = arith.constant 0 : index
    %swap3A_45 = arith.constant 0 : index
    %swap3A_46 = vector.load %arg16[%swap3A, %swap3A_45] : memref<1x64xi32, #tpu.memory_space<vmem>>, vector<1x64xi32>
    tpu.vector_store %arg16[%swap3A, %swap3A_45], %select_n3A_44 {strides = array<i32>} : memref<1x64xi32, #tpu.memory_space<vmem>>, vector<1x64xi32>,
    %get3A_47 = arith.constant 0 : index
    %get3A_48 = arith.constant 0 : index
    %get3A_49 = vector.load %arg15[%get3A_47, %get3A_48] : memref<1x64xf32, #tpu.memory_space<vmem>>, vector<1x64xf32>
    %select_n3A_50 = arith.select %lt3A, %broadcast_in_dim3A_27, %get3A_49 : vector<1x64xi1>, vector<1x64xf32>
    %swap3A_51 = arith.constant 0 : index
    %swap3A_52 = arith.constant 0 : index
    %swap3A_53 = vector.load %arg15[%swap3A_51, %swap3A_52] : memref<1x64xf32, #tpu.memory_space<vmem>>, vector<1x64xf32>
    tpu.vector_store %arg15[%swap3A_51, %swap3A_52], %select_n3A_50 {strides = array<i32>} : memref<1x64xf32, #tpu.memory_space<vmem>>, vector<1x64xf32>,
    %eq3A_54 = arith.constant 7 : i32
    %eq3A_55 = arith.cmpi eq, %arg1, %eq3A_54 : i32
    %convert_element_type3A_56 = arith.extui %eq3A_55 : i1 to i32
    %cond3A_57 = arith.constant 0 : i32
    %cond3A_58 = arith.cmpi ne, %convert_element_type3A_56, %cond3A_57 : i32
    scf.if %cond3A_58 {
      %get3A_59 = arith.constant 0 : index
      %get3A_60 = arith.constant 0 : index
      %get3A_61 = vector.load %arg16[%get3A_59, %get3A_60] : memref<1x64xi32, #tpu.memory_space<vmem>>, vector<1x64xi32>
      %jit3A_62 = arith.constant 224 : i32
      %div3A = vector.broadcast %jit3A_62 : i32 to vector<1x64xi32>
      %div3A_63 = arith.divsi %get3A_61, %div3A : vector<1x64xi32>
      %sign3A = arith.constant 0 : i32
      %sign3A_64 = vector.broadcast %sign3A : i32 to vector<1x64xi32>
      %sign3A_65 = arith.cmpi sgt, %get3A_61, %sign3A_64 : vector<1x64xi32>
      %sign3A_66 = arith.extui %sign3A_65 : vector<1x64xi1> to vector<1x64xi32>
      %sign3A_67 = arith.constant 0 : i32
      %sign3A_68 = vector.broadcast %sign3A_67 : i32 to vector<1x64xi32>
      %sign3A_69 = arith.cmpi slt, %get3A_61, %sign3A_68 : vector<1x64xi32>
      %sign3A_70 = arith.extui %sign3A_69 : vector<1x64xi1> to vector<1x64xi32>
      %sign3A_71 = arith.subi %sign3A_66, %sign3A_70 : vector<1x64xi32>
      %sign3A_72 = arith.constant 0 : i32
      %sign3A_73 = arith.cmpi sgt, %jit3A_62, %sign3A_72 : i32
      %sign3A_74 = arith.extui %sign3A_73 : i1 to i32
      %sign3A_75 = arith.constant 0 : i32
      %sign3A_76 = arith.cmpi slt, %jit3A_62, %sign3A_75 : i32
      %sign3A_77 = arith.extui %sign3A_76 : i1 to i32
      %sign3A_78 = arith.subi %sign3A_74, %sign3A_77 : i32
      %ne3A = vector.broadcast %sign3A_78 : i32 to vector<1x64xi32>
      %ne3A_79 = arith.cmpi ne, %sign3A_71, %ne3A : vector<1x64xi32>
      %rem3A = vector.broadcast %jit3A_62 : i32 to vector<1x64xi32>
      %rem3A_80 = arith.remsi %get3A_61, %rem3A : vector<1x64xi32>
      %ne3A_81 = arith.constant 0 : i32
      %ne3A_82 = vector.broadcast %ne3A_81 : i32 to vector<1x64xi32>
      %ne3A_83 = arith.cmpi ne, %rem3A_80, %ne3A_82 : vector<1x64xi32>
      %and3A = arith.andi %ne3A_79, %ne3A_83 : vector<1x64xi1>
      %sub3A_84 = arith.constant 1 : i32
      %sub3A_85 = vector.broadcast %sub3A_84 : i32 to vector<1x64xi32>
      %sub3A_86 = arith.subi %div3A_63, %sub3A_85 : vector<1x64xi32>
      %select_n3A_87 = arith.select %and3A, %sub3A_86, %div3A_63 : vector<1x64xi1>, vector<1x64xi32>
      %convert_element_type3A_88 = arith.sitofp %select_n3A_87 : vector<1x64xi32> to vector<1x64xf32>
      %jit3A_89 = arith.constant 224 : i32
      %eq3A_90 = arith.constant 0 : i32
      %eq3A_91 = arith.cmpi eq, %jit3A_89, %eq3A_90 : i32
      %jit3A_92 = arith.constant 1 : i32
      %select_n3A_93 = arith.select %eq3A_91, %jit3A_92, %jit3A_89 : i32
      %rem3A_94 = vector.broadcast %select_n3A_93 : i32 to vector<1x64xi32>
      %rem3A_95 = arith.remsi %get3A_61, %rem3A_94 : vector<1x64xi32>
      %ne3A_96 = arith.constant 0 : i32
      %ne3A_97 = vector.broadcast %ne3A_96 : i32 to vector<1x64xi32>
      %ne3A_98 = arith.cmpi ne, %rem3A_95, %ne3A_97 : vector<1x64xi32>
      %lt3A_99 = arith.constant 0 : i32
      %lt3A_100 = vector.broadcast %lt3A_99 : i32 to vector<1x64xi32>
      %lt3A_101 = arith.cmpi slt, %rem3A_95, %lt3A_100 : vector<1x64xi32>
      %lt3A_102 = arith.constant 0 : i32
      %lt3A_103 = arith.cmpi slt, %select_n3A_93, %lt3A_102 : i32
      %ne3A_104 = vector.broadcast %lt3A_103 : i1 to vector<1x64xi1>
      %ne3A_105 = vector.broadcast %ne3A_104 : vector<1x64xi1> to vector<1x64xi1>
      %ne3A_106 = arith.xori %lt3A_101, %ne3A_105 : vector<1x64xi1>
      %and3A_107 = arith.andi %ne3A_106, %ne3A_98 : vector<1x64xi1>
      %add3A_108 = vector.broadcast %select_n3A_93 : i32 to vector<1x64xi32>
      %add3A_109 = arith.addi %rem3A_95, %add3A_108 : vector<1x64xi32>
      %select_n3A_110 = arith.select %and3A_107, %add3A_109, %rem3A_95 : vector<1x64xi1>, vector<1x64xi32>
      %convert_element_type3A_111 = arith.sitofp %select_n3A_110 : vector<1x64xi32> to vector<1x64xf32>
      %get3A_112 = arith.constant 0 : index
      %get3A_113 = arith.constant 0 : index
      %get3A_114 = arith.constant 0 : index
      %get3A_115 = vector.load %arg4[%get3A_112, %get3A_113, %get3A_114] : memref<1x1x64xf32, #tpu.memory_space<vmem>>, vector<1x1x64xf32>
      %get3A_116 = vector.shape_cast %get3A_115 : vector<1x1x64xf32> to vector<1x64xf32>
      %sub3A_117 = arith.subf %get3A_116, %convert_element_type3A_88 : vector<1x64xf32>
      %swap3A_118 = arith.constant 0 : index
      %swap3A_119 = arith.constant 0 : index
      %swap3A_120 = arith.constant 0 : index
      %swap3A_121 = vector.load %arg10[%swap3A_118, %swap3A_119, %swap3A_120] : memref<1x1x64xf32, #tpu.memory_space<vmem>>, vector<1x1x64xf32>
      %swap3A_122 = vector.shape_cast %swap3A_121 : vector<1x1x64xf32> to vector<1x64xf32>
      %swap3A_123 = vector.shape_cast %sub3A_117 : vector<1x64xf32> to vector<1x1x64xf32>
      tpu.vector_store %arg10[%swap3A_118, %swap3A_119, %swap3A_120], %swap3A_123 {strides = array<i32>} : memref<1x1x64xf32, #tpu.memory_space<vmem>>, vector<1x1x64xf32>,
      %get3A_124 = arith.constant 0 : index
      %get3A_125 = arith.constant 0 : index
      %get3A_126 = arith.constant 0 : index
      %get3A_127 = vector.load %arg5[%get3A_124, %get3A_125, %get3A_126] : memref<1x1x64xf32, #tpu.memory_space<vmem>>, vector<1x1x64xf32>
      %get3A_128 = vector.shape_cast %get3A_127 : vector<1x1x64xf32> to vector<1x64xf32>
      %sub3A_129 = arith.subf %get3A_128, %convert_element_type3A_111 : vector<1x64xf32>
      %swap3A_130 = arith.constant 0 : index
      %swap3A_131 = arith.constant 0 : index
      %swap3A_132 = arith.constant 0 : index
      %swap3A_133 = vector.load %arg11[%swap3A_130, %swap3A_131, %swap3A_132] : memref<1x1x64xf32, #tpu.memory_space<vmem>>, vector<1x1x64xf32>
      %swap3A_134 = vector.shape_cast %swap3A_133 : vector<1x1x64xf32> to vector<1x64xf32>
      %swap3A_135 = vector.shape_cast %sub3A_129 : vector<1x64xf32> to vector<1x1x64xf32>
      tpu.vector_store %arg11[%swap3A_130, %swap3A_131, %swap3A_132], %swap3A_135 {strides = array<i32>} : memref<1x1x64xf32, #tpu.memory_space<vmem>>, vector<1x1x64xf32>,
      %get3A_136 = arith.constant 0 : index
      %get3A_137 = arith.constant 0 : index
      %get3A_138 = vector.load %arg15[%get3A_136, %get3A_137] : memref<1x64xf32, #tpu.memory_space<vmem>>, vector<1x64xf32>
      %get3A_139 = arith.constant 0 : index
      %get3A_140 = arith.constant 0 : index
      %get3A_141 = vector.load %arg14[%get3A_139, %get3A_140] : memref<1x64xf32, #tpu.memory_space<vmem>>, vector<1x64xf32>
      %add3A_142 = arith.addf %get3A_138, %get3A_141 : vector<1x64xf32>
      %swap3A_143 = arith.constant 0 : index
      %swap3A_144 = arith.constant 0 : index
      %swap3A_145 = arith.constant 0 : index
      %swap3A_146 = vector.load %arg12[%swap3A_143, %swap3A_144, %swap3A_145] : memref<1x1x64xf32, #tpu.memory_space<vmem>>, vector<1x1x64xf32>
      %swap3A_147 = vector.shape_cast %swap3A_146 : vector<1x1x64xf32> to vector<1x64xf32>
      %swap3A_148 = vector.shape_cast %add3A_142 : vector<1x64xf32> to vector<1x1x64xf32>
      tpu.vector_store %arg12[%swap3A_143, %swap3A_144, %swap3A_145], %swap3A_148 {strides = array<i32>} : memref<1x1x64xf32, #tpu.memory_space<vmem>>, vector<1x1x64xf32>,
    } else {
    }
    return
  }
  func.func @transform_0(%arg0: i32, %arg1: i32) -> (i32, i32, i32) {
    %c0_i32 = arith.constant 0 : i32
    %c0_i32_0 = arith.constant 0 : i32
    return %arg0, %arg1, %c0_i32 : i32, i32, i32
  }
  func.func @transform_1(%arg0: i32, %arg1: i32) -> (i32, i32, i32) {
    %c0_i32 = arith.constant 0 : i32
    %c0_i32_0 = arith.constant 0 : i32
    %c0_i32_1 = arith.constant 0 : i32
    return %arg0, %c0_i32, %c0_i32_0 : i32, i32, i32
  }
  func.func @transform_2(%arg0: i32, %arg1: i32) -> (i32, i32, i32) {
    %c0_i32 = arith.constant 0 : i32
    %c0_i32_0 = arith.constant 0 : i32
    %c0_i32_1 = arith.constant 0 : i32
    return %arg0, %c0_i32, %c0_i32_0 : i32, i32, i32
  }
  func.func @transform_3(%arg0: i32, %arg1: i32) -> (i32, i32, i32) {
    %c0_i32 = arith.constant 0 : i32
    %c0_i32_0 = arith.constant 0 : i32
    %c0_i32_1 = arith.constant 0 : i32
    return %arg0, %c0_i32, %c0_i32_0 : i32, i32, i32
  }
  func.func @transform_4(%arg0: i32, %arg1: i32) -> (i32, i32) {
    %c0_i32 = arith.constant 0 : i32
    %c0_i32_0 = arith.constant 0 : i32
    %c0_i32_1 = arith.constant 0 : i32
    return %c0_i32, %c0_i32_0 : i32, i32
  }
  func.func @transform_5(%arg0: i32, %arg1: i32) -> (i32, i32) {
    %c0_i32 = arith.constant 0 : i32
    %c0_i32_0 = arith.constant 0 : i32
    %c0_i32_1 = arith.constant 0 : i32
    return %c0_i32, %c0_i32_0 : i32, i32
  }
  func.func @transform_6(%arg0: i32, %arg1: i32) -> (i32, i32) {
    %c0_i32 = arith.constant 0 : i32
    %c0_i32_0 = arith.constant 0 : i32
    %c0_i32_1 = arith.constant 0 : i32
    return %c0_i32, %c0_i32_0 : i32, i32
  }
  func.func @transform_7(%arg0: i32, %arg1: i32) -> (i32, i32) {
    %c0_i32 = arith.constant 0 : i32
    %c0_i32_0 = arith.constant 0 : i32
    %c0_i32_1 = arith.constant 0 : i32
    return %c0_i32, %c0_i32_0 : i32, i32
  }
  func.func @transform_8(%arg0: i32, %arg1: i32) -> (i32, i32, i32) {
    %c0_i32 = arith.constant 0 : i32
    %c0_i32_0 = arith.constant 0 : i32
    %c0_i32_1 = arith.constant 0 : i32
    return %arg0, %c0_i32, %c0_i32_0 : i32, i32, i32
  }
  func.func @transform_9(%arg0: i32, %arg1: i32) -> (i32, i32, i32) {
    %c0_i32 = arith.constant 0 : i32
    %c0_i32_0 = arith.constant 0 : i32
    %c0_i32_1 = arith.constant 0 : i32
    return %arg0, %c0_i32, %c0_i32_0 : i32, i32, i32
  }
  func.func @transform_10(%arg0: i32, %arg1: i32) -> (i32, i32, i32) {
    %c0_i32 = arith.constant 0 : i32
    %c0_i32_0 = arith.constant 0 : i32
    %c0_i32_1 = arith.constant 0 : i32
    return %arg0, %c0_i32, %c0_i32_0 : i32, i32, i32
  }
}

</mosaic_0001>

<sc_bundles>
// kernel: kernel.5.cloned.1.call-start
scs
__scs_entry_jumppad:
0x0: {  	(pc) =	sbr.rel $0x88, $3  }
0x1: {  	(tag) =	ssettag $0x0;
	lr =	simm.s32 $0x1  }
0x2: {  	[smem:$0x3F9D] =	sst lr;
	_ =	strace $0xD0000000  }
0x3: {  	_ = 	snop  }
0x4: {  	_ = 	snop  }
0x5: {  	_ = 	snop  }
0x6: {  	_ = 	snop  }
0x7: {  	_ = 	snop  }
__scs_overlays_trampoline_lowered:
0x8: {  	[smem:$0x3FAC] =	sst s0  }
0x9: {  	[smem:$0x3FAD] =	sst s1  }
0xa: {  	[smem:$0x3FAE] =	sst s2  }
0xb: {  	[smem:$0x3FAF] =	sst s3  }
0xc: {  	[smem:$0x3FB0] =	sst s4  }
0xd: {  	[smem:$0x3FB1] =	sst s5  }
0xe: {  	[smem:$0x3FB2] =	sst s6  }
0xf: {  	[smem:$0x3FB3] =	sst s7  }
0x10: {  	[smem:$0x3FB4] =	sst s8  }
0x11: {  	[smem:$0x3FB5] =	sst s9;
	s0 =	simm.s32 @!p0 $0x0  }
0x12: {  	s1 =	sld [smem:$0x3F9B];
	s0 =	simm.s32 @p0 $0x1  }
0x13: {  	[smem:$0x3FB6] =	sst s0;
	s0 =	simm.s32 @!p1 $0x0  }
0x14: {  	s2 =	sld [smem:$0x3F9A];
	s0 =	simm.s32 @p1 $0x1  }
0x15: {  	[smem:$0x3FB7] =	sst s0;
	s0 =	simm.s32 @!p2 $0x0  }
0x16: {  	s3 =	sld [smem:$0x3FDB];
	s0 =	simm.s32 @p2 $0x1  }
0x17: {  	s4 =	simm.s32 $0x1BF5;
	[smem:$0x3FB9] =	sst s0  }
0x18: {  	s0 =	sld [smem:$0x3F9C];
	_ =	swait.ge [sflag:s4], $0x0  }
0x19: {  	s7 =	sld [smem:$0x3F9D]  }
0x1a: {  	s8 =	sadd.s32 $0xFFFFE003, lr  }
0x1b: {  	s9 =	sadd.s32 $0xFFFFFEF7, lr;
	s5 =	simm.s32 $0xFFFFFFFF;
	p2 =	slt.u32 s8, $0xFFFFF086  }
0x1c: {  	p1 =	slt.u32 s9, $0xF7A;
	s5 =	simm.s32 @!p2 $0x0  }
0x1d: {  	s5 =	simm.s32 @p1 $0x1;
	p0 =	seq.s32 s7, s2  }
0x1e: {  	s7 =	smul.u32 @!p0 $0xF7A, s2;
	p2 =	seq.s32 @!p0 s5, $0x0  }
0x1f: {  	s9 =	smul.u32 $0xF7A, s1;
	s8 =	simm.s32 @!p0 $0x1BF5;
	p2 =	por !p2, p0  }
0x20: {  	[sflag:s8] =	ssyncset.s32 @!p0 $0xFFFFF086;
	s6 =	sadd.s32 @!p0 s3, s7;
	s7 =	simm.s32 @!p0 $0x108  }
0x21: {  	s3 =	sadd.s32 s3, s9;
	s6 =	sadd.s32 @!p0 $0x88, s6;
	s7 =	simm.s32 @p2 $0x1082  }
0x22: {  	[simem:s7], [sflag:s8] =	dma.local @!p0 [hbm:s6], $0xF7A  }
0x23: {  	s9 =	sor.u32 $0xD0000000, s2;
	s6 =	simm.s32 $0x108;
	_ =	swait.ge @!p0 [sflag:s8], $0x0  }
0x24: {  	s3 =	sadd.s32 $0x88, s3;
	s6 =	simm.s32 @!p1 $0x1082;
	[sflag:s4] =	ssyncset.s32 $0xFFFFF086  }
0x25: {  	[simem:s6], [sflag:s4] =	dma.local [hbm:s3], $0xF7A  }
0x26: {  	[smem:$0x3F9D] =	sst s1;
	(tag) =	ssettag s2;
	_ =	strace s9  }
0x27: {  	s1 =	sld [smem:$0x3FAD]  }
0x28: {  	s2 =	sld [smem:$0x3FAE]  }
0x29: {  	s4 =	sld [smem:$0x3FB0]  }
0x2a: {  	p0 =	seq.s32 s5, $0x0;
	s5 =	sld [smem:$0x3FB1]  }
0x2b: {  	s6 =	sld [smem:$0x3FB2]  }
0x2c: {  	s7 =	sld [smem:$0x3FB3]  }
0x2d: {  	s3 =	simm.s32 $0x108;
	s8 =	sld [smem:$0x3FB4]  }
0x2e: {  	s3 =	simm.s32 @!p0 $0x1082;
	s9 =	sld [smem:$0x3FB5]  }
0x2f: {  	lr =	sadd.s32 s0, s3;
	s0 =	sld [smem:$0x3FAC]  }
0x30: {  	s3 =	sld [smem:$0x3FAF]  }
0x31: {  	[smem:$0x3FB8] =	sst s10  }
0x32: {  	s10 =	sld [smem:$0x3FB6];
	_ =	sdelay $0x3  }
0x33: {  	p0 =	seq.s32 s10, $0x1;
	s10 =	sld [smem:$0x3FB8];
	_ =	sdelay $0x3  }
0x34: {  	[smem:$0x3FB8] =	sst s10  }
0x35: {  	s10 =	sld [smem:$0x3FB7];
	_ =	sdelay $0x3  }
0x36: {  	p1 =	seq.s32 s10, $0x1;
	s10 =	sld [smem:$0x3FB8];
	_ =	sdelay $0x3  }
0x37: {  	[smem:$0x3FB8] =	sst s10  }
0x38: {  	s10 =	sld [smem:$0x3FB9]  }
0x39: {  	_ = 	snop;
	(pc) =	sbr.ind lr, $3  }
0x3a: {  	_ = 	snop  }
0x3b: {  	_ = 	snop  }
0x3c: {  	p2 =	seq.s32 s10, $0x1;
	s10 =	sld [smem:$0x3FB8]  }
0x3d: {  	_ =	shalt  }
0x3e: {  	_ =	shalt  }
0x3f: {  	_ =	shalt  }
0x40: {  	_ =	shalt  }
0x41: {  	_ =	shalt  }
0x42: {  	_ =	shalt  }
0x43: {  	_ =	shalt  }
0x44: {  	_ =	shalt  }
0x45: {  	_ =	shalt  }
0x46: {  	_ =	shalt  }
0x47: {  	_ =	shalt  }
0x48: {  	_ =	shalt  }
0x49: {  	_ =	shalt  }
0x4a: {  	_ =	shalt  }
0x4b: {  	_ =	shalt  }
0x4c: {  	_ =	shalt  }
0x4d: {  	_ =	shalt  }
0x4e: {  	_ =	shalt  }
0x4f: {  	_ =	shalt  }
0x50: {  	_ =	shalt  }
0x51: {  	_ =	shalt  }
0x52: {  	_ =	shalt  }
0x53: {  	_ =	shalt  }
0x54: {  	_ =	shalt  }
0x55: {  	_ =	shalt  }
0x56: {  	_ =	shalt  }
0x57: {  	_ =	shalt  }
0x58: {  	_ =	shalt  }
0x59: {  	_ =	shalt  }
0x5a: {  	_ =	shalt  }
0x5b: {  	_ =	shalt  }
0x5c: {  	_ =	shalt  }
0x5d: {  	_ =	shalt  }
0x5e: {  	_ =	shalt  }
0x5f: {  	_ =	shalt  }
0x60: {  	_ =	shalt  }
0x61: {  	_ =	shalt  }
0x62: {  	_ =	shalt  }
0x63: {  	_ =	shalt  }
0x64: {  	_ =	shalt  }
0x65: {  	_ =	shalt  }
0x66: {  	_ =	shalt  }
0x67: {  	_ =	shalt  }
0x68: {  	_ =	shalt  }
0x69: {  	_ =	shalt  }
0x6a: {  	_ =	shalt  }
0x6b: {  	_ =	shalt  }
0x6c: {  	_ =	shalt  }
0x6d: {  	_ =	shalt  }
0x6e: {  	_ =	shalt  }
0x6f: {  	_ =	shalt  }
0x70: {  	_ =	shalt  }
0x71: {  	_ =	shalt  }
0x72: {  	_ =	shalt  }
0x73: {  	_ =	shalt  }
0x74: {  	_ =	shalt  }
0x75: {  	_ =	shalt  }
0x76: {  	_ =	shalt  }
0x77: {  	_ =	shalt  }
0x78: {  	_ =	shalt  }
0x79: {  	_ =	shalt  }
0x7a: {  	_ =	shalt  }
0x7b: {  	_ =	shalt  }
0x7c: {  	_ =	shalt  }
0x7d: {  	_ =	shalt  }
0x7e: {  	_ =	shalt  }
0x7f: {  	_ =	shalt  }
0x80: {  	_ =	shalt  }
0x81: {  	_ =	shalt  }
0x82: {  	_ =	shalt  }
0x83: {  	_ =	shalt  }
0x84: {  	_ =	shalt  }
0x85: {  	_ =	shalt  }
0x86: {  	_ =	shalt  }
0x87: {  	_ =	shalt  }
.Lfunc_end0:
.L_simem_size_0:
called_computation_lowered:
.L_overlay_start_0:
0x88: {  	s2 =	sld [smem:$0x3FD9]  }
0x89: {  	s3 =	sld [smem:$0x3FFE];
	_ =	sdelay $0x1  }
0x8a: {  	s1 =	srdreg.scid  }
0x8b: {  	s0 =	sand.u32 $0x1, s1  }
0x8c: {  	s16 =	sshll.u32 s0, $0xA;
	s2 =	sadd.s32 s3, s2  }
0x8d: {  	s2 =	sadd.s32 s2, s16  }
0x8e: {  	[smem:$0x3FC4] =	sst s2  }
0x8f: {  	_ = 	snop  }
0x90: {  	(tm) =	ssettm $0x1  }
0x91: {  	s17 =	sld [smem:$0x3FFB];
	_ =	sdelay $0x3  }
0x92: {  	_ =	strace s17  }
0x93: {  	s2 =	sld [smem:$0x3FFC];
	_ =	sdelay $0x3  }
0x94: {  	_ =	strace s2  }
0x95: {  	s2 =	sld [smem:$0x3FFD];
	_ =	sdelay $0x3  }
0x96: {  	_ =	strace s2  }
0x97: {  	_ =	strace $0x8FFFFFFF  }
0x98: {  	s18 =	sld [smem:$0x3FDB];
	_ =	sdelay $0x1  }
0x99: {  	s19 =	simm.s32 $_scs_section_size  }
0x9a: {  	s4 =	simm.s32 $_size__tile_overlayer_lowered;
	s5 =	simm.s32 $_tile_overlayer_lowered  }
0x9b: {  	s22 =	simm.s32 $0x1BFF;
	s21 =	sshll.u32 s5, $0x1;
	s2 =	sadd.s32 s19, s18  }
0x9c: {  	s6 =	simm.s32 $0x0;
	s20 =	sshll.u32 s4, $0x1;
	s4 =	sadd.s32 s21, s2  }
0x9d: {  	[timem:s6], [sflag:s22] =	dma.local [hbm:s4], s20  }
0x9e: {  	_ =	swait.ge [sflag:s22], s20  }
0x9f: {  	s3 =	ssub.s32 $0x0, s20;
	[sflag:s22] =	ssyncset.done $0x0  }
0xa0: {  	[sflag:s22] =	ssyncadd.s32 s3;
	_ =	sdelay $0x1  }
0xa1: {  	s23 =	simm.s32 $0x1B8B  }
0xa2: {  	_ =	swait.ge [sflag:s23], $0x1  }
0xa3: {  	[sflag:s23] =	ssyncset.done $0x0  }
0xa4: {  	s25 =	simm.s32 $0x1B8E;
	s24 =	sld [smem:$0x3FFE];
	[sflag:s23] =	ssyncadd.s32 $0xFFFFFFFF  }
0xa5: {  	s26 =	simm.s32 $execute0_lowered;
	[smem:$0x3FD2] =	sst s25  }
0xa6: {  	s4 =	sshll.u32 s26, $0x1;
	_ =	strace $0x80000046;
	[dreg:$0x1] =	wrdreg $0xFFFFFFFF  }
0xa7: {  	s28 =	simm.s32 $_size_execute0_lowered;
	s2 =	sadd.s32 s2, s4;
	[dreg:$0x0] =	wrdreg $0x0  }
0xa8: {  	s4 =	sshll.u32 s28, $0x1;
	[dreg:$0x2] =	wrdreg s2  }
0xa9: {  	[dreg:$0x3] =	wrdreg s4  }
0xaa: {  	[dreg:$0x4] =	wrdreg $0xC0  }
0xab: {  	_ =	task [dreg:s6], $0x5FFFF  }
0xac: {  	[dreg:$0x1] =	wrdreg $0xFFFFFFFF  }
0xad: {  	[dreg:$0x0] =	wrdreg $0x60  }
0xae: {  	[dreg:$0x2] =	wrdreg s24  }
0xaf: {  	[dreg:$0x3] =	wrdreg $0x9  }
0xb0: {  	_ =	task.clear_ibuf [dreg:s6], $0x4FFFF;
	_ =	strace $0x90000046  }
0xb1: {  	s29 =	simm.s32 $0x9;
	_ =	strace $0x80000048  }
0xb2: {  	_ =	swait.ge [sflag:s29], $0x1  }
0xb3: {  	[sflag:s29] =	ssyncadd.s32 $0xFFFFFFFF  }
0xb4: {  	_ =	strace $0x90000048  }
0xb5: {  	_ =	sfence  }
0xb6: {  	s30 =	sld [smem:$0x0];
	_ =	sdelay $0x2  }
0xb7: {  	s31 =	sshll.u32 s1, $0xD;
	s1 =	sshrl.u32 s1, $0x2  }
0xb8: {  	s3 =	sand.u32 $0x4000, s31;
	s1 =	sadd.s32 s1, s30  }
0xb9: {  	s0 =	sor.u32 s3, s0;
	s1 =	sshll.u32 s1, $0x11  }
0xba: {  	s0 =	sor.u32 s1, s0  }
0xbb: {  	s0 =	sadd.s32 $0x8F2B, s0  }
0xbc: {  	[sflag:s0] =	ssyncadd.remote.s32 $0x1  }
0xbd: {  	_ =	sfence.sel $0xFFFF  }
0xbe: {  	[dreg:$0x0] =	wrdreg $0xFFFFFFFF;
	(pc) =	sbr.abs _section_cstart, $3  }
0xbf: {  	[dreg:$0x1] =	wrdreg $0xFFFFFFFF  }
0xc0: {  	_ =	task.clear_ibuf [dreg:s6], $0x2FFFF;
	_ =	strace $0x9FFFFFFF  }
0xc1: {  	(tm) =	ssettm $0x7FFFFFFF  }
tec
execute0_lowered:
.L_overlay_start_1:
0x0: {  	(tag) =	ssettag $0x1  }
0x1: {  	v0 =	vimm.s32 $0x3210FEDC;
	v1 =	vimm.s32 $0xBA987654  }
0x2: {  	s1 =	srdreg.scid;
	v2 =	vunpack.c.l.s4.s8 v0;
	v1 =	vunpack.c.l.s4.s8 v1  }
0x3: {  	s0 =	stileid.u32;
	s5 =	rddreg [dreg:$0x0];
	s2 =	simm.s32 $0x0;
	v3 =	vimm.s32 $0x76543210;
	v4 =	vimm.s32 $0xFEDCBA98  }
0x4: {  	v5 =	vimm.s32 $0x10FEDCBA;
	s9 =	simm.s32 $0x1880;
	s10 =	simm.s32 $0x1900;
	s11 =	simm.s32 $0x1980;
	v2 =	vunpack.c.0.s8.s32 v2;
	v1 =	vunpack.c.0.s8.s32 v1  }
0x5: {  	v7 =	vimm.s32 $0x87654321;
	s12 =	simm.s32 $0x1A00;
	s13 =	simm.s32 $0x1A80;
	s14 =	simm.s32 $0x1B00  }
0x6: {  	s15 =	simm.s32 $0x1B80;
	s3 =	sand.u32 $0x1, s1;
	s29 =	sshll.u32 s0, $0x1;
	v4 =	vunpack.c.l.s4.s8 v4;
	v7 =	vunpack.c.l.s4.s8 v7;
	v6 =	vcombine.low v1, v2  }
0x7: {  	s16 =	simm.s32 $0x1C00;
	s17 =	simm.s32 $0x1;
	s4 =	sor.u32 s3, s29;
	v1 =	vunpack.c.l.s4.s8 v5;
	v2 =	vimm.s32 $0x98765432;
	v5 =	vimm.s32 $0xFEDCBA9  }
0x8: {  	vm0 =	vcmask $0x3F08;
	s18 =	simm.s32 $0x1C80;
	s19 =	simm.s32 $0x0;
	s1 =	sand.u32 $0x7, s4;
	v2 =	vunpack.c.l.s4.s8 v2;
	v5 =	vunpack.c.l.s4.s8 v5  }
0x9: {  	[smem:$0x7FF] =	sst s2;
	s31 =	sshrl.u32 s0, $0x2;
	v3 =	vunpack.c.l.s4.s8 v3;
	v4 =	vunpack.c.0.s8.s32 v4;
	v7 =	vunpack.c.0.s8.s32 v7;
	s1 =	smul.u32 $0x1C, s1  }
0xa: {  	s7 =	ssub.s32 $0x2, s3;
	s6 =	smul.u32 $0x310, s4;
	s4 =	sshll.u32 s4, $0x7;
	v1 =	vunpack.c.0.s8.s32 v1;
	v2 =	vunpack.c.0.s8.s32 v2;
	v5 =	vunpack.c.0.s8.s32 v5  }
0xb: {  	s3 =	sadd.s32 $0x3B7C00, s5;
	s30 =	sshrl.u32 s7, $0x1;
	v3 =	vunpack.c.0.s8.s32 v3;
	s8 =	sadd.s32 s4, s5;
	v4 =	vand.u32 $0xF, v4;
	v0 =	vmov s1  }
0xc: {  	s7 =	ssub.s32 s7, s30;
	s6 =	sadd.s32 s6, s5;
	s5 =	smul.u32 $0xC400, s31;
	v8 =	vcombine.low v2, v1;
	v1 =	vlaneseq.u32;
	v7 =	vcombine.low v7, v5  }
0xd: {  	s7 =	smax.u32 s7, $0x1;
	s1 =	rddreg [dreg:$0x1];
	_ =	strace $0x80000047;
	v3 =	vcombine.low v4, v3;
	v4 =	vand.u32 $0xF, v6;
	v2 =	vadd.s32 $0xC, v1  }
0xe: {  	s4 =	sadd.s32 $0x2600, s6;
	s6 =	sadd.s32 $0x8800, s8;
	s8 =	simm.s32 $0x2;
	v5 =	vand.u32 $0xF, v8;
	v6 =	vand.u32 $0xF, v7;
	v7 =	vimm.f32 $0.0e+00  }
.LBB2_1:
0xf: {  	[tilespmem:s2], [sflag:$0x2] =	stream.linear.gather [hbm4b:s4+s2], $0x1880, $0x38;
	[tilespmem:$0x2080] =	vst v63  }
0x10: {  	_ =	swait.ge [sflag:s8], $0x1880  }
0x11: {  	[sflag:s8] =	ssyncset.done $0x0  }
0x12: {  	[sflag:s8] =	ssyncadd.s32 $0xFFFFE780  }
0x13: {  	v11 =	vld [tilespmem:s2+$0x0];
	_ =	sdelay $0x3  }
0x14: {  	v12 =	vimm.f32 $-Inf;
	v13 =	vimm.s32 $0x100000;
	v14 =	vadd.s32 s2, v1;
	v9 =	vld [tilespmem:s2+$0xC]  }
0x15: {  	vm2 =	vlt.s32 v14, v13;
	vm1 =	veq.f32 v11, v12  }
0x16: {  	vm3 =	vgt.f32 v11, v12;
	vm1 =	vmand vm2, vm1  }
0x17: {  	s21 =	simm.s32 $0xE0;
	vm1 =	vmor vm3, vm1  }
0x18: {  	s20 =	simm.s32 $0x1C;
	s22 =	simm.s32 $0x38;
	v10 =	vadd.s32 s2, v2;
	v8 =	vld [tilespmem:s21+$0x0];
	v11 =	vsel vm1, v11, v12;
	v12 =	vsel vm1, v14, v13  }
.LBB2_2:
0x19: {  	p0 =	sne.s32 s22, $0x2F4;
	vm1 =	veq.f32 v9, v11;
	vm2 =	vlt.s32 v10, v12  }
0x1a: {  	vm3 =	vgt.f32 v9, v11;
	vm1 =	vmand vm1, vm2  }
0x1b: {  	vm1 =	vmor vm3, vm1  }
.Ltmp0:
0x1c: {  	v13 =	vadd.s32 s20, v1;
	v11 =	vsel vm1, v9, v11;
	v9 =	vld [tilespmem:s21+$0xC];
	v12 =	vsel vm1, v10, v12;
	(pc) =	sbr.rel @p0 .LBB2_2-.Ltmp0, $4  }
0x1d: {  	vm1 =	veq.f32 v8, v11;
	vm2 =	vlt.s32 v13, v12  }
0x1e: {  	vm3 =	vgt.f32 v8, v11;
	vm1 =	vmand vm2, vm1  }
0x1f: {  	s21 =	sadd.s32 $0xE0, s21;
	vm1 =	vmor vm3, vm1  }
0x20: {  	v10 =	vadd.s32 s20, v2;
	s20 =	smov.u32 s22;
	s22 =	sadd.s32 $0x1C, s22;
	v11 =	vsel vm1, v8, v11;
	v8 =	vld [tilespmem:s21+$0x0];
	v12 =	vsel vm1, v13, v12  }
0x21: {  	vm1 =	veq.f32 v9, v11;
	vm2 =	vlt.s32 v10, v12  }
0x22: {  	vm3 =	vgt.f32 v9, v11;
	vm1 =	vmand vm1, vm2  }
0x23: {  	vm1 =	vmor vm3, vm1  }
0x24: {  	v13 =	vld [tilespmem:s21+$0xC];
	v14 =	vadd.s32 s20, v1;
	v9 =	vsel vm1, v9, v11;
	v10 =	vsel vm1, v10, v12  }
0x25: {  	vm1 =	veq.f32 v8, v9;
	vm2 =	vlt.s32 v14, v10  }
0x26: {  	vm3 =	vgt.f32 v8, v9;
	vm1 =	vmand vm2, vm1  }
0x27: {  	vm1 =	vmor vm3, vm1  }
0x28: {  	v11 =	vadd.s32 s20, v2;
	v8 =	vsel vm1, v8, v9;
	v9 =	vsel vm1, v14, v10  }
0x29: {  	vm1 =	veq.f32 v13, v8;
	vm2 =	vlt.s32 v11, v9  }
0x2a: {  	vm3 =	vgt.f32 v13, v8;
	vm1 =	vmand vm1, vm2  }
0x2b: {  	vm1 =	vmor vm3, vm1  }
0x2c: {  	v8 =	vsel vm1, v13, v8;
	v9 =	vsel vm1, v11, v9  }
0x2d: {  	v10 =	vperm.xlane v8, v3;
	v11 =	vperm.xlane v9, v3;
	_ =	sdelay $0x1  }
0x2e: {  	vm1 =	veq.f32 v10, v8;
	vm2 =	vlt.s32 v11, v9  }
0x2f: {  	vm3 =	vgt.f32 v10, v8;
	vm1 =	vmand vm1, vm2  }
0x30: {  	vm1 =	vmor vm3, vm1  }
0x31: {  	v8 =	vsel vm1, v10, v8;
	v9 =	vsel vm1, v11, v9  }
0x32: {  	v10 =	vperm.xlane v8, v4;
	v11 =	vperm.xlane v9, v4;
	_ =	sdelay $0x1  }
0x33: {  	vm1 =	veq.f32 v10, v8;
	vm2 =	vlt.s32 v11, v9  }
0x34: {  	vm3 =	vgt.f32 v10, v8;
	vm1 =	vmand vm1, vm2  }
0x35: {  	vm1 =	vmor vm3, vm1  }
0x36: {  	s31 =	simm.s32 $0x1C;
	v8 =	vsel vm1, v10, v8;
	v10 =	vsel vm1, v11, v9  }
0x37: {  	v15 =	vld [tilespmem:s31+$0x0];
	v9 =	vperm.xlane v8, v5;
	v11 =	vperm.xlane v10, v5;
	_ =	sdelay $0x1  }
0x38: {  	vm1 =	veq.f32 v9, v8;
	vm2 =	vlt.s32 v11, v10  }
0x39: {  	s23 =	simm.s32 $0x0;
	v16 =	vimm.f32 $-Inf;
	vm3 =	vgt.f32 v9, v8;
	vm1 =	vmand vm1, vm2  }
0x3a: {  	v17 =	vimm.s32 $0x100000;
	v18 =	vadd.s32 s23, v1;
	v13 =	vld [tilespmem:s31+$0xC];
	vm1 =	vmor vm3, vm1  }
0x3b: {  	vm2 =	veq.f32 v15, v16;
	vm3 =	vlt.s32 v18, v17;
	v9 =	vsel vm1, v9, v8  }
0x3c: {  	v8 =	vsel vm1, v11, v10;
	vm1 =	vgt.f32 v15, v16;
	vm2 =	vmand vm3, vm2  }
0x3d: {  	s21 =	simm.s32 $0xFC;
	v14 =	vadd.s32 s23, v2;
	v11 =	vperm.xlane v9, v6;
	vm1 =	vmor vm1, vm2  }
0x3e: {  	s22 =	simm.s32 $0x38;
	s20 =	simm.s32 $0x1C;
	v12 =	vld [tilespmem:s21+$0x0];
	v10 =	vperm.xlane v8, v6;
	v15 =	vsel vm1, v15, v16;
	v16 =	vsel vm1, v18, v17  }
.LBB2_4:
0x3f: {  	p0 =	sne.s32 s22, $0x2F4;
	vm1 =	veq.f32 v13, v15;
	vm2 =	vlt.s32 v14, v16  }
0x40: {  	vm3 =	vgt.f32 v13, v15;
	vm1 =	vmand vm1, vm2  }
0x41: {  	vm1 =	vmor vm3, vm1  }
.Ltmp1:
0x42: {  	v17 =	vadd.s32 s20, v1;
	v15 =	vsel vm1, v13, v15;
	v13 =	vld [tilespmem:s21+$0xC];
	v16 =	vsel vm1, v14, v16;
	(pc) =	sbr.rel @p0 .LBB2_4-.Ltmp1, $4  }
0x43: {  	vm1 =	veq.f32 v12, v15;
	vm2 =	vlt.s32 v17, v16  }
0x44: {  	vm3 =	vgt.f32 v12, v15;
	vm1 =	vmand vm2, vm1  }
0x45: {  	s21 =	sadd.s32 $0xE0, s21;
	vm1 =	vmor vm3, vm1  }
0x46: {  	v14 =	vadd.s32 s20, v2;
	s20 =	smov.u32 s22;
	s22 =	sadd.s32 $0x1C, s22;
	v15 =	vsel vm1, v12, v15;
	v12 =	vld [tilespmem:s21+$0x0];
	v16 =	vsel vm1, v17, v16  }
0x47: {  	vm1 =	veq.f32 v13, v15;
	vm2 =	vlt.s32 v14, v16  }
0x48: {  	vm3 =	vgt.f32 v13, v15;
	vm1 =	vmand vm1, vm2  }
0x49: {  	vm1 =	vmor vm3, vm1  }
0x4a: {  	v17 =	vld [tilespmem:s21+$0xC];
	v18 =	vadd.s32 s20, v1;
	v13 =	vsel vm1, v13, v15;
	v14 =	vsel vm1, v14, v16  }
0x4b: {  	vm1 =	veq.f32 v12, v13;
	vm2 =	vlt.s32 v18, v14  }
0x4c: {  	vm3 =	vgt.f32 v12, v13;
	vm1 =	vmand vm2, vm1  }
0x4d: {  	vm1 =	vmor vm3, vm1  }
0x4e: {  	v15 =	vadd.s32 s20, v2;
	v12 =	vsel vm1, v12, v13;
	v13 =	vsel vm1, v18, v14  }
0x4f: {  	vm1 =	veq.f32 v17, v12;
	vm2 =	vlt.s32 v15, v13  }
0x50: {  	vm3 =	vgt.f32 v17, v12;
	vm1 =	vmand vm1, vm2  }
0x51: {  	vm1 =	vmor vm3, vm1  }
0x52: {  	v12 =	vsel vm1, v17, v12;
	v13 =	vsel vm1, v15, v13  }
0x53: {  	v14 =	vperm.xlane v12, v3;
	v15 =	vperm.xlane v13, v3;
	_ =	sdelay $0x1  }
0x54: {  	vm1 =	veq.f32 v14, v12;
	vm2 =	vlt.s32 v15, v13  }
0x55: {  	vm3 =	vgt.f32 v14, v12;
	vm1 =	vmand vm1, vm2  }
0x56: {  	vm1 =	vmor vm3, vm1  }
0x57: {  	v12 =	vsel vm1, v14, v12;
	v13 =	vsel vm1, v15, v13  }
0x58: {  	v14 =	vperm.xlane v12, v4;
	v15 =	vperm.xlane v13, v4;
	_ =	sdelay $0x1  }
0x59: {  	vm1 =	veq.f32 v14, v12;
	vm2 =	vlt.s32 v15, v13  }
0x5a: {  	vm3 =	vgt.f32 v14, v12;
	vm1 =	vmand vm1, vm2  }
0x5b: {  	vm1 =	vmor vm3, vm1  }
0x5c: {  	s31 =	simm.s32 $0x38;
	v12 =	vsel vm1, v14, v12;
	v14 =	vsel vm1, v15, v13  }
0x5d: {  	v19 =	vld [tilespmem:s31+$0x0];
	v13 =	vperm.xlane v12, v5;
	v15 =	vperm.xlane v14, v5;
	_ =	sdelay $0x1  }
0x5e: {  	vm1 =	veq.f32 v13, v12;
	vm2 =	vlt.s32 v15, v14  }
0x5f: {  	s23 =	simm.s32 $0x0;
	v20 =	vimm.f32 $-Inf;
	vm3 =	vgt.f32 v13, v12;
	vm1 =	vmand vm1, vm2  }
0x60: {  	v21 =	vimm.s32 $0x100000;
	v22 =	vadd.s32 s23, v1;
	v17 =	vld [tilespmem:s31+$0xC];
	vm1 =	vmor vm3, vm1  }
0x61: {  	vm2 =	veq.f32 v19, v20;
	vm3 =	vlt.s32 v22, v21;
	v13 =	vsel vm1, v13, v12  }
0x62: {  	v12 =	vsel vm1, v15, v14;
	vm1 =	vgt.f32 v19, v20;
	vm2 =	vmand vm3, vm2  }
0x63: {  	s21 =	simm.s32 $0x118;
	v18 =	vadd.s32 s23, v2;
	v15 =	vperm.xlane v13, v6;
	vm1 =	vmor vm1, vm2  }
0x64: {  	s22 =	simm.s32 $0x38;
	s20 =	simm.s32 $0x1C;
	v16 =	vld [tilespmem:s21+$0x0];
	v14 =	vperm.xlane v12, v6;
	v19 =	vsel vm1, v19, v20;
	v20 =	vsel vm1, v22, v21  }
.LBB2_6:
0x65: {  	p0 =	sne.s32 s22, $0x2F4;
	vm1 =	veq.f32 v17, v19;
	vm2 =	vlt.s32 v18, v20  }
0x66: {  	vm3 =	vgt.f32 v17, v19;
	vm1 =	vmand vm1, vm2  }
0x67: {  	vm1 =	vmor vm3, vm1  }
.Ltmp2:
0x68: {  	v21 =	vadd.s32 s20, v1;
	v19 =	vsel vm1, v17, v19;
	v17 =	vld [tilespmem:s21+$0xC];
	v20 =	vsel vm1, v18, v20;
	(pc) =	sbr.rel @p0 .LBB2_6-.Ltmp2, $4  }
0x69: {  	vm1 =	veq.f32 v16, v19;
	vm2 =	vlt.s32 v21, v20  }
0x6a: {  	vm3 =	vgt.f32 v16, v19;
	vm1 =	vmand vm2, vm1  }
0x6b: {  	s21 =	sadd.s32 $0xE0, s21;
	vm1 =	vmor vm3, vm1  }
0x6c: {  	v18 =	vadd.s32 s20, v2;
	s20 =	smov.u32 s22;
	s22 =	sadd.s32 $0x1C, s22;
	v19 =	vsel vm1, v16, v19;
	v16 =	vld [tilespmem:s21+$0x0];
	v20 =	vsel vm1, v21, v20  }
0x6d: {  	vm1 =	veq.f32 v17, v19;
	vm2 =	vlt.s32 v18, v20  }
0x6e: {  	vm3 =	vgt.f32 v17, v19;
	vm1 =	vmand vm1, vm2  }
0x6f: {  	vm1 =	vmor vm3, vm1  }
0x70: {  	v21 =	vld [tilespmem:s21+$0xC];
	v22 =	vadd.s32 s20, v1;
	v17 =	vsel vm1, v17, v19;
	v18 =	vsel vm1, v18, v20  }
0x71: {  	vm1 =	veq.f32 v16, v17;
	vm2 =	vlt.s32 v22, v18  }
0x72: {  	vm3 =	vgt.f32 v16, v17;
	vm1 =	vmand vm2, vm1  }
0x73: {  	vm1 =	vmor vm3, vm1  }
0x74: {  	v19 =	vadd.s32 s20, v2;
	v16 =	vsel vm1, v16, v17;
	v17 =	vsel vm1, v22, v18  }
0x75: {  	vm1 =	veq.f32 v21, v16;
	vm2 =	vlt.s32 v19, v17  }
0x76: {  	vm3 =	vgt.f32 v21, v16;
	vm1 =	vmand vm1, vm2  }
0x77: {  	vm1 =	vmor vm3, vm1  }
0x78: {  	v16 =	vsel vm1, v21, v16;
	v17 =	vsel vm1, v19, v17  }
0x79: {  	v18 =	vperm.xlane v16, v3;
	v19 =	vperm.xlane v17, v3;
	_ =	sdelay $0x1  }
0x7a: {  	vm1 =	veq.f32 v18, v16;
	vm2 =	vlt.s32 v19, v17  }
0x7b: {  	vm3 =	vgt.f32 v18, v16;
	vm1 =	vmand vm1, vm2  }
0x7c: {  	vm1 =	vmor vm3, vm1  }
0x7d: {  	v16 =	vsel vm1, v18, v16;
	v17 =	vsel vm1, v19, v17  }
0x7e: {  	v18 =	vperm.xlane v16, v4;
	v19 =	vperm.xlane v17, v4;
	_ =	sdelay $0x1  }
0x7f: {  	vm1 =	veq.f32 v18, v16;
	vm2 =	vlt.s32 v19, v17  }
0x80: {  	vm3 =	vgt.f32 v18, v16;
	vm1 =	vmand vm1, vm2  }
0x81: {  	vm1 =	vmor vm3, vm1  }
0x82: {  	s31 =	simm.s32 $0x54;
	v16 =	vsel vm1, v18, v16;
	v18 =	vsel vm1, v19, v17  }
0x83: {  	v23 =	vld [tilespmem:s31+$0x0];
	v17 =	vperm.xlane v16, v5;
	v19 =	vperm.xlane v18, v5;
	_ =	sdelay $0x1  }
0x84: {  	vm1 =	veq.f32 v17, v16;
	vm2 =	vlt.s32 v19, v18  }
0x85: {  	s23 =	simm.s32 $0x0;
	v24 =	vimm.f32 $-Inf;
	vm3 =	vgt.f32 v17, v16;
	vm1 =	vmand vm1, vm2  }
0x86: {  	v25 =	vimm.s32 $0x100000;
	v26 =	vadd.s32 s23, v1;
	v21 =	vld [tilespmem:s31+$0xC];
	vm1 =	vmor vm3, vm1  }
0x87: {  	vm2 =	veq.f32 v23, v24;
	vm3 =	vlt.s32 v26, v25;
	v17 =	vsel vm1, v17, v16  }
0x88: {  	v16 =	vsel vm1, v19, v18;
	vm1 =	vgt.f32 v23, v24;
	vm2 =	vmand vm3, vm2  }
0x89: {  	s21 =	simm.s32 $0x134;
	v22 =	vadd.s32 s23, v2;
	v19 =	vperm.xlane v17, v6;
	vm1 =	vmor vm1, vm2  }
0x8a: {  	s22 =	simm.s32 $0x38;
	s20 =	simm.s32 $0x1C;
	v20 =	vld [tilespmem:s21+$0x0];
	v18 =	vperm.xlane v16, v6;
	v23 =	vsel vm1, v23, v24;
	v24 =	vsel vm1, v26, v25  }
.LBB2_8:
0x8b: {  	p0 =	sne.s32 s22, $0x2F4;
	vm1 =	veq.f32 v21, v23;
	vm2 =	vlt.s32 v22, v24  }
0x8c: {  	vm3 =	vgt.f32 v21, v23;
	vm1 =	vmand vm1, vm2  }
0x8d: {  	vm1 =	vmor vm3, vm1  }
.Ltmp3:
0x8e: {  	v25 =	vadd.s32 s20, v1;
	v23 =	vsel vm1, v21, v23;
	v21 =	vld [tilespmem:s21+$0xC];
	v24 =	vsel vm1, v22, v24;
	(pc) =	sbr.rel @p0 .LBB2_8-.Ltmp3, $4  }
0x8f: {  	vm1 =	veq.f32 v20, v23;
	vm2 =	vlt.s32 v25, v24  }
0x90: {  	vm3 =	vgt.f32 v20, v23;
	vm1 =	vmand vm2, vm1  }
0x91: {  	s21 =	sadd.s32 $0xE0, s21;
	vm1 =	vmor vm3, vm1  }
0x92: {  	v22 =	vadd.s32 s20, v2;
	s20 =	smov.u32 s22;
	s22 =	sadd.s32 $0x1C, s22;
	v23 =	vsel vm1, v20, v23;
	v20 =	vld [tilespmem:s21+$0x0];
	v24 =	vsel vm1, v25, v24  }
0x93: {  	vm1 =	veq.f32 v21, v23;
	vm2 =	vlt.s32 v22, v24  }
0x94: {  	vm3 =	vgt.f32 v21, v23;
	vm1 =	vmand vm1, vm2  }
0x95: {  	vm1 =	vmor vm3, vm1  }
0x96: {  	v25 =	vld [tilespmem:s21+$0xC];
	v26 =	vadd.s32 s20, v1;
	v21 =	vsel vm1, v21, v23;
	v22 =	vsel vm1, v22, v24  }
0x97: {  	vm1 =	veq.f32 v20, v21;
	vm2 =	vlt.s32 v26, v22  }
0x98: {  	vm3 =	vgt.f32 v20, v21;
	vm1 =	vmand vm2, vm1  }
0x99: {  	vm1 =	vmor vm3, vm1  }
0x9a: {  	v23 =	vadd.s32 s20, v2;
	v20 =	vsel vm1, v20, v21;
	v21 =	vsel vm1, v26, v22  }
0x9b: {  	vm1 =	veq.f32 v25, v20;
	vm2 =	vlt.s32 v23, v21  }
0x9c: {  	vm3 =	vgt.f32 v25, v20;
	vm1 =	vmand vm1, vm2  }
0x9d: {  	vm1 =	vmor vm3, vm1  }
0x9e: {  	v20 =	vsel vm1, v25, v20;
	v21 =	vsel vm1, v23, v21  }
0x9f: {  	v22 =	vperm.xlane v20, v3;
	v23 =	vperm.xlane v21, v3;
	_ =	sdelay $0x1  }
0xa0: {  	vm1 =	veq.f32 v22, v20;
	vm2 =	vlt.s32 v23, v21  }
0xa1: {  	vm3 =	vgt.f32 v22, v20;
	vm1 =	vmand vm1, vm2  }
0xa2: {  	vm1 =	vmor vm3, vm1  }
0xa3: {  	v20 =	vsel vm1, v22, v20;
	v21 =	vsel vm1, v23, v21  }
0xa4: {  	v22 =	vperm.xlane v20, v4;
	v23 =	vperm.xlane v21, v4;
	_ =	sdelay $0x1  }
0xa5: {  	vm1 =	veq.f32 v22, v20;
	vm2 =	vlt.s32 v23, v21  }
0xa6: {  	vm3 =	vgt.f32 v22, v20;
	vm1 =	vmand vm1, vm2  }
0xa7: {  	vm1 =	vmor vm3, vm1  }
0xa8: {  	s31 =	simm.s32 $0x70;
	v20 =	vsel vm1, v22, v20;
	v22 =	vsel vm1, v23, v21  }
0xa9: {  	v27 =	vld [tilespmem:s31+$0x0];
	v21 =	vperm.xlane v20, v5;
	v23 =	vperm.xlane v22, v5;
	_ =	sdelay $0x1  }
0xaa: {  	vm1 =	veq.f32 v21, v20;
	vm2 =	vlt.s32 v23, v22  }
0xab: {  	s23 =	simm.s32 $0x0;
	v28 =	vimm.f32 $-Inf;
	vm3 =	vgt.f32 v21, v20;
	vm1 =	vmand vm1, vm2  }
0xac: {  	v29 =	vimm.s32 $0x100000;
	v30 =	vadd.s32 s23, v1;
	v25 =	vld [tilespmem:s31+$0xC];
	vm1 =	vmor vm3, vm1  }
0xad: {  	vm2 =	veq.f32 v27, v28;
	vm3 =	vlt.s32 v30, v29;
	v21 =	vsel vm1, v21, v20  }
0xae: {  	v20 =	vsel vm1, v23, v22;
	vm1 =	vgt.f32 v27, v28;
	vm2 =	vmand vm3, vm2  }
0xaf: {  	s21 =	simm.s32 $0x150;
	v26 =	vadd.s32 s23, v2;
	v23 =	vperm.xlane v21, v6;
	vm1 =	vmor vm1, vm2  }
0xb0: {  	s22 =	simm.s32 $0x38;
	s20 =	simm.s32 $0x1C;
	v24 =	vld [tilespmem:s21+$0x0];
	v22 =	vperm.xlane v20, v6;
	v27 =	vsel vm1, v27, v28;
	v28 =	vsel vm1, v30, v29  }
.LBB2_10:
0xb1: {  	p0 =	sne.s32 s22, $0x2F4;
	vm1 =	veq.f32 v25, v27;
	vm2 =	vlt.s32 v26, v28  }
0xb2: {  	vm3 =	vgt.f32 v25, v27;
	vm1 =	vmand vm1, vm2  }
0xb3: {  	vm1 =	vmor vm3, vm1  }
.Ltmp4:
0xb4: {  	v29 =	vadd.s32 s20, v1;
	v27 =	vsel vm1, v25, v27;
	v25 =	vld [tilespmem:s21+$0xC];
	v28 =	vsel vm1, v26, v28;
	(pc) =	sbr.rel @p0 .LBB2_10-.Ltmp4, $4  }
0xb5: {  	vm1 =	veq.f32 v24, v27;
	vm2 =	vlt.s32 v29, v28  }
0xb6: {  	vm3 =	vgt.f32 v24, v27;
	vm1 =	vmand vm2, vm1  }
0xb7: {  	s21 =	sadd.s32 $0xE0, s21;
	vm1 =	vmor vm3, vm1  }
0xb8: {  	v26 =	vadd.s32 s20, v2;
	s20 =	smov.u32 s22;
	s22 =	sadd.s32 $0x1C, s22;
	v27 =	vsel vm1, v24, v27;
	v24 =	vld [tilespmem:s21+$0x0];
	v28 =	vsel vm1, v29, v28  }
0xb9: {  	vm1 =	veq.f32 v25, v27;
	vm2 =	vlt.s32 v26, v28  }
0xba: {  	vm3 =	vgt.f32 v25, v27;
	vm1 =	vmand vm1, vm2  }
0xbb: {  	vm1 =	vmor vm3, vm1  }
0xbc: {  	v29 =	vld [tilespmem:s21+$0xC];
	v30 =	vadd.s32 s20, v1;
	v25 =	vsel vm1, v25, v27;
	v26 =	vsel vm1, v26, v28  }
0xbd: {  	vm1 =	veq.f32 v24, v25;
	vm2 =	vlt.s32 v30, v26  }
0xbe: {  	vm3 =	vgt.f32 v24, v25;
	vm1 =	vmand vm2, vm1  }
0xbf: {  	vm1 =	vmor vm3, vm1  }
0xc0: {  	v27 =	vadd.s32 s20, v2;
	v24 =	vsel vm1, v24, v25;
	v25 =	vsel vm1, v30, v26  }
0xc1: {  	vm1 =	veq.f32 v29, v24;
	vm2 =	vlt.s32 v27, v25  }
0xc2: {  	vm3 =	vgt.f32 v29, v24;
	vm1 =	vmand vm1, vm2  }
0xc3: {  	vm1 =	vmor vm3, vm1  }
0xc4: {  	v24 =	vsel vm1, v29, v24;
	v25 =	vsel vm1, v27, v25  }
0xc5: {  	v26 =	vperm.xlane v24, v3;
	v27 =	vperm.xlane v25, v3;
	_ =	sdelay $0x1  }
0xc6: {  	vm1 =	veq.f32 v26, v24;
	vm2 =	vlt.s32 v27, v25  }
0xc7: {  	vm3 =	vgt.f32 v26, v24;
	vm1 =	vmand vm1, vm2  }
0xc8: {  	vm1 =	vmor vm3, vm1  }
0xc9: {  	v24 =	vsel vm1, v26, v24;
	v25 =	vsel vm1, v27, v25  }
0xca: {  	v26 =	vperm.xlane v24, v4;
	v27 =	vperm.xlane v25, v4;
	_ =	sdelay $0x1  }
0xcb: {  	vm1 =	veq.f32 v26, v24;
	vm2 =	vlt.s32 v27, v25  }
0xcc: {  	vm3 =	vgt.f32 v26, v24;
	vm1 =	vmand vm1, vm2  }
0xcd: {  	vm1 =	vmor vm3, vm1  }
0xce: {  	s31 =	simm.s32 $0x8C;
	v24 =	vsel vm1, v26, v24;
	v25 =	vsel vm1, v27, v25  }
0xcf: {  	v31 =	vld [tilespmem:s31+$0x0];
	v26 =	vperm.xlane v24, v5;
	v27 =	vperm.xlane v25, v5;
	_ =	sdelay $0x1  }
0xd0: {  	vm1 =	veq.f32 v26, v24;
	vm2 =	vlt.s32 v27, v25  }
0xd1: {  	s23 =	simm.s32 $0x0;
	v32 =	vimm.f32 $-Inf;
	vm3 =	vgt.f32 v26, v24;
	vm1 =	vmand vm1, vm2  }
0xd2: {  	v33 =	vimm.s32 $0x100000;
	v34 =	vadd.s32 s23, v1;
	v29 =	vld [tilespmem:s31+$0xC];
	vm1 =	vmor vm3, vm1  }
0xd3: {  	vm2 =	veq.f32 v31, v32;
	vm3 =	vlt.s32 v34, v33;
	v26 =	vsel vm1, v26, v24  }
0xd4: {  	v24 =	vsel vm1, v27, v25;
	vm1 =	vgt.f32 v31, v32;
	vm2 =	vmand vm3, vm2  }
0xd5: {  	s21 =	simm.s32 $0x16C;
	v30 =	vadd.s32 s23, v2;
	v27 =	vperm.xlane v26, v6;
	vm1 =	vmor vm1, vm2  }
0xd6: {  	s22 =	simm.s32 $0x38;
	s20 =	simm.s32 $0x1C;
	v28 =	vld [tilespmem:s21+$0x0];
	v25 =	vperm.xlane v24, v6;
	v31 =	vsel vm1, v31, v32;
	v32 =	vsel vm1, v34, v33  }
.LBB2_12:
0xd7: {  	p0 =	sne.s32 s22, $0x2F4;
	vm1 =	veq.f32 v29, v31;
	vm2 =	vlt.s32 v30, v32  }
0xd8: {  	vm3 =	vgt.f32 v29, v31;
	vm1 =	vmand vm1, vm2  }
0xd9: {  	vm1 =	vmor vm3, vm1  }
.Ltmp5:
0xda: {  	v33 =	vadd.s32 s20, v1;
	v31 =	vsel vm1, v29, v31;
	v29 =	vld [tilespmem:s21+$0xC];
	v32 =	vsel vm1, v30, v32;
	(pc) =	sbr.rel @p0 .LBB2_12-.Ltmp5, $4  }
0xdb: {  	vm1 =	veq.f32 v28, v31;
	vm2 =	vlt.s32 v33, v32  }
0xdc: {  	vm3 =	vgt.f32 v28, v31;
	vm1 =	vmand vm2, vm1  }
0xdd: {  	s21 =	sadd.s32 $0xE0, s21;
	vm1 =	vmor vm3, vm1  }
0xde: {  	v30 =	vadd.s32 s20, v2;
	s20 =	smov.u32 s22;
	s22 =	sadd.s32 $0x1C, s22;
	v31 =	vsel vm1, v28, v31;
	v28 =	vld [tilespmem:s21+$0x0];
	v32 =	vsel vm1, v33, v32  }
0xdf: {  	vm1 =	veq.f32 v29, v31;
	vm2 =	vlt.s32 v30, v32  }
0xe0: {  	vm3 =	vgt.f32 v29, v31;
	vm1 =	vmand vm1, vm2  }
0xe1: {  	vm1 =	vmor vm3, vm1  }
0xe2: {  	v33 =	vld [tilespmem:s21+$0xC];
	v34 =	vadd.s32 s20, v1;
	v29 =	vsel vm1, v29, v31;
	v30 =	vsel vm1, v30, v32  }
0xe3: {  	vm1 =	veq.f32 v28, v29;
	vm2 =	vlt.s32 v34, v30  }
0xe4: {  	vm3 =	vgt.f32 v28, v29;
	vm1 =	vmand vm2, vm1  }
0xe5: {  	vm1 =	vmor vm3, vm1  }
0xe6: {  	v31 =	vadd.s32 s20, v2;
	v28 =	vsel vm1, v28, v29;
	v29 =	vsel vm1, v34, v30  }
0xe7: {  	vm1 =	veq.f32 v33, v28;
	vm2 =	vlt.s32 v31, v29  }
0xe8: {  	vm3 =	vgt.f32 v33, v28;
	vm1 =	vmand vm1, vm2  }
0xe9: {  	vm1 =	vmor vm3, vm1  }
0xea: {  	v28 =	vsel vm1, v33, v28;
	v29 =	vsel vm1, v31, v29  }
0xeb: {  	v30 =	vperm.xlane v28, v3;
	v31 =	vperm.xlane v29, v3;
	_ =	sdelay $0x1  }
0xec: {  	vm1 =	veq.f32 v30, v28;
	vm2 =	vlt.s32 v31, v29  }
0xed: {  	vm3 =	vgt.f32 v30, v28;
	vm1 =	vmand vm1, vm2  }
0xee: {  	vm1 =	vmor vm3, vm1  }
0xef: {  	v28 =	vsel vm1, v30, v28;
	v29 =	vsel vm1, v31, v29  }
0xf0: {  	v30 =	vperm.xlane v28, v4;
	v31 =	vperm.xlane v29, v4;
	_ =	sdelay $0x1  }
0xf1: {  	vm1 =	veq.f32 v30, v28;
	vm2 =	vlt.s32 v31, v29  }
0xf2: {  	vm3 =	vgt.f32 v30, v28;
	vm1 =	vmand vm1, vm2  }
0xf3: {  	vm1 =	vmor vm3, vm1  }
0xf4: {  	s31 =	simm.s32 $0xA8;
	v28 =	vsel vm1, v30, v28;
	v29 =	vsel vm1, v31, v29  }
0xf5: {  	v35 =	vld [tilespmem:s31+$0x0];
	v30 =	vperm.xlane v28, v5;
	v31 =	vperm.xlane v29, v5;
	_ =	sdelay $0x1  }
0xf6: {  	vm1 =	veq.f32 v30, v28;
	vm2 =	vlt.s32 v31, v29  }
0xf7: {  	s23 =	simm.s32 $0x0;
	v36 =	vimm.f32 $-Inf;
	vm3 =	vgt.f32 v30, v28;
	vm1 =	vmand vm1, vm2  }
0xf8: {  	v37 =	vimm.s32 $0x100000;
	v38 =	vadd.s32 s23, v1;
	v33 =	vld [tilespmem:s31+$0xC];
	vm1 =	vmor vm3, vm1  }
0xf9: {  	vm2 =	veq.f32 v35, v36;
	vm3 =	vlt.s32 v38, v37;
	v30 =	vsel vm1, v30, v28  }
0xfa: {  	v28 =	vsel vm1, v31, v29;
	vm1 =	vgt.f32 v35, v36;
	vm2 =	vmand vm3, vm2  }
0xfb: {  	s21 =	simm.s32 $0x188;
	v34 =	vadd.s32 s23, v2;
	v31 =	vperm.xlane v30, v6;
	vm1 =	vmor vm1, vm2  }
0xfc: {  	s22 =	simm.s32 $0x38;
	s20 =	simm.s32 $0x1C;
	v32 =	vld [tilespmem:s21+$0x0];
	v29 =	vperm.xlane v28, v6;
	v35 =	vsel vm1, v35, v36;
	v36 =	vsel vm1, v38, v37  }
.LBB2_14:
0xfd: {  	p0 =	sne.s32 s22, $0x2F4;
	vm1 =	veq.f32 v33, v35;
	vm2 =	vlt.s32 v34, v36  }
0xfe: {  	vm3 =	vgt.f32 v33, v35;
	vm1 =	vmand vm1, vm2  }
0xff: {  	vm1 =	vmor vm3, vm1  }
.Ltmp6:
0x100: {  	v37 =	vadd.s32 s20, v1;
	v35 =	vsel vm1, v33, v35;
	v33 =	vld [tilespmem:s21+$0xC];
	v36 =	vsel vm1, v34, v36;
	(pc) =	sbr.rel @p0 .LBB2_14-.Ltmp6, $4  }
0x101: {  	vm1 =	veq.f32 v32, v35;
	vm2 =	vlt.s32 v37, v36  }
0x102: {  	vm3 =	vgt.f32 v32, v35;
	vm1 =	vmand vm2, vm1  }
0x103: {  	s21 =	sadd.s32 $0xE0, s21;
	vm1 =	vmor vm3, vm1  }
0x104: {  	v34 =	vadd.s32 s20, v2;
	s20 =	smov.u32 s22;
	s22 =	sadd.s32 $0x1C, s22;
	v35 =	vsel vm1, v32, v35;
	v32 =	vld [tilespmem:s21+$0x0];
	v36 =	vsel vm1, v37, v36  }
0x105: {  	vm1 =	veq.f32 v33, v35;
	vm2 =	vlt.s32 v34, v36  }
0x106: {  	vm3 =	vgt.f32 v33, v35;
	vm1 =	vmand vm1, vm2  }
0x107: {  	vm1 =	vmor vm3, vm1  }
0x108: {  	v37 =	vld [tilespmem:s21+$0xC];
	v38 =	vadd.s32 s20, v1;
	v56 =	vsel vm1, v33, v35;
	v57 =	vsel vm1, v34, v36  }
0x109: {  	vm1 =	veq.f32 v32, v56;
	vm2 =	vlt.s32 v38, v57  }
0x10a: {  	vm3 =	vgt.f32 v32, v56;
	vm1 =	vmand vm2, vm1  }
0x10b: {  	vm1 =	vmor vm3, vm1  }
0x10c: {  	v58 =	vadd.s32 s20, v2;
	v59 =	vsel vm1, v32, v56;
	v60 =	vsel vm1, v38, v57  }
0x10d: {  	vm1 =	veq.f32 v37, v59;
	vm2 =	vlt.s32 v58, v60  }
0x10e: {  	vm3 =	vgt.f32 v37, v59;
	vm1 =	vmand vm1, vm2  }
0x10f: {  	vm1 =	vmor vm3, vm1  }
0x110: {  	v32 =	vsel vm1, v37, v59;
	v33 =	vsel vm1, v58, v60  }
0x111: {  	v61 =	vperm.xlane v32, v3;
	v35 =	vperm.xlane v33, v3;
	_ =	sdelay $0x1  }
0x112: {  	vm1 =	veq.f32 v61, v32;
	vm2 =	vlt.s32 v35, v33  }
0x113: {  	vm3 =	vgt.f32 v61, v32;
	vm1 =	vmand vm1, vm2  }
0x114: {  	vm1 =	vmor vm3, vm1  }
0x115: {  	v32 =	vsel vm1, v61, v32;
	v33 =	vsel vm1, v35, v33  }
0x116: {  	v34 =	vperm.xlane v32, v4;
	v35 =	vperm.xlane v33, v4;
	_ =	sdelay $0x1  }
0x117: {  	vm1 =	veq.f32 v34, v32;
	vm2 =	vlt.s32 v35, v33  }
0x118: {  	vm3 =	vgt.f32 v34, v32;
	vm1 =	vmand vm1, vm2  }
0x119: {  	vm1 =	vmor vm3, vm1  }
0x11a: {  	s31 =	simm.s32 $0xC4;
	v32 =	vsel vm1, v34, v32;
	v62 =	vsel vm1, v35, v33  }
0x11b: {  	v39 =	vld [tilespmem:s31+$0x0];
	v63 =	vperm.xlane v32, v5;
	v35 =	vperm.xlane v62, v5;
	_ =	sdelay $0x1  }
0x11c: {  	vm1 =	veq.f32 v63, v32;
	vm2 =	vlt.s32 v35, v62  }
0x11d: {  	s23 =	simm.s32 $0x0;
	v40 =	vimm.f32 $-Inf;
	vm3 =	vgt.f32 v63, v32;
	vm1 =	vmand vm1, vm2  }
0x11e: {  	v41 =	vimm.s32 $0x100000;
	v42 =	vadd.s32 s23, v1;
	v37 =	vld [tilespmem:s31+$0xC];
	vm1 =	vmor vm3, vm1  }
0x11f: {  	vm2 =	veq.f32 v39, v40;
	vm3 =	vlt.s32 v42, v41;
	v33 =	vsel vm1, v63, v32  }
0x120: {  	v32 =	vsel vm1, v35, v62;
	vm1 =	vgt.f32 v39, v40;
	vm2 =	vmand vm3, vm2  }
0x121: {  	s20 =	simm.s32 $0x1A4;
	v38 =	vadd.s32 s23, v2;
	v35 =	vperm.xlane v33, v6;
	vm1 =	vmor vm1, vm2  }
0x122: {  	s21 =	simm.s32 $0x1C;
	s22 =	simm.s32 $0x38;
	v36 =	vld [tilespmem:s20+$0x0];
	v34 =	vperm.xlane v32, v6;
	v40 =	vsel vm1, v39, v40;
	v39 =	vsel vm1, v42, v41  }
.LBB2_16:
0x123: {  	p0 =	sne.s32 s22, $0x2F4;
	vm1 =	veq.f32 v37, v40;
	vm2 =	vlt.s32 v38, v39  }
0x124: {  	vm3 =	vgt.f32 v37, v40;
	vm1 =	vmand vm1, vm2  }
0x125: {  	vm1 =	vmor vm3, vm1  }
.Ltmp7:
0x126: {  	v41 =	vadd.s32 s21, v1;
	v40 =	vsel vm1, v37, v40;
	v37 =	vld [tilespmem:s20+$0xC];
	v39 =	vsel vm1, v38, v39;
	(pc) =	sbr.rel @p0 .LBB2_16-.Ltmp7, $4  }
0x127: {  	vm1 =	veq.f32 v36, v40;
	vm2 =	vlt.s32 v41, v39  }
0x128: {  	vm3 =	vgt.f32 v36, v40;
	vm1 =	vmand vm2, vm1  }
0x129: {  	s20 =	sadd.s32 $0xE0, s20;
	vm1 =	vmor vm3, vm1  }
0x12a: {  	v38 =	vadd.s32 s21, v2;
	s21 =	smov.u32 s22;
	s22 =	sadd.s32 $0x1C, s22;
	v40 =	vsel vm1, v36, v40;
	v36 =	vld [tilespmem:s20+$0x0];
	v39 =	vsel vm1, v41, v39  }
0x12b: {  	vm1 =	veq.f32 v11, v9;
	vm2 =	vlt.s32 v10, v8;
	vm3 =	vgt.f32 v11, v9  }
0x12c: {  	v57 =	vadd.s32 s21, v1;
	v61 =	vadd.s32 s21, v2;
	vm11 =	vgt.f32 v19, v17  }
0x12d: {  	vm12 =	vlt.s32 v22, v20;
	vm13 =	vgt.f32 v23, v21;
	vm1 =	vmand vm1, vm2  }
0x12e: {  	vm2 =	veq.f32 v37, v40;
	vm1 =	vmor vm3, vm1;
	vm3 =	vlt.s32 v38, v39  }
0x12f: {  	v55 =	vsel vm1, v10, v8;
	vm1 =	vgt.f32 v37, v40;
	vm2 =	vmand vm2, vm3  }
0x130: {  	vm15 =	vgt.f32 v27, v26;
	vm3 =	vlt.s32 v14, v12;
	vm1 =	vmor vm1, vm2  }
0x131: {  	v8 =	vcvt.s32.f32 v55;
	vm2 =	veq.f32 v15, v13;
	v56 =	vsel vm1, v37, v40  }
0x132: {  	v58 =	vsel vm1, v38, v39;
	vm2 =	vmand vm2, vm3;
	vm3 =	vgt.f32 v15, v13  }
0x133: {  	v8 =	vadd.f32 $5.000000000e-01, v8;
	vm1 =	veq.f32 v36, v56;
	vm4 =	vlt.s32 v57, v58  }
0x134: {  	v63 =	vld [tilespmem:s20+$0xC];
	vm2 =	vmor vm3, vm2;
	vm3 =	vgt.f32 v36, v56;
	vm1 =	vmand vm4, vm1  }
0x135: {  	v59 =	vsel vm2, v14, v12;
	vm2 =	veq.f32 v19, v17;
	v8 =	vmul.f32 $3.571428730e-02, v8  }
0x136: {  	vm1 =	vmor vm3, vm1;
	v60 =	vcvt.s32.f32 v59;
	vm3 =	vlt.s32 v18, v16  }
0x137: {  	vm2 =	vmand vm2, vm3;
	v40 =	vsel vm1, v36, v56;
	v41 =	vsel vm1, v57, v58  }
0x138: {  	vm3 =	veq.f32 v23, v21;
	v8 =	vtrunc.f32 v8;
	v13 =	vadd.f32 $5.000000000e-01, v60  }
0x139: {  	vm2 =	vmor vm11, vm2;
	vm1 =	veq.f32 v63, v40;
	v8 =	vcvt.f32.s32 v8  }
0x13a: {  	vm3 =	vmand vm3, vm12;
	vm14 =	vgt.f32 v63, v40;
	v42 =	vsel vm2, v18, v16  }
0x13b: {  	vm2 =	vlt.s32 v61, v41;
	v62 =	vmul.u32 $0xFFFFFFE4, v8;
	v8 =	vadd.s32 v8, v0  }
0x13c: {  	vm3 =	vmor vm13, vm3;
	v13 =	vmul.f32 $3.571428730e-02, v13;
	(v2sf) =	vpush v8, $0x0  }
0x13d: {  	v44 =	vcvt.s32.f32 v42;
	v46 =	vsel vm3, v22, v20;
	vm1 =	vmand vm1, vm2  }
0x13e: {  	vm2 =	veq.f32 v27, v26;
	v43 =	vtrunc.f32 v13;
	v10 =	vadd.s32 v55, v62  }
0x13f: {  	vm3 =	vlt.s32 v25, v24;
	v9 =	vcvt.f32.s32 v43;
	(v2sf) =	vpush v10, $0x0  }
0x140: {  	v47 =	vcvt.s32.f32 v46;
	vm1 =	vmor vm14, vm1;
	vm2 =	vmand vm2, vm3  }
0x141: {  	vm3 =	vgt.f32 v31, v30;
	v45 =	vmul.u32 $0xFFFFFFE4, v9;
	v9 =	vadd.s32 v9, v0  }
0x142: {  	v11 =	vadd.f32 $5.000000000e-01, v44;
	v17 =	vsel vm1, v63, v40;
	(v2sf) =	vpush v9, $0x0  }
0x143: {  	vm2 =	vmor vm15, vm2;
	v19 =	vsel vm1, v61, v41;
	v12 =	vadd.s32 v45, v59  }
0x144: {  	vm1 =	veq.f32 v31, v30;
	v50 =	vsel vm2, v25, v24;
	v13 =	vadd.s32 $0x1C, v12  }
0x145: {  	vm2 =	vlt.s32 v29, v28;
	v11 =	vmul.f32 $3.571428730e-02, v11;
	(v2sf) =	vpush v13, $0x0  }
0x146: {  	v58 =	vperm.xlane v17, v3;
	v52 =	vcvt.s32.f32 v50;
	vm1 =	vmand vm1, vm2  }
0x147: {  	v48 =	vadd.f32 $5.000000000e-01, v47;
	vm1 =	vmor vm3, vm1;
	v11 =	vtrunc.f32 v11  }
0x148: {  	vm3 =	vgt.f32 v58, v17;
	v54 =	vadd.f32 $5.000000000e-01, v52;
	v11 =	vcvt.f32.s32 v11  }
0x149: {  	v57 =	vsel vm1, v29, v28;
	vm1 =	veq.f32 v58, v17;
	v59 =	vperm.xlane v19, v3  }
0x14a: {  	v60 =	vcvt.s32.f32 v57;
	v49 =	vmul.u32 $0xFFFFFFE4, v11;
	v11 =	vadd.s32 v11, v0  }
0x14b: {  	v12 =	vmul.f32 $3.571428730e-02, v48;
	v56 =	vmul.f32 $3.571428730e-02, v54;
	(v2sf) =	vpush v11, $0x0;
	s30 =	spop (v2sf)  }
0x14c: {  	vm2 =	vlt.s32 v59, v19;
	v23 =	vadd.f32 $5.000000000e-01, v60;
	v15 =	vadd.s32 v49, v42;
	s20 =	smul.u32 $0xE0, s30  }
0x14d: {  	v12 =	vtrunc.f32 v12;
	v16 =	vtrunc.f32 v56;
	v51 =	vadd.s32 $0x38, v15  }
0x14e: {  	vm1 =	vmand vm1, vm2;
	v12 =	vcvt.f32.s32 v12;
	s31 =	spop (v2sf);
	(v2sf) =	vpush v51, $0x0;
	s20 =	sadd.s32 s5, s20  }
0x14f: {  	v16 =	vcvt.f32.s32 v16;
	vm1 =	vmor vm3, vm1;
	v23 =	vmul.f32 $3.571428730e-02, v23;
	s20 =	sadd.s32 s31, s20  }
0x150: {  	v21 =	vsel vm1, v58, v17;
	v53 =	vmul.u32 $0xFFFFFFE4, v12;
	v12 =	vadd.s32 v12, v0;
	s21 =	sshll.u32 s31, $0x7;
	s20 =	sshll.u32 s20, $0x7  }
0x151: {  	v19 =	vsel vm1, v59, v19;
	v61 =	vmul.u32 $0xFFFFFFE4, v16;
	s21 =	sand.u32 $0x380, s21;
	s22 =	spop (v2sf);
	(v2sf) =	vpush v12, $0x0;
	s20 =	sand.u32 $0xFFFFFC00, s20  }
0x152: {  	v63 =	vperm.xlane v21, v4;
	v22 =	vperm.xlane v19, v4;
	v55 =	vadd.s32 v53, v46;
	s20 =	sor.u32 s21, s20;
	s21 =	smul.u32 $0xE0, s22  }
0x153: {  	v16 =	vadd.s32 v16, v0;
	v23 =	vtrunc.f32 v23;
	v15 =	vadd.s32 $0x54, v55;
	s20 =	sshrl.u32 s20, $0x3  }
0x154: {  	vm1 =	veq.f32 v63, v21;
	vm2 =	vlt.s32 v22, v19;
	s24 =	spop (v2sf);
	(v2sf) =	vpush v15, $0x0;
	s20 =	sadd.s32 s3, s20;
	s23 =	sadd.s32 s5, s21  }
0x155: {  	v62 =	vadd.s32 v61, v50;
	vm3 =	vgt.f32 v63, v21;
	vm1 =	vmand vm1, vm2;
	[tilespmem:s9], [sflag:$0x1] =	stream.linear.gather [hbm4b:s20+s2], $0x80, $0x38;
	[tilespmem:$0x2080] =	vst v63  }
0x156: {  	v23 =	vcvt.f32.s32 v23;
	v17 =	vadd.s32 $0x70, v62;
	vm1 =	vmor vm3, vm1;
	s20 =	sadd.s32 s24, s23  }
0x157: {  	vm2 =	veq.f32 v35, v33;
	v21 =	vsel vm1, v63, v21;
	(v2sf) =	vpush v16, $0x0;
	s21 =	sshll.u32 s24, $0x7;
	s20 =	sshll.u32 s20, $0x7  }
0x158: {  	v19 =	vsel vm1, v22, v19;
	vm1 =	vlt.s32 v34, v32;
	v29 =	vperm.xlane v21, v5;
	s21 =	sand.u32 $0x380, s21;
	s20 =	sand.u32 $0xFFFFFC00, s20  }
0x159: {  	vm3 =	vgt.f32 v35, v33;
	v30 =	vperm.xlane v19, v5;
	vm1 =	vmand vm2, vm1;
	s20 =	sor.u32 s21, s20  }
0x15a: {  	v28 =	vmul.u32 $0xFFFFFFE4, v23;
	vm1 =	vmor vm3, vm1;
	vm2 =	veq.f32 v29, v21;
	s25 =	spop (v2sf);
	s20 =	sshrl.u32 s20, $0x3  }
0x15b: {  	vm3 =	vlt.s32 v30, v19;
	v33 =	vsel vm1, v34, v32;
	(v2sf) =	vpush v17, $0x0;
	s21 =	smul.u32 $0xE0, s25;
	s20 =	sadd.s32 s3, s20  }
0x15c: {  	vm1 =	vgt.f32 v29, v21;
	vm2 =	vmand vm2, vm3;
	v34 =	vcvt.s32.f32 v33;
	[tilespmem:s10], [sflag:$0x1] =	stream.linear.gather [hbm4b:s20+s2], $0x80, $0x38;
	[tilespmem:$0x2080] =	vst v63  }
0x15d: {  	v31 =	vadd.s32 v23, v0;
	v20 =	vadd.s32 v28, v57;
	vm1 =	vmor vm1, vm2;
	s21 =	sadd.s32 s5, s21;
	s26 =	spop (v2sf)  }
0x15e: {  	v21 =	vsel vm1, v29, v21;
	v35 =	vsel vm1, v30, v19;
	v24 =	vadd.f32 $5.000000000e-01, v34;
	s21 =	sadd.s32 s26, s21  }
0x15f: {  	v36 =	vperm.xlane v21, v6;
	v37 =	vperm.xlane v35, v6;
	(v2sf) =	vpush v31, $0x0;
	s20 =	sshll.u32 s26, $0x7;
	s21 =	sshll.u32 s21, $0x7  }
0x160: {  	v38 =	vadd.s32 $0x8C, v20;
	v39 =	vmul.f32 $3.571428730e-02, v24;
	s20 =	sand.u32 $0x380, s20;
	s28 =	spop (v2sf);
	s21 =	sand.u32 $0xFFFFFC00, s21  }
0x161: {  	vm1 =	veq.f32 v36, v21;
	vm2 =	vlt.s32 v37, v35;
	vm3 =	vgt.f32 v36, v21;
	s20 =	sor.u32 s20, s21;
	s21 =	smul.u32 $0xE0, s28  }
0x162: {  	vm1 =	vmand vm1, vm2;
	v20 =	vtrunc.f32 v39;
	(v2sf) =	vpush v38, $0x0;
	s20 =	sshrl.u32 s20, $0x3  }
0x163: {  	vm1 =	vmor vm3, vm1;
	v20 =	vcvt.f32.s32 v20;
	s30 =	spop (v2sf);
	s20 =	sadd.s32 s3, s20;
	s29 =	sadd.s32 s5, s21  }
0x164: {  	v40 =	vsel vm1, v37, v35;
	[tilespmem:s11], [sflag:$0x1] =	stream.linear.gather [hbm4b:s20+s2], $0x80, $0x38;
	[tilespmem:$0x2080] =	vst v63  }
0x165: {  	v41 =	vcvt.s32.f32 v40;
	v42 =	vmul.u32 $0xFFFFFFE4, v20;
	v20 =	vadd.s32 v20, v0;
	s20 =	sadd.s32 s30, s29  }
0x166: {  	s21 =	sshll.u32 s30, $0x7;
	s31 =	spop (v2sf);
	(v2sf) =	vpush v20, $0x0;
	s20 =	sshll.u32 s20, $0x7  }
0x167: {  	v21 =	vadd.f32 $5.000000000e-01, v41;
	v22 =	vadd.s32 v42, v33;
	s21 =	sand.u32 $0x380, s21;
	s20 =	sand.u32 $0xFFFFFC00, s20  }
0x168: {  	v22 =	vadd.s32 $0xA8, v22;
	s20 =	sor.u32 s21, s20;
	s21 =	smul.u32 $0xE0, s31  }
0x169: {  	v21 =	vmul.f32 $3.571428730e-02, v21;
	(v2sf) =	vpush v22, $0x0;
	s20 =	sshrl.u32 s20, $0x3  }
0x16a: {  	s22 =	spop (v2sf);
	s20 =	sadd.s32 s3, s20;
	s21 =	sadd.s32 s5, s21  }
0x16b: {  	v21 =	vtrunc.f32 v21;
	[tilespmem:s12], [sflag:$0x1] =	stream.linear.gather [hbm4b:s20+s2], $0x80, $0x38;
	[tilespmem:$0x2080] =	vst v63  }
0x16c: {  	v21 =	vcvt.f32.s32 v21;
	s20 =	sadd.s32 s22, s21  }
0x16d: {  	s21 =	sshll.u32 s22, $0x7;
	s20 =	sshll.u32 s20, $0x7  }
0x16e: {  	v43 =	vmul.u32 $0xFFFFFFE4, v21;
	v21 =	vadd.s32 v21, v0;
	s21 =	sand.u32 $0x380, s21;
	s20 =	sand.u32 $0xFFFFFC00, s20;
	s23 =	spop (v2sf)  }
0x16f: {  	(v2sf) =	vpush v21, $0x0;
	s20 =	sor.u32 s21, s20;
	s21 =	smul.u32 $0xE0, s23  }
0x170: {  	v23 =	vadd.s32 v43, v40;
	s20 =	sshrl.u32 s20, $0x3  }
0x171: {  	v23 =	vadd.s32 $0xC4, v23;
	s25 =	spop (v2sf);
	s20 =	sadd.s32 s3, s20;
	s24 =	sadd.s32 s5, s21  }
0x172: {  	(v2sf) =	vpush v23, $0x0;
	[tilespmem:s13], [sflag:$0x1] =	stream.linear.gather [hbm4b:s20+s2], $0x80, $0x38;
	[tilespmem:$0x2080] =	vst v63  }
0x173: {  	s20 =	sadd.s32 s25, s24  }
0x174: {  	s21 =	sshll.u32 s25, $0x7;
	s20 =	sshll.u32 s20, $0x7  }
0x175: {  	s21 =	sand.u32 $0x380, s21;
	s20 =	sand.u32 $0xFFFFFC00, s20;
	s26 =	spop (v2sf)  }
0x176: {  	s20 =	sor.u32 s21, s20;
	s21 =	smul.u32 $0xE0, s26  }
0x177: {  	s20 =	sshrl.u32 s20, $0x3  }
0x178: {  	s28 =	spop (v2sf);
	s20 =	sadd.s32 s3, s20;
	s21 =	sadd.s32 s5, s21  }
0x179: {  	[tilespmem:s14], [sflag:$0x1] =	stream.linear.gather [hbm4b:s20+s2], $0x80, $0x38;
	[tilespmem:$0x2080] =	vst v63  }
0x17a: {  	s21 =	sadd.s32 s28, s21  }
0x17b: {  	s20 =	sshll.u32 s28, $0x7;
	s21 =	sshll.u32 s21, $0x7  }
0x17c: {  	s20 =	sand.u32 $0x380, s20;
	s21 =	sand.u32 $0xFFFFFC00, s21  }
0x17d: {  	s20 =	sor.u32 s20, s21  }
0x17e: {  	s20 =	sshrl.u32 s20, $0x3;
	s29 =	spop (v2sf)  }
0x17f: {  	s20 =	sadd.s32 s3, s20;
	s21 =	smul.u32 $0xE0, s29  }
0x180: {  	[tilespmem:s15], [sflag:$0x1] =	stream.linear.gather [hbm4b:s20+s2], $0x80, $0x38;
	[tilespmem:$0x2080] =	vst v63  }
0x181: {  	s31 =	spop (v2sf);
	s30 =	sadd.s32 s5, s21  }
0x182: {  	s20 =	sadd.s32 s31, s30  }
0x183: {  	s21 =	sshll.u32 s31, $0x7;
	s20 =	sshll.u32 s20, $0x7  }
0x184: {  	s21 =	sand.u32 $0x380, s21;
	s20 =	sand.u32 $0xFFFFFC00, s20  }
0x185: {  	s20 =	sor.u32 s21, s20  }
0x186: {  	s20 =	sshrl.u32 s20, $0x3  }
0x187: {  	s20 =	sadd.s32 s3, s20  }
0x188: {  	[tilespmem:s16], [sflag:$0x1] =	stream.linear.gather [hbm4b:s20+s2], $0x80, $0x38;
	[tilespmem:$0x2080] =	vst v63  }
0x189: {  	_ =	swait.ge [sflag:s17], $0x80  }
0x18a: {  	[sflag:s17] =	ssyncset.done $0x0  }
0x18b: {  	[sflag:s17] =	ssyncadd.s32 $0xFFFFFF80  }
0x18c: {  	_ =	swait.ge [sflag:s17], $0x80  }
0x18d: {  	[sflag:s17] =	ssyncset.done $0x0  }
0x18e: {  	[sflag:s17] =	ssyncadd.s32 $0xFFFFFF80  }
0x18f: {  	_ =	swait.ge [sflag:s17], $0x80  }
0x190: {  	[sflag:s17] =	ssyncset.done $0x0  }
0x191: {  	[sflag:s17] =	ssyncadd.s32 $0xFFFFFF80  }
0x192: {  	_ =	swait.ge [sflag:s17], $0x80  }
0x193: {  	[sflag:s17] =	ssyncset.done $0x0  }
0x194: {  	[sflag:s17] =	ssyncadd.s32 $0xFFFFFF80  }
0x195: {  	_ =	swait.ge [sflag:s17], $0x80  }
0x196: {  	[sflag:s17] =	ssyncset.done $0x0  }
0x197: {  	[sflag:s17] =	ssyncadd.s32 $0xFFFFFF80  }
0x198: {  	_ =	swait.ge [sflag:s17], $0x80  }
0x199: {  	[sflag:s17] =	ssyncset.done $0x0  }
0x19a: {  	[sflag:s17] =	ssyncadd.s32 $0xFFFFFF80  }
0x19b: {  	_ =	swait.ge [sflag:s17], $0x80  }
0x19c: {  	[sflag:s17] =	ssyncset.done $0x0  }
0x19d: {  	v10 =	vcvt.s32.f32 v10;
	[sflag:s17] =	ssyncadd.s32 $0xFFFFFF80  }
0x19e: {  	v8 =	vcvt.s32.f32 v8;
	_ =	swait.ge [sflag:s17], $0x80  }
0x19f: {  	v10 =	vsel vm0, $0x0, v10;
	vm1 =	vmmov $0x1;
	[sflag:s17] =	ssyncset.done $0x0  }
0x1a0: {  	v8 =	vsel vm1, v8, v10;
	[sflag:s17] =	ssyncadd.s32 $0xFFFFFF80  }
0x1a1: {  	[tilespmem:$0x1CA0] =	vst v8  }
0x1a2: {  	[tilespmem:$0x1CB0] =	vst v7  }
0x1a3: {  	[tilespmem:$0x1CC0] =	vst v7  }
0x1a4: {  	[tilespmem:$0x1CD0] =	vst v7  }
0x1a5: {  	[tilespmem:$0x1CE0] =	vst v7  }
0x1a6: {  	[tilespmem:$0x1CF0] =	vst v7  }
0x1a7: {  	[tilespmem:$0x1D30] =	vst v7  }
0x1a8: {  	[tilespmem:$0x1D40] =	vst v7  }
0x1a9: {  	[tilespmem:$0x1D50] =	vst v7  }
0x1aa: {  	[tilespmem:$0x1D60] =	vst v7  }
0x1ab: {  	[tilespmem:$0x1D70] =	vst v7  }
0x1ac: {  	[tilespmem:$0x1DB0] =	vst v7  }
0x1ad: {  	[tilespmem:$0x1DC0] =	vst v7  }
0x1ae: {  	[tilespmem:$0x1DD0] =	vst v7  }
0x1af: {  	[tilespmem:$0x1DE0] =	vst v7  }
0x1b0: {  	[tilespmem:$0x1DF0] =	vst v7  }
0x1b1: {  	[tilespmem:$0x1E30] =	vst v7  }
0x1b2: {  	[tilespmem:$0x1E40] =	vst v7  }
0x1b3: {  	[tilespmem:$0x1E50] =	vst v7  }
0x1b4: {  	[tilespmem:$0x1E60] =	vst v7  }
0x1b5: {  	[tilespmem:$0x1E70] =	vst v7  }
0x1b6: {  	v8 =	vld [tilespmem:$0x1900];
	[tilespmem:$0x1EB0] =	vst v7  }
0x1b7: {  	[tilespmem:$0x1EC0] =	vst v7  }
0x1b8: {  	v13 =	vcvt.s32.f32 v13;
	[tilespmem:$0x1ED0] =	vst v7  }
0x1b9: {  	v9 =	vcvt.s32.f32 v9;
	[tilespmem:$0x1EE0] =	vst v7  }
0x1ba: {  	v13 =	vsel vm0, $0x0, v13;
	[tilespmem:$0x1EF0] =	vst v7  }
0x1bb: {  	[tilespmem:$0x1D00] =	vst v8;
	v8 =	vsel vm1, v9, v13  }
0x1bc: {  	[tilespmem:$0x1D20] =	vst v8;
	v8 =	vld [tilespmem:$0x1980]  }
0x1bd: {  	[tilespmem:$0x1F30] =	vst v7  }
0x1be: {  	v48 =	vcvt.s32.f32 v51;
	[tilespmem:$0x1F40] =	vst v7  }
0x1bf: {  	v11 =	vcvt.s32.f32 v11;
	[tilespmem:$0x1F50] =	vst v7  }
0x1c0: {  	v10 =	vsel vm0, $0x0, v48;
	[tilespmem:$0x1F60] =	vst v7  }
0x1c1: {  	[tilespmem:$0x1D80] =	vst v8;
	v8 =	vsel vm1, v11, v10  }
0x1c2: {  	[tilespmem:$0x1DA0] =	vst v8;
	v8 =	vld [tilespmem:$0x1A00]  }
0x1c3: {  	[tilespmem:$0x1F70] =	vst v7  }
0x1c4: {  	v50 =	vcvt.s32.f32 v15;
	[tilespmem:$0x1FB0] =	vst v7  }
0x1c5: {  	v51 =	vcvt.s32.f32 v12;
	[tilespmem:$0x1FC0] =	vst v7  }
0x1c6: {  	[tilespmem:$0x1FD0] =	vst v7;
	v10 =	vsel vm0, $0x0, v50  }
0x1c7: {  	[tilespmem:$0x1E00] =	vst v8;
	v8 =	vsel vm1, v51, v10  }
0x1c8: {  	[tilespmem:$0x1E20] =	vst v8;
	v8 =	vld [tilespmem:$0x1A80]  }
0x1c9: {  	[tilespmem:$0x1FE0] =	vst v7  }
0x1ca: {  	v53 =	vcvt.s32.f32 v17;
	[tilespmem:$0x1FF0] =	vst v7  }
0x1cb: {  	v54 =	vcvt.s32.f32 v16;
	[tilespmem:$0x2030] =	vst v7  }
0x1cc: {  	[tilespmem:$0x2040] =	vst v7;
	v10 =	vsel vm0, $0x0, v53  }
0x1cd: {  	v44 =	vld [tilespmem:$0x1880];
	[tilespmem:$0x1E80] =	vst v8;
	v8 =	vsel vm1, v54, v10  }
0x1ce: {  	[tilespmem:$0x1EA0] =	vst v8;
	v8 =	vld [tilespmem:$0x1B00]  }
0x1cf: {  	[tilespmem:$0x2050] =	vst v7  }
0x1d0: {  	v56 =	vcvt.s32.f32 v38;
	v45 =	vld [tilespmem:$0x1890];
	[tilespmem:$0x2060] =	vst v7  }
0x1d1: {  	v57 =	vcvt.s32.f32 v31;
	v46 =	vld [tilespmem:$0x1910];
	[tilespmem:$0x2070] =	vst v7  }
0x1d2: {  	v47 =	vld [tilespmem:$0x1990];
	[tilespmem:$0x1C80] =	vst v44;
	v10 =	vsel vm0, $0x0, v56  }
0x1d3: {  	v49 =	vld [tilespmem:$0x1A10];
	[tilespmem:$0x1F00] =	vst v8;
	v8 =	vsel vm1, v57, v10  }
0x1d4: {  	[tilespmem:$0x1F20] =	vst v8;
	v8 =	vld [tilespmem:$0x1B80]  }
0x1d5: {  	[tilespmem:$0x1C90] =	vst v45  }
0x1d6: {  	v59 =	vcvt.s32.f32 v22;
	v52 =	vld [tilespmem:$0x1A90];
	[tilespmem:$0x1D10] =	vst v46  }
0x1d7: {  	v60 =	vcvt.s32.f32 v20;
	v55 =	vld [tilespmem:$0x1B10];
	[tilespmem:$0x1D90] =	vst v47  }
0x1d8: {  	v58 =	vld [tilespmem:$0x1B90];
	[tilespmem:$0x1E10] =	vst v49;
	v10 =	vsel vm0, $0x0, v59  }
0x1d9: {  	v61 =	vld [tilespmem:$0x1C10];
	[tilespmem:$0x1F80] =	vst v8;
	v8 =	vsel vm1, v60, v10  }
0x1da: {  	[tilespmem:$0x1FA0] =	vst v8;
	v8 =	vld [tilespmem:$0x1C00]  }
0x1db: {  	[tilespmem:$0x1E90] =	vst v52  }
0x1dc: {  	v62 =	vcvt.s32.f32 v23;
	[tilespmem:$0x1F10] =	vst v55  }
0x1dd: {  	v63 =	vcvt.s32.f32 v21;
	[tilespmem:$0x1F90] =	vst v58  }
0x1de: {  	s19 =	sadd.s32 $0x1, s19;
	[tilespmem:$0x2010] =	vst v61;
	v10 =	vsel vm0, $0x0, v62  }
0x1df: {  	p0 =	sne.s32 s19, s7;
	[tilespmem:$0x2000] =	vst v8;
	v8 =	vsel vm1, v63, v10  }
.Ltmp8:
0x1e0: {  	[tilespmem:$0x2020] =	vst v8;
	(pc) =	sbr.rel @p0 .LBB2_1-.Ltmp8, $4  }
0x1e1: {  	[hbm4b:s6+s2] =	stream.linear.scatter [tilespmem:s18], [sflag:$0x2], $0x400, $0x38;
	[tilespmem:$0x2080] =	vst v63  }
0x1e2: {  	_ =	swait.ge [sflag:s8], $0x400  }
0x1e3: {  	[sflag:s8] =	ssyncset.done $0x0  }
0x1e4: {  	[sflag:s8] =	ssyncadd.s32 $0xFFFFFC00  }
0x1e5: {  	_ =	sfence.sel $0x180000  }
0x1e6: {  	[bflag:$0x0] =	sbarrier.arrive $0xFFFF  }
0x1e7: {  	p0 =	sne.s32 s0, $0x0;
	_ =	strace $0x90000047  }
0x1e8: {  	s0 =	sadd.s32 @!p0 $0x100000, s1;
	[bflag:$0x2] =	sbarrier.arrive $0xFFFF  }
0x1e9: {  	[sflag:s0] =	ssyncadd.tile.s32 @!p0 $0x1;
	_ =	shalt  }
.Lfunc_end2:
_tile_overlayer_lowered:
.L_overlay_start_2:
0x1ea: {  	(tag) =	ssettag $0x2  }
0x1eb: {  	s0 =	rddreg [dreg:$0x0];
	s2 =	stileid.u32  }
0x1ec: {  	s1 =	rddreg [dreg:$0x1];
	p0 =	sne.s32 s2, $0x0  }
0x1ed: {  	s3 =	rddreg [dreg:$0x2];
	[bflag:$0x3] =	sbarrier.arrive $0xFFFF;
	s2 =	simm.s32 @!p0 $0x1C02  }
0x1ee: {  	[timem:s3], [sflag:s2] =	dma.local @!p0 [hbm:s0], s1  }
0x1ef: {  	s0 =	simm.s32 @!p0 $0x2  }
0x1f0: {  	_ =	swait.ge @!p0 [sflag:s0], s1  }
0x1f1: {  	s1 =	ssub.s32 @!p0 $0x0, s1;
	[sflag:s0] =	ssyncset.done @!p0 $0x0  }
0x1f2: {  	[sflag:s0] =	ssyncadd.s32 @!p0 s1  }
0x1f3: {  	[bflag:$0x3] =	sbarrier.arrive $0xFFFF  }
0x1f4: {  	_ =	shalt  }

</sc_bundles>
